<compile_context>
chip_gen: v7x
topology: tpu7x:2x2x1
jax: 0.10.2.dev20260603
libtpu: 0.0.44.dev20260713+nightly
codegen_flags: <defaults>
</compile_context>

<pallas_src>
import functools

import numpy as np
import jax
import jax.numpy as jnp
from jax import lax
from jax.experimental import pallas as pl
from jax.experimental.pallas import tpu as pltpu
from jax.experimental.pallas import tpu_sc as plsc

_MASK_RATIO = 0.7
_NUM_CORES = 2
_NUM_SUBCORES = 16
_NW = _NUM_CORES * _NUM_SUBCORES


def _threefry2x32(k0, k1, x0, x1):
    rot = ((13, 15, 26, 6), (17, 29, 16, 24))
    ks = (np.uint32(k0), np.uint32(k1),
          np.uint32(k0) ^ np.uint32(k1) ^ np.uint32(0x1BD11BDA))
    x0 = (x0 + ks[0]).astype(np.uint32)
    x1 = (x1 + ks[1]).astype(np.uint32)
    for i in range(5):
        for r in rot[i % 2]:
            x0 = (x0 + x1).astype(np.uint32)
            x1 = ((x1 << np.uint32(r)) | (x1 >> np.uint32(32 - r))).astype(np.uint32)
            x1 = x1 ^ x0
        x0 = (x0 + ks[(i + 1) % 3]).astype(np.uint32)
        x1 = (x1 + ks[(i + 2) % 3] + np.uint32(i + 1)).astype(np.uint32)
    return x0, x1


def _np_uniform(seed, shape):
    n = int(np.prod(shape))
    k0 = np.uint32(np.uint64(seed) >> np.uint64(32))
    k1 = np.uint32(np.uint64(seed) & np.uint64(0xFFFFFFFF))
    hi = np.zeros(n, np.uint32)
    lo = np.arange(n, dtype=np.uint32)
    b0, b1 = _threefry2x32(k0, k1, hi, lo)
    bits = b0 ^ b1
    f = ((bits >> np.uint32(9)) | np.uint32(0x3F800000)).view(np.float32)
    f = f - np.float32(1.0)
    return np.maximum(np.float32(0.0), f).reshape(shape)


@functools.lru_cache(maxsize=None)
def _plan(B, L, D):
    T = L - 1
    n_mask = int(T * _MASK_RATIO)
    n_keep = T - n_mask
    noise = _np_uniform(1, (B, T))
    ids_shuffle = np.argsort(noise, axis=1, kind="stable").astype(np.int32)
    ids_keep = np.concatenate(
        [np.zeros((B, 1), np.int32), ids_shuffle[:, :n_keep] + 1], axis=1)
    ids_masked = ids_shuffle[:, n_keep:] + 1

    K = n_keep + 1
    G = 8
    assert K % G == 0
    gpb = K // G
    n_groups = B * gpb
    t_max = -(-n_groups // _NW)
    idx3d = np.zeros((_NW, 1, t_max * G), np.int32)
    for w in range(_NW):
        for t in range(t_max):
            g = t * _NW + w
            ge = g if g < n_groups else g - n_groups
            b, gl = divmod(ge, gpb)
            idx3d[w, 0, t * G:(t + 1) * G] = ids_keep[b, gl * G:(gl + 1) * G]
    return (n_keep, ids_keep, ids_masked, idx3d, G, gpb, t_max)


def _gather_kernel(B, L, D, K, G, gpb, t_max, width):
    mesh = plsc.VectorSubcoreMesh(core_axis_name="c", subcore_axis_name="s")
    n_groups = B * gpb

    @functools.partial(
        pl.kernel,
        out_type=jax.ShapeDtypeStruct((B, K, D), jnp.float32),
        mesh=mesh,
        compiler_params=pltpu.CompilerParams(use_tc_tiling_on_sc=True),
        scratch_types=[
            pltpu.VMEM((1, width), jnp.int32),
            pltpu.VMEM((G, B, D), jnp.float32),
            pltpu.SemaphoreType.DMA,
            pltpu.SemaphoreType.DMA,
            pltpu.SemaphoreType.DMA,
        ],
    )
    def k(xt_hbm, idx_hbm, out_hbm, idx_v, buf, gsem0, gsem1, osem):
        wid = lax.axis_index("s") * _NUM_CORES + lax.axis_index("c")
        pltpu.sync_copy(idx_hbm.at[wid], idx_v)
        H = G // 2

        def group_loc(t):
            g = t * _NW + wid
            ge = jnp.where(g < n_groups, g, g - n_groups)
            return ge // gpb, ge % gpb

        def run_group(t, sync_store):
            bt, gl = group_loc(t)
            h0 = pltpu.async_copy(
                xt_hbm.at[idx_v.at[0, pl.ds(t * G, H)]],
                buf.at[pl.ds(0, H)], gsem0)
            h1 = pltpu.async_copy(
                xt_hbm.at[idx_v.at[0, pl.ds(t * G + H, H)]],
                buf.at[pl.ds(H, H)], gsem1)
            h0.wait()
            h1.wait()
            if sync_store:
                pltpu.sync_copy(buf.at[:, bt], out_hbm.at[bt, pl.ds(gl * G, G)])
                return None
            return pltpu.async_copy(
                buf.at[:, bt], out_hbm.at[bt, pl.ds(gl * G, G)], osem)

        store = None
        full = n_groups // _NW
        for t in range(full):
            if store is not None:
                store.wait()
            store = run_group(t, sync_store=False)
        store.wait()
        if full < t_max:
            t = t_max - 1
            pl.when(t * _NW + wid < n_groups)(
                lambda: run_group(t, sync_store=True))

    return k


def kernel(x, padding_mask):
    B, L, D = x.shape
    n_keep, ids_keep, ids_masked, idx3d, G, gpb, t_max = _plan(B, L, D)
    K = n_keep + 1
    xt = jnp.transpose(x, (1, 0, 2))
    x_visible = _gather_kernel(B, L, D, K, G, gpb, t_max, idx3d.shape[-1])(
        xt, jnp.asarray(idx3d))
    vis_pad = jnp.zeros((B, K), dtype=padding_mask.dtype)
    return (x_visible, jnp.asarray(ids_keep), jnp.asarray(ids_masked),
            vis_pad)

# --- scband reference (transcript-rebuilt; emitter-appended) ---
"""Pipeline reference for scband-random-token-masking-11304353923700 (READ-ONLY COPY).

The authoritative reference and input builder live on the scoring server;
editing this copy changes nothing except your own understanding.
"""

import jax, jax.numpy as jnp
import numpy as np

MASK_RATIO = 0.7

def setup_inputs(seed: int = 0) -> dict:
    key = jax.random.key(seed)
    k1, k2 = jax.random.split(key)
    x = jax.random.normal(k1, (4, 2049, 2048), dtype=jnp.float32)
    padding_mask = jnp.zeros((4, 2049), dtype=jnp.bool_)
    return {"x": x, "padding_mask": padding_mask}

def reference(x, padding_mask):
    B, L, D = x.shape
    T = L - 1
    n_mask = int(T * MASK_RATIO)
    n_keep = T - n_mask
    # deterministic stand-in for torch.rand inside forward
    noise = jax.random.uniform(jax.random.key(1), (B, T), dtype=jnp.float32)
    data_pad = padding_mask[:, 1:]
    noise = noise + data_pad.astype(jnp.float32) * 1000000.0
    ids_shuffle = jnp.argsort(noise, axis=1)
    ids_keep_data = ids_shuffle[:, :n_keep]
    ids_mask_data = ids_shuffle[:, n_keep:]
    ids_keep_full = ids_keep_data + 1
    ids_mask_full = ids_mask_data + 1
    cls_idx = jnp.zeros((B, 1), dtype=ids_shuffle.dtype)
    ids_keep = jnp.concatenate([cls_idx, ids_keep_full], axis=1)
    ids_masked = ids_mask_full
    x_visible = jnp.take_along_axis(x, ids_keep[:, :, None], axis=1)
    vis_pad = jnp.take_along_axis(padding_mask, ids_keep, axis=1)
    return (x_visible, ids_keep, ids_masked, vis_pad)

if __name__ == "__main__":
    import jax
    _d = setup_inputs()
    print(jax.jit(kernel)(*tuple(_d.values())))

</pallas_src>

<mosaic_0001>
#map = affine_map<(d0, d1) -> (0, 0, 0)>
module attributes {stable_mosaic.version = 14 : i64} {
  func.func @k(%arg0: i32, %arg1: i32, %arg2: memref<2049x4x2048xf32, #tpu.memory_space<hbm>>, %arg3: memref<32x1x80xi32, #tpu.memory_space<hbm>>, %arg4: memref<4x616x2048xf32, #tpu.memory_space<hbm>>, %arg5: memref<1x80xi32, #tpu.memory_space<vmem>>, %arg6: memref<8x4x2048xf32, #tpu.memory_space<vmem>>, %arg7: memref<!tpu.dma_semaphore, #tpu.memory_space<semaphore_mem>>, %arg8: memref<!tpu.dma_semaphore, #tpu.memory_space<semaphore_mem>>, %arg9: memref<!tpu.dma_semaphore, #tpu.memory_space<semaphore_mem>>) attributes {dimension_semantics = [#tpu.dimension_semantics<core_parallel>, #tpu.dimension_semantics<subcore_parallel>], iteration_bounds = array<i64: 2, 16>, scalar_prefetch = 0 : i64, scratch_operands = 5 : i64, tpu.core_type = #tpu.core_type<sc_vector_subcore>, window_params = [{transform_indices = #map}, {transform_indices = #map}, {transform_indices = #map}]} {
    %mul3A = arith.constant 2 : i32
    %mul3A_0 = arith.muli %arg1, %mul3A : i32
    %add3A = arith.addi %mul3A_0, %arg0 : i32
    "tpu.region"() ({
      %run_scoped3A = tpu.sem_alloc : memref<!tpu.dma_semaphore, #tpu.memory_space<semaphore_mem>>
      %dma_start3A_1119 = arith.constant 0 : i32
      %dma_start3A_1120 = arith.constant 0 : i32
      %dma_start3A_1121 = tpu.memref_slice %arg3[%add3A, %dma_start3A_1119, %dma_start3A_1120] : memref<32x1x80xi32, #tpu.memory_space<hbm>> -> memref<1x1x80xi32, #tpu.memory_space<hbm>>
      %dma_start3A_1122 = tpu.memref_squeeze %dma_start3A_1121 : memref<1x1x80xi32, #tpu.memory_space<hbm>> -> memref<1x80xi32, #tpu.memory_space<hbm>>
      %dma_start3A_1123 = arith.constant 0 : i32
      %dma_start3A_1124 = arith.constant 0 : i32
      %dma_start3A_1125 = tpu.memref_slice %arg3[%add3A, %dma_start3A_1123, %dma_start3A_1124] : memref<32x1x80xi32, #tpu.memory_space<hbm>> -> memref<1x1x80xi32, #tpu.memory_space<hbm>>
      %dma_start3A_1126 = tpu.memref_squeeze %dma_start3A_1125 : memref<1x1x80xi32, #tpu.memory_space<hbm>> -> memref<1x80xi32, #tpu.memory_space<hbm>>
      tpu.enqueue_dma source(%dma_start3A_1126 : memref<1x80xi32, #tpu.memory_space<hbm>>) target(%arg5 : memref<1x80xi32, #tpu.memory_space<vmem>>) target_semaphore(%run_scoped3A : memref<!tpu.dma_semaphore, #tpu.memory_space<semaphore_mem>>)
      %dma_wait3A_1127 = arith.constant 0 : i32
      %dma_wait3A_1128 = arith.constant 0 : i32
      %dma_wait3A_1129 = tpu.memref_slice %arg3[%add3A, %dma_wait3A_1127, %dma_wait3A_1128] : memref<32x1x80xi32, #tpu.memory_space<hbm>> -> memref<1x1x80xi32, #tpu.memory_space<hbm>>
      %dma_wait3A_1130 = tpu.memref_squeeze %dma_wait3A_1129 : memref<1x1x80xi32, #tpu.memory_space<hbm>> -> memref<1x80xi32, #tpu.memory_space<hbm>>
      %dma_wait3A_1131 = arith.constant 0 : i32
      %dma_wait3A_1132 = arith.constant 0 : i32
      %dma_wait3A_1133 = tpu.memref_slice %arg3[%add3A, %dma_wait3A_1131, %dma_wait3A_1132] : memref<32x1x80xi32, #tpu.memory_space<hbm>> -> memref<1x1x80xi32, #tpu.memory_space<hbm>>
      %dma_wait3A_1134 = tpu.memref_squeeze %dma_wait3A_1133 : memref<1x1x80xi32, #tpu.memory_space<hbm>> -> memref<1x80xi32, #tpu.memory_space<hbm>>
      tpu.wait_dma2 semaphore(%run_scoped3A : memref<!tpu.dma_semaphore, #tpu.memory_space<semaphore_mem>>) src(%dma_wait3A_1134 : memref<1x80xi32, #tpu.memory_space<hbm>>) dst(%arg5 : memref<1x80xi32, #tpu.memory_space<vmem>>)
      tpu.yield
    }) : () -> ()
    %add3A_1 = arith.constant 0 : i32
    %add3A_2 = arith.addi %add3A_1, %add3A : i32
    %lt3A = arith.constant 308 : i32
    %lt3A_3 = arith.cmpi slt, %add3A_2, %lt3A : i32
    %sub3A = arith.constant 308 : i32
    %sub3A_4 = arith.subi %add3A_2, %sub3A : i32
    %select_n3A = arith.select %lt3A_3, %add3A_2, %sub3A_4 : i32
    %jit3A = arith.constant 77 : i32
    %div3A = arith.divsi %select_n3A, %jit3A : i32
    %sign3A = arith.constant 0 : i32
    %sign3A_5 = arith.cmpi sgt, %select_n3A, %sign3A : i32
    %sign3A_6 = arith.extui %sign3A_5 : i1 to i32
    %sign3A_7 = arith.constant 0 : i32
    %sign3A_8 = arith.cmpi slt, %select_n3A, %sign3A_7 : i32
    %sign3A_9 = arith.extui %sign3A_8 : i1 to i32
    %sign3A_10 = arith.subi %sign3A_6, %sign3A_9 : i32
    %sign3A_11 = arith.constant 0 : i32
    %sign3A_12 = arith.cmpi sgt, %jit3A, %sign3A_11 : i32
    %sign3A_13 = arith.extui %sign3A_12 : i1 to i32
    %sign3A_14 = arith.constant 0 : i32
    %sign3A_15 = arith.cmpi slt, %jit3A, %sign3A_14 : i32
    %sign3A_16 = arith.extui %sign3A_15 : i1 to i32
    %sign3A_17 = arith.subi %sign3A_13, %sign3A_16 : i32
    %ne3A = arith.cmpi ne, %sign3A_10, %sign3A_17 : i32
    %rem3A = arith.remsi %select_n3A, %jit3A : i32
    %ne3A_18 = arith.constant 0 : i32
    %ne3A_19 = arith.cmpi ne, %rem3A, %ne3A_18 : i32
    %and3A = arith.andi %ne3A, %ne3A_19 : i1
    %sub3A_20 = arith.constant 1 : i32
    %sub3A_21 = arith.subi %div3A, %sub3A_20 : i32
    %select_n3A_22 = arith.select %and3A, %sub3A_21, %div3A : i32
    %jit3A_23 = arith.constant 77 : i32
    %eq3A = arith.constant 0 : i32
    %eq3A_24 = arith.cmpi eq, %jit3A_23, %eq3A : i32
    %jit3A_25 = arith.constant 1 : i32
    %select_n3A_26 = arith.select %eq3A_24, %jit3A_25, %jit3A_23 : i32
    %rem3A_27 = arith.remsi %select_n3A, %select_n3A_26 : i32
    %ne3A_28 = arith.constant 0 : i32
    %ne3A_29 = arith.cmpi ne, %rem3A_27, %ne3A_28 : i32
    %lt3A_30 = arith.constant 0 : i32
    %lt3A_31 = arith.cmpi slt, %rem3A_27, %lt3A_30 : i32
    %lt3A_32 = arith.constant 0 : i32
    %lt3A_33 = arith.cmpi slt, %select_n3A_26, %lt3A_32 : i32
    %ne3A_34 = arith.xori %lt3A_31, %lt3A_33 : i1
    %and3A_35 = arith.andi %ne3A_34, %ne3A_29 : i1
    %add3A_36 = arith.addi %rem3A_27, %select_n3A_26 : i32
    %select_n3A_37 = arith.select %and3A_35, %add3A_36, %rem3A_27 : i32
    %dma_start3A = arith.constant 0 : i32
    %dma_start3A_38 = arith.constant 0 : i32
    %dma_start3A_39 = arith.constant 0 : i32
    %dma_start3A_40 = arith.constant 0 : i32
    %dma_start3A_41 = tpu.memref_slice %arg6[%dma_start3A_38, %dma_start3A_39, %dma_start3A_40] : memref<8x4x2048xf32, #tpu.memory_space<vmem>> -> memref<4x4x2048xf32, #tpu.memory_space<vmem>>
    %dma_start3A_42 = arith.constant 0 : i32
    %dma_start3A_43 = tpu.memref_slice %arg5[%dma_start3A, %dma_start3A_42] : memref<1x80xi32, #tpu.memory_space<vmem>> -> memref<1x4xi32, #tpu.memory_space<vmem>>
    %dma_start3A_44 = tpu.memref_squeeze %dma_start3A_43 : memref<1x4xi32, #tpu.memory_space<vmem>> -> memref<4xi32, #tpu.memory_space<vmem>>
    %dma_start3A_45 = arith.constant 0 : i32
    %dma_start3A_46 = arith.constant 0 : i32
    %dma_start3A_47 = arith.constant 0 : i32
    %dma_start3A_48 = tpu.memref_slice %arg2[%dma_start3A_45, %dma_start3A_46, %dma_start3A_47] : memref<2049x4x2048xf32, #tpu.memory_space<hbm>> -> memref<2049x4x2048xf32, #tpu.memory_space<hbm>>
    tpu.enqueue_indirect_dma source(%dma_start3A_48 : memref<2049x4x2048xf32, #tpu.memory_space<hbm>>) target(%dma_start3A_41 : memref<4x4x2048xf32, #tpu.memory_space<vmem>>) offsets(%dma_start3A_44 : memref<4xi32, #tpu.memory_space<vmem>>) semaphore(%arg7 : memref<!tpu.dma_semaphore, #tpu.memory_space<semaphore_mem>>)
    %dma_start3A_49 = arith.constant 0 : i32
    %dma_start3A_50 = arith.constant 4 : i32
    %dma_start3A_51 = arith.constant 0 : i32
    %dma_start3A_52 = arith.constant 0 : i32
    %dma_start3A_53 = tpu.memref_slice %arg6[%dma_start3A_50, %dma_start3A_51, %dma_start3A_52] : memref<8x4x2048xf32, #tpu.memory_space<vmem>> -> memref<4x4x2048xf32, #tpu.memory_space<vmem>>
    %dma_start3A_54 = arith.constant 4 : i32
    %dma_start3A_55 = tpu.memref_slice %arg5[%dma_start3A_49, %dma_start3A_54] : memref<1x80xi32, #tpu.memory_space<vmem>> -> memref<1x4xi32, #tpu.memory_space<vmem>>
    %dma_start3A_56 = tpu.memref_squeeze %dma_start3A_55 : memref<1x4xi32, #tpu.memory_space<vmem>> -> memref<4xi32, #tpu.memory_space<vmem>>
    %dma_start3A_57 = arith.constant 0 : i32
    %dma_start3A_58 = arith.constant 0 : i32
    %dma_start3A_59 = arith.constant 0 : i32
    %dma_start3A_60 = tpu.memref_slice %arg2[%dma_start3A_57, %dma_start3A_58, %dma_start3A_59] : memref<2049x4x2048xf32, #tpu.memory_space<hbm>> -> memref<2049x4x2048xf32, #tpu.memory_space<hbm>>
    tpu.enqueue_indirect_dma source(%dma_start3A_60 : memref<2049x4x2048xf32, #tpu.memory_space<hbm>>) target(%dma_start3A_53 : memref<4x4x2048xf32, #tpu.memory_space<vmem>>) offsets(%dma_start3A_56 : memref<4xi32, #tpu.memory_space<vmem>>) semaphore(%arg8 : memref<!tpu.dma_semaphore, #tpu.memory_space<semaphore_mem>>)
    %dma_wait3A = arith.constant 0 : i32
    %dma_wait3A_61 = arith.constant 0 : i32
    %dma_wait3A_62 = arith.constant 0 : i32
    %dma_wait3A_63 = arith.constant 0 : i32
    %dma_wait3A_64 = tpu.memref_slice %arg6[%dma_wait3A_61, %dma_wait3A_62, %dma_wait3A_63] : memref<8x4x2048xf32, #tpu.memory_space<vmem>> -> memref<4x4x2048xf32, #tpu.memory_space<vmem>>
    %dma_wait3A_65 = arith.constant 0 : i32
    %dma_wait3A_66 = tpu.memref_slice %arg5[%dma_wait3A, %dma_wait3A_65] : memref<1x80xi32, #tpu.memory_space<vmem>> -> memref<1x4xi32, #tpu.memory_space<vmem>>
    %dma_wait3A_67 = tpu.memref_squeeze %dma_wait3A_66 : memref<1x4xi32, #tpu.memory_space<vmem>> -> memref<4xi32, #tpu.memory_space<vmem>>
    %dma_wait3A_68 = arith.constant 0 : i32
    %dma_wait3A_69 = arith.constant 0 : i32
    %dma_wait3A_70 = arith.constant 0 : i32
    %dma_wait3A_71 = tpu.memref_slice %arg2[%dma_wait3A_68, %dma_wait3A_69, %dma_wait3A_70] : memref<2049x4x2048xf32, #tpu.memory_space<hbm>> -> memref<2049x4x2048xf32, #tpu.memory_space<hbm>>
    tpu.wait_indirect_dma semaphore(%arg7 : memref<!tpu.dma_semaphore, #tpu.memory_space<semaphore_mem>>) src(%dma_wait3A_71 : memref<2049x4x2048xf32, #tpu.memory_space<hbm>>) dst(%dma_wait3A_64 : memref<4x4x2048xf32, #tpu.memory_space<vmem>>)
    %dma_wait3A_72 = arith.constant 0 : i32
    %dma_wait3A_73 = arith.constant 4 : i32
    %dma_wait3A_74 = arith.constant 0 : i32
    %dma_wait3A_75 = arith.constant 0 : i32
    %dma_wait3A_76 = tpu.memref_slice %arg6[%dma_wait3A_73, %dma_wait3A_74, %dma_wait3A_75] : memref<8x4x2048xf32, #tpu.memory_space<vmem>> -> memref<4x4x2048xf32, #tpu.memory_space<vmem>>
    %dma_wait3A_77 = arith.constant 4 : i32
    %dma_wait3A_78 = tpu.memref_slice %arg5[%dma_wait3A_72, %dma_wait3A_77] : memref<1x80xi32, #tpu.memory_space<vmem>> -> memref<1x4xi32, #tpu.memory_space<vmem>>
    %dma_wait3A_79 = tpu.memref_squeeze %dma_wait3A_78 : memref<1x4xi32, #tpu.memory_space<vmem>> -> memref<4xi32, #tpu.memory_space<vmem>>
    %dma_wait3A_80 = arith.constant 0 : i32
    %dma_wait3A_81 = arith.constant 0 : i32
    %dma_wait3A_82 = arith.constant 0 : i32
    %dma_wait3A_83 = tpu.memref_slice %arg2[%dma_wait3A_80, %dma_wait3A_81, %dma_wait3A_82] : memref<2049x4x2048xf32, #tpu.memory_space<hbm>> -> memref<2049x4x2048xf32, #tpu.memory_space<hbm>>
    tpu.wait_indirect_dma semaphore(%arg8 : memref<!tpu.dma_semaphore, #tpu.memory_space<semaphore_mem>>) src(%dma_wait3A_83 : memref<2049x4x2048xf32, #tpu.memory_space<hbm>>) dst(%dma_wait3A_76 : memref<4x4x2048xf32, #tpu.memory_space<vmem>>)
    %mul3A_84 = arith.constant 8 : i32
    %mul3A_85 = arith.muli %select_n3A_37, %mul3A_84 : i32
    %dma_start3A_86 = arith.constant 0 : i32
    %dma_start3A_87 = arith.constant 0 : i32
    %dma_start3A_88 = tpu.memref_slice %arg6[%dma_start3A_86, %select_n3A_22, %dma_start3A_87] : memref<8x4x2048xf32, #tpu.memory_space<vmem>> -> memref<8x1x2048xf32, #tpu.memory_space<vmem>>
    %dma_start3A_89 = tpu.memref_squeeze %dma_start3A_88 : memref<8x1x2048xf32, #tpu.memory_space<vmem>> -> memref<8x2048xf32, #tpu.memory_space<vmem>>
    %dma_start3A_90 = arith.constant 0 : i32
    %dma_start3A_91 = tpu.memref_slice %arg4[%select_n3A_22, %mul3A_85, %dma_start3A_90] : memref<4x616x2048xf32, #tpu.memory_space<hbm>> -> memref<1x8x2048xf32, #tpu.memory_space<hbm>>
    %dma_start3A_92 = tpu.memref_squeeze %dma_start3A_91 : memref<1x8x2048xf32, #tpu.memory_space<hbm>> -> memref<8x2048xf32, #tpu.memory_space<hbm>>
    %dma_start3A_93 = arith.constant 0 : i32
    %dma_start3A_94 = tpu.memref_slice %arg4[%select_n3A_22, %mul3A_85, %dma_start3A_93] : memref<4x616x2048xf32, #tpu.memory_space<hbm>> -> memref<1x8x2048xf32, #tpu.memory_space<hbm>>
    %dma_start3A_95 = tpu.memref_squeeze %dma_start3A_94 : memref<1x8x2048xf32, #tpu.memory_space<hbm>> -> memref<8x2048xf32, #tpu.memory_space<hbm>>
    %dma_start3A_96 = arith.constant 0 : i32
    %dma_start3A_97 = arith.constant 0 : i32
    %dma_start3A_98 = tpu.memref_slice %arg6[%dma_start3A_96, %select_n3A_22, %dma_start3A_97] : memref<8x4x2048xf32, #tpu.memory_space<vmem>> -> memref<8x1x2048xf32, #tpu.memory_space<vmem>>
    %dma_start3A_99 = tpu.memref_squeeze %dma_start3A_98 : memref<8x1x2048xf32, #tpu.memory_space<vmem>> -> memref<8x2048xf32, #tpu.memory_space<vmem>>
    tpu.enqueue_dma source(%dma_start3A_99 : memref<8x2048xf32, #tpu.memory_space<vmem>>) target(%dma_start3A_95 : memref<8x2048xf32, #tpu.memory_space<hbm>>) target_semaphore(%arg9 : memref<!tpu.dma_semaphore, #tpu.memory_space<semaphore_mem>>)
    %dma_wait3A_100 = arith.constant 0 : i32
    %dma_wait3A_101 = arith.constant 0 : i32
    %dma_wait3A_102 = tpu.memref_slice %arg6[%dma_wait3A_100, %select_n3A_22, %dma_wait3A_101] : memref<8x4x2048xf32, #tpu.memory_space<vmem>> -> memref<8x1x2048xf32, #tpu.memory_space<vmem>>
    %dma_wait3A_103 = tpu.memref_squeeze %dma_wait3A_102 : memref<8x1x2048xf32, #tpu.memory_space<vmem>> -> memref<8x2048xf32, #tpu.memory_space<vmem>>
    %dma_wait3A_104 = arith.constant 0 : i32
    %dma_wait3A_105 = tpu.memref_slice %arg4[%select_n3A_22, %mul3A_85, %dma_wait3A_104] : memref<4x616x2048xf32, #tpu.memory_space<hbm>> -> memref<1x8x2048xf32, #tpu.memory_space<hbm>>
    %dma_wait3A_106 = tpu.memref_squeeze %dma_wait3A_105 : memref<1x8x2048xf32, #tpu.memory_space<hbm>> -> memref<8x2048xf32, #tpu.memory_space<hbm>>
    %dma_wait3A_107 = arith.constant 0 : i32
    %dma_wait3A_108 = tpu.memref_slice %arg4[%select_n3A_22, %mul3A_85, %dma_wait3A_107] : memref<4x616x2048xf32, #tpu.memory_space<hbm>> -> memref<1x8x2048xf32, #tpu.memory_space<hbm>>
    %dma_wait3A_109 = tpu.memref_squeeze %dma_wait3A_108 : memref<1x8x2048xf32, #tpu.memory_space<hbm>> -> memref<8x2048xf32, #tpu.memory_space<hbm>>
    %dma_wait3A_110 = arith.constant 0 : i32
    %dma_wait3A_111 = arith.constant 0 : i32
    %dma_wait3A_112 = tpu.memref_slice %arg6[%dma_wait3A_110, %select_n3A_22, %dma_wait3A_111] : memref<8x4x2048xf32, #tpu.memory_space<vmem>> -> memref<8x1x2048xf32, #tpu.memory_space<vmem>>
    %dma_wait3A_113 = tpu.memref_squeeze %dma_wait3A_112 : memref<8x1x2048xf32, #tpu.memory_space<vmem>> -> memref<8x2048xf32, #tpu.memory_space<vmem>>
    tpu.wait_dma2 semaphore(%arg9 : memref<!tpu.dma_semaphore, #tpu.memory_space<semaphore_mem>>) src(%dma_wait3A_113 : memref<8x2048xf32, #tpu.memory_space<vmem>>) dst(%dma_wait3A_109 : memref<8x2048xf32, #tpu.memory_space<hbm>>)
    %add3A_114 = arith.constant 32 : i32
    %add3A_115 = arith.addi %add3A_114, %add3A : i32
    %lt3A_116 = arith.constant 308 : i32
    %lt3A_117 = arith.cmpi slt, %add3A_115, %lt3A_116 : i32
    %sub3A_118 = arith.constant 308 : i32
    %sub3A_119 = arith.subi %add3A_115, %sub3A_118 : i32
    %select_n3A_120 = arith.select %lt3A_117, %add3A_115, %sub3A_119 : i32
    %jit3A_121 = arith.constant 77 : i32
    %div3A_122 = arith.divsi %select_n3A_120, %jit3A_121 : i32
    %sign3A_123 = arith.constant 0 : i32
    %sign3A_124 = arith.cmpi sgt, %select_n3A_120, %sign3A_123 : i32
    %sign3A_125 = arith.extui %sign3A_124 : i1 to i32
    %sign3A_126 = arith.constant 0 : i32
    %sign3A_127 = arith.cmpi slt, %select_n3A_120, %sign3A_126 : i32
    %sign3A_128 = arith.extui %sign3A_127 : i1 to i32
    %sign3A_129 = arith.subi %sign3A_125, %sign3A_128 : i32
    %sign3A_130 = arith.constant 0 : i32
    %sign3A_131 = arith.cmpi sgt, %jit3A_121, %sign3A_130 : i32
    %sign3A_132 = arith.extui %sign3A_131 : i1 to i32
    %sign3A_133 = arith.constant 0 : i32
    %sign3A_134 = arith.cmpi slt, %jit3A_121, %sign3A_133 : i32
    %sign3A_135 = arith.extui %sign3A_134 : i1 to i32
    %sign3A_136 = arith.subi %sign3A_132, %sign3A_135 : i32
    %ne3A_137 = arith.cmpi ne, %sign3A_129, %sign3A_136 : i32
    %rem3A_138 = arith.remsi %select_n3A_120, %jit3A_121 : i32
    %ne3A_139 = arith.constant 0 : i32
    %ne3A_140 = arith.cmpi ne, %rem3A_138, %ne3A_139 : i32
    %and3A_141 = arith.andi %ne3A_137, %ne3A_140 : i1
    %sub3A_142 = arith.constant 1 : i32
    %sub3A_143 = arith.subi %div3A_122, %sub3A_142 : i32
    %select_n3A_144 = arith.select %and3A_141, %sub3A_143, %div3A_122 : i32
    %jit3A_145 = arith.constant 77 : i32
    %eq3A_146 = arith.constant 0 : i32
    %eq3A_147 = arith.cmpi eq, %jit3A_145, %eq3A_146 : i32
    %jit3A_148 = arith.constant 1 : i32
    %select_n3A_149 = arith.select %eq3A_147, %jit3A_148, %jit3A_145 : i32
    %rem3A_150 = arith.remsi %select_n3A_120, %select_n3A_149 : i32
    %ne3A_151 = arith.constant 0 : i32
    %ne3A_152 = arith.cmpi ne, %rem3A_150, %ne3A_151 : i32
    %lt3A_153 = arith.constant 0 : i32
    %lt3A_154 = arith.cmpi slt, %rem3A_150, %lt3A_153 : i32
    %lt3A_155 = arith.constant 0 : i32
    %lt3A_156 = arith.cmpi slt, %select_n3A_149, %lt3A_155 : i32
    %ne3A_157 = arith.xori %lt3A_154, %lt3A_156 : i1
    %and3A_158 = arith.andi %ne3A_157, %ne3A_152 : i1
    %add3A_159 = arith.addi %rem3A_150, %select_n3A_149 : i32
    %select_n3A_160 = arith.select %and3A_158, %add3A_159, %rem3A_150 : i32
    %dma_start3A_161 = arith.constant 0 : i32
    %dma_start3A_162 = arith.constant 0 : i32
    %dma_start3A_163 = arith.constant 0 : i32
    %dma_start3A_164 = arith.constant 0 : i32
    %dma_start3A_165 = tpu.memref_slice %arg6[%dma_start3A_162, %dma_start3A_163, %dma_start3A_164] : memref<8x4x2048xf32, #tpu.memory_space<vmem>> -> memref<4x4x2048xf32, #tpu.memory_space<vmem>>
    %dma_start3A_166 = arith.constant 8 : i32
    %dma_start3A_167 = tpu.memref_slice %arg5[%dma_start3A_161, %dma_start3A_166] : memref<1x80xi32, #tpu.memory_space<vmem>> -> memref<1x4xi32, #tpu.memory_space<vmem>>
    %dma_start3A_168 = tpu.memref_squeeze %dma_start3A_167 : memref<1x4xi32, #tpu.memory_space<vmem>> -> memref<4xi32, #tpu.memory_space<vmem>>
    %dma_start3A_169 = arith.constant 0 : i32
    %dma_start3A_170 = arith.constant 0 : i32
    %dma_start3A_171 = arith.constant 0 : i32
    %dma_start3A_172 = tpu.memref_slice %arg2[%dma_start3A_169, %dma_start3A_170, %dma_start3A_171] : memref<2049x4x2048xf32, #tpu.memory_space<hbm>> -> memref<2049x4x2048xf32, #tpu.memory_space<hbm>>
    tpu.enqueue_indirect_dma source(%dma_start3A_172 : memref<2049x4x2048xf32, #tpu.memory_space<hbm>>) target(%dma_start3A_165 : memref<4x4x2048xf32, #tpu.memory_space<vmem>>) offsets(%dma_start3A_168 : memref<4xi32, #tpu.memory_space<vmem>>) semaphore(%arg7 : memref<!tpu.dma_semaphore, #tpu.memory_space<semaphore_mem>>)
    %dma_start3A_173 = arith.constant 0 : i32
    %dma_start3A_174 = arith.constant 4 : i32
    %dma_start3A_175 = arith.constant 0 : i32
    %dma_start3A_176 = arith.constant 0 : i32
    %dma_start3A_177 = tpu.memref_slice %arg6[%dma_start3A_174, %dma_start3A_175, %dma_start3A_176] : memref<8x4x2048xf32, #tpu.memory_space<vmem>> -> memref<4x4x2048xf32, #tpu.memory_space<vmem>>
    %dma_start3A_178 = arith.constant 12 : i32
    %dma_start3A_179 = tpu.memref_slice %arg5[%dma_start3A_173, %dma_start3A_178] : memref<1x80xi32, #tpu.memory_space<vmem>> -> memref<1x4xi32, #tpu.memory_space<vmem>>
    %dma_start3A_180 = tpu.memref_squeeze %dma_start3A_179 : memref<1x4xi32, #tpu.memory_space<vmem>> -> memref<4xi32, #tpu.memory_space<vmem>>
    %dma_start3A_181 = arith.constant 0 : i32
    %dma_start3A_182 = arith.constant 0 : i32
    %dma_start3A_183 = arith.constant 0 : i32
    %dma_start3A_184 = tpu.memref_slice %arg2[%dma_start3A_181, %dma_start3A_182, %dma_start3A_183] : memref<2049x4x2048xf32, #tpu.memory_space<hbm>> -> memref<2049x4x2048xf32, #tpu.memory_space<hbm>>
    tpu.enqueue_indirect_dma source(%dma_start3A_184 : memref<2049x4x2048xf32, #tpu.memory_space<hbm>>) target(%dma_start3A_177 : memref<4x4x2048xf32, #tpu.memory_space<vmem>>) offsets(%dma_start3A_180 : memref<4xi32, #tpu.memory_space<vmem>>) semaphore(%arg8 : memref<!tpu.dma_semaphore, #tpu.memory_space<semaphore_mem>>)
    %dma_wait3A_185 = arith.constant 0 : i32
    %dma_wait3A_186 = arith.constant 0 : i32
    %dma_wait3A_187 = arith.constant 0 : i32
    %dma_wait3A_188 = arith.constant 0 : i32
    %dma_wait3A_189 = tpu.memref_slice %arg6[%dma_wait3A_186, %dma_wait3A_187, %dma_wait3A_188] : memref<8x4x2048xf32, #tpu.memory_space<vmem>> -> memref<4x4x2048xf32, #tpu.memory_space<vmem>>
    %dma_wait3A_190 = arith.constant 8 : i32
    %dma_wait3A_191 = tpu.memref_slice %arg5[%dma_wait3A_185, %dma_wait3A_190] : memref<1x80xi32, #tpu.memory_space<vmem>> -> memref<1x4xi32, #tpu.memory_space<vmem>>
    %dma_wait3A_192 = tpu.memref_squeeze %dma_wait3A_191 : memref<1x4xi32, #tpu.memory_space<vmem>> -> memref<4xi32, #tpu.memory_space<vmem>>
    %dma_wait3A_193 = arith.constant 0 : i32
    %dma_wait3A_194 = arith.constant 0 : i32
    %dma_wait3A_195 = arith.constant 0 : i32
    %dma_wait3A_196 = tpu.memref_slice %arg2[%dma_wait3A_193, %dma_wait3A_194, %dma_wait3A_195] : memref<2049x4x2048xf32, #tpu.memory_space<hbm>> -> memref<2049x4x2048xf32, #tpu.memory_space<hbm>>
    tpu.wait_indirect_dma semaphore(%arg7 : memref<!tpu.dma_semaphore, #tpu.memory_space<semaphore_mem>>) src(%dma_wait3A_196 : memref<2049x4x2048xf32, #tpu.memory_space<hbm>>) dst(%dma_wait3A_189 : memref<4x4x2048xf32, #tpu.memory_space<vmem>>)
    %dma_wait3A_197 = arith.constant 0 : i32
    %dma_wait3A_198 = arith.constant 4 : i32
    %dma_wait3A_199 = arith.constant 0 : i32
    %dma_wait3A_200 = arith.constant 0 : i32
    %dma_wait3A_201 = tpu.memref_slice %arg6[%dma_wait3A_198, %dma_wait3A_199, %dma_wait3A_200] : memref<8x4x2048xf32, #tpu.memory_space<vmem>> -> memref<4x4x2048xf32, #tpu.memory_space<vmem>>
    %dma_wait3A_202 = arith.constant 12 : i32
    %dma_wait3A_203 = tpu.memref_slice %arg5[%dma_wait3A_197, %dma_wait3A_202] : memref<1x80xi32, #tpu.memory_space<vmem>> -> memref<1x4xi32, #tpu.memory_space<vmem>>
    %dma_wait3A_204 = tpu.memref_squeeze %dma_wait3A_203 : memref<1x4xi32, #tpu.memory_space<vmem>> -> memref<4xi32, #tpu.memory_space<vmem>>
    %dma_wait3A_205 = arith.constant 0 : i32
    %dma_wait3A_206 = arith.constant 0 : i32
    %dma_wait3A_207 = arith.constant 0 : i32
    %dma_wait3A_208 = tpu.memref_slice %arg2[%dma_wait3A_205, %dma_wait3A_206, %dma_wait3A_207] : memref<2049x4x2048xf32, #tpu.memory_space<hbm>> -> memref<2049x4x2048xf32, #tpu.memory_space<hbm>>
    tpu.wait_indirect_dma semaphore(%arg8 : memref<!tpu.dma_semaphore, #tpu.memory_space<semaphore_mem>>) src(%dma_wait3A_208 : memref<2049x4x2048xf32, #tpu.memory_space<hbm>>) dst(%dma_wait3A_201 : memref<4x4x2048xf32, #tpu.memory_space<vmem>>)
    %mul3A_209 = arith.constant 8 : i32
    %mul3A_210 = arith.muli %select_n3A_160, %mul3A_209 : i32
    %dma_start3A_211 = arith.constant 0 : i32
    %dma_start3A_212 = arith.constant 0 : i32
    %dma_start3A_213 = tpu.memref_slice %arg6[%dma_start3A_211, %select_n3A_144, %dma_start3A_212] : memref<8x4x2048xf32, #tpu.memory_space<vmem>> -> memref<8x1x2048xf32, #tpu.memory_space<vmem>>
    %dma_start3A_214 = tpu.memref_squeeze %dma_start3A_213 : memref<8x1x2048xf32, #tpu.memory_space<vmem>> -> memref<8x2048xf32, #tpu.memory_space<vmem>>
    %dma_start3A_215 = arith.constant 0 : i32
    %dma_start3A_216 = tpu.memref_slice %arg4[%select_n3A_144, %mul3A_210, %dma_start3A_215] : memref<4x616x2048xf32, #tpu.memory_space<hbm>> -> memref<1x8x2048xf32, #tpu.memory_space<hbm>>
    %dma_start3A_217 = tpu.memref_squeeze %dma_start3A_216 : memref<1x8x2048xf32, #tpu.memory_space<hbm>> -> memref<8x2048xf32, #tpu.memory_space<hbm>>
    %dma_start3A_218 = arith.constant 0 : i32
    %dma_start3A_219 = tpu.memref_slice %arg4[%select_n3A_144, %mul3A_210, %dma_start3A_218] : memref<4x616x2048xf32, #tpu.memory_space<hbm>> -> memref<1x8x2048xf32, #tpu.memory_space<hbm>>
    %dma_start3A_220 = tpu.memref_squeeze %dma_start3A_219 : memref<1x8x2048xf32, #tpu.memory_space<hbm>> -> memref<8x2048xf32, #tpu.memory_space<hbm>>
    %dma_start3A_221 = arith.constant 0 : i32
    %dma_start3A_222 = arith.constant 0 : i32
    %dma_start3A_223 = tpu.memref_slice %arg6[%dma_start3A_221, %select_n3A_144, %dma_start3A_222] : memref<8x4x2048xf32, #tpu.memory_space<vmem>> -> memref<8x1x2048xf32, #tpu.memory_space<vmem>>
    %dma_start3A_224 = tpu.memref_squeeze %dma_start3A_223 : memref<8x1x2048xf32, #tpu.memory_space<vmem>> -> memref<8x2048xf32, #tpu.memory_space<vmem>>
    tpu.enqueue_dma source(%dma_start3A_224 : memref<8x2048xf32, #tpu.memory_space<vmem>>) target(%dma_start3A_220 : memref<8x2048xf32, #tpu.memory_space<hbm>>) target_semaphore(%arg9 : memref<!tpu.dma_semaphore, #tpu.memory_space<semaphore_mem>>)
    %dma_wait3A_225 = arith.constant 0 : i32
    %dma_wait3A_226 = arith.constant 0 : i32
    %dma_wait3A_227 = tpu.memref_slice %arg6[%dma_wait3A_225, %select_n3A_144, %dma_wait3A_226] : memref<8x4x2048xf32, #tpu.memory_space<vmem>> -> memref<8x1x2048xf32, #tpu.memory_space<vmem>>
    %dma_wait3A_228 = tpu.memref_squeeze %dma_wait3A_227 : memref<8x1x2048xf32, #tpu.memory_space<vmem>> -> memref<8x2048xf32, #tpu.memory_space<vmem>>
    %dma_wait3A_229 = arith.constant 0 : i32
    %dma_wait3A_230 = tpu.memref_slice %arg4[%select_n3A_144, %mul3A_210, %dma_wait3A_229] : memref<4x616x2048xf32, #tpu.memory_space<hbm>> -> memref<1x8x2048xf32, #tpu.memory_space<hbm>>
    %dma_wait3A_231 = tpu.memref_squeeze %dma_wait3A_230 : memref<1x8x2048xf32, #tpu.memory_space<hbm>> -> memref<8x2048xf32, #tpu.memory_space<hbm>>
    %dma_wait3A_232 = arith.constant 0 : i32
    %dma_wait3A_233 = tpu.memref_slice %arg4[%select_n3A_144, %mul3A_210, %dma_wait3A_232] : memref<4x616x2048xf32, #tpu.memory_space<hbm>> -> memref<1x8x2048xf32, #tpu.memory_space<hbm>>
    %dma_wait3A_234 = tpu.memref_squeeze %dma_wait3A_233 : memref<1x8x2048xf32, #tpu.memory_space<hbm>> -> memref<8x2048xf32, #tpu.memory_space<hbm>>
    %dma_wait3A_235 = arith.constant 0 : i32
    %dma_wait3A_236 = arith.constant 0 : i32
    %dma_wait3A_237 = tpu.memref_slice %arg6[%dma_wait3A_235, %select_n3A_144, %dma_wait3A_236] : memref<8x4x2048xf32, #tpu.memory_space<vmem>> -> memref<8x1x2048xf32, #tpu.memory_space<vmem>>
    %dma_wait3A_238 = tpu.memref_squeeze %dma_wait3A_237 : memref<8x1x2048xf32, #tpu.memory_space<vmem>> -> memref<8x2048xf32, #tpu.memory_space<vmem>>
    tpu.wait_dma2 semaphore(%arg9 : memref<!tpu.dma_semaphore, #tpu.memory_space<semaphore_mem>>) src(%dma_wait3A_238 : memref<8x2048xf32, #tpu.memory_space<vmem>>) dst(%dma_wait3A_234 : memref<8x2048xf32, #tpu.memory_space<hbm>>)
    %add3A_239 = arith.constant 64 : i32
    %add3A_240 = arith.addi %add3A_239, %add3A : i32
    %lt3A_241 = arith.constant 308 : i32
    %lt3A_242 = arith.cmpi slt, %add3A_240, %lt3A_241 : i32
    %sub3A_243 = arith.constant 308 : i32
    %sub3A_244 = arith.subi %add3A_240, %sub3A_243 : i32
    %select_n3A_245 = arith.select %lt3A_242, %add3A_240, %sub3A_244 : i32
    %jit3A_246 = arith.constant 77 : i32
    %div3A_247 = arith.divsi %select_n3A_245, %jit3A_246 : i32
    %sign3A_248 = arith.constant 0 : i32
    %sign3A_249 = arith.cmpi sgt, %select_n3A_245, %sign3A_248 : i32
    %sign3A_250 = arith.extui %sign3A_249 : i1 to i32
    %sign3A_251 = arith.constant 0 : i32
    %sign3A_252 = arith.cmpi slt, %select_n3A_245, %sign3A_251 : i32
    %sign3A_253 = arith.extui %sign3A_252 : i1 to i32
    %sign3A_254 = arith.subi %sign3A_250, %sign3A_253 : i32
    %sign3A_255 = arith.constant 0 : i32
    %sign3A_256 = arith.cmpi sgt, %jit3A_246, %sign3A_255 : i32
    %sign3A_257 = arith.extui %sign3A_256 : i1 to i32
    %sign3A_258 = arith.constant 0 : i32
    %sign3A_259 = arith.cmpi slt, %jit3A_246, %sign3A_258 : i32
    %sign3A_260 = arith.extui %sign3A_259 : i1 to i32
    %sign3A_261 = arith.subi %sign3A_257, %sign3A_260 : i32
    %ne3A_262 = arith.cmpi ne, %sign3A_254, %sign3A_261 : i32
    %rem3A_263 = arith.remsi %select_n3A_245, %jit3A_246 : i32
    %ne3A_264 = arith.constant 0 : i32
    %ne3A_265 = arith.cmpi ne, %rem3A_263, %ne3A_264 : i32
    %and3A_266 = arith.andi %ne3A_262, %ne3A_265 : i1
    %sub3A_267 = arith.constant 1 : i32
    %sub3A_268 = arith.subi %div3A_247, %sub3A_267 : i32
    %select_n3A_269 = arith.select %and3A_266, %sub3A_268, %div3A_247 : i32
    %jit3A_270 = arith.constant 77 : i32
    %eq3A_271 = arith.constant 0 : i32
    %eq3A_272 = arith.cmpi eq, %jit3A_270, %eq3A_271 : i32
    %jit3A_273 = arith.constant 1 : i32
    %select_n3A_274 = arith.select %eq3A_272, %jit3A_273, %jit3A_270 : i32
    %rem3A_275 = arith.remsi %select_n3A_245, %select_n3A_274 : i32
    %ne3A_276 = arith.constant 0 : i32
    %ne3A_277 = arith.cmpi ne, %rem3A_275, %ne3A_276 : i32
    %lt3A_278 = arith.constant 0 : i32
    %lt3A_279 = arith.cmpi slt, %rem3A_275, %lt3A_278 : i32
    %lt3A_280 = arith.constant 0 : i32
    %lt3A_281 = arith.cmpi slt, %select_n3A_274, %lt3A_280 : i32
    %ne3A_282 = arith.xori %lt3A_279, %lt3A_281 : i1
    %and3A_283 = arith.andi %ne3A_282, %ne3A_277 : i1
    %add3A_284 = arith.addi %rem3A_275, %select_n3A_274 : i32
    %select_n3A_285 = arith.select %and3A_283, %add3A_284, %rem3A_275 : i32
    %dma_start3A_286 = arith.constant 0 : i32
    %dma_start3A_287 = arith.constant 0 : i32
    %dma_start3A_288 = arith.constant 0 : i32
    %dma_start3A_289 = arith.constant 0 : i32
    %dma_start3A_290 = tpu.memref_slice %arg6[%dma_start3A_287, %dma_start3A_288, %dma_start3A_289] : memref<8x4x2048xf32, #tpu.memory_space<vmem>> -> memref<4x4x2048xf32, #tpu.memory_space<vmem>>
    %dma_start3A_291 = arith.constant 16 : i32
    %dma_start3A_292 = tpu.memref_slice %arg5[%dma_start3A_286, %dma_start3A_291] : memref<1x80xi32, #tpu.memory_space<vmem>> -> memref<1x4xi32, #tpu.memory_space<vmem>>
    %dma_start3A_293 = tpu.memref_squeeze %dma_start3A_292 : memref<1x4xi32, #tpu.memory_space<vmem>> -> memref<4xi32, #tpu.memory_space<vmem>>
    %dma_start3A_294 = arith.constant 0 : i32
    %dma_start3A_295 = arith.constant 0 : i32
    %dma_start3A_296 = arith.constant 0 : i32
    %dma_start3A_297 = tpu.memref_slice %arg2[%dma_start3A_294, %dma_start3A_295, %dma_start3A_296] : memref<2049x4x2048xf32, #tpu.memory_space<hbm>> -> memref<2049x4x2048xf32, #tpu.memory_space<hbm>>
    tpu.enqueue_indirect_dma source(%dma_start3A_297 : memref<2049x4x2048xf32, #tpu.memory_space<hbm>>) target(%dma_start3A_290 : memref<4x4x2048xf32, #tpu.memory_space<vmem>>) offsets(%dma_start3A_293 : memref<4xi32, #tpu.memory_space<vmem>>) semaphore(%arg7 : memref<!tpu.dma_semaphore, #tpu.memory_space<semaphore_mem>>)
    %dma_start3A_298 = arith.constant 0 : i32
    %dma_start3A_299 = arith.constant 4 : i32
    %dma_start3A_300 = arith.constant 0 : i32
    %dma_start3A_301 = arith.constant 0 : i32
    %dma_start3A_302 = tpu.memref_slice %arg6[%dma_start3A_299, %dma_start3A_300, %dma_start3A_301] : memref<8x4x2048xf32, #tpu.memory_space<vmem>> -> memref<4x4x2048xf32, #tpu.memory_space<vmem>>
    %dma_start3A_303 = arith.constant 20 : i32
    %dma_start3A_304 = tpu.memref_slice %arg5[%dma_start3A_298, %dma_start3A_303] : memref<1x80xi32, #tpu.memory_space<vmem>> -> memref<1x4xi32, #tpu.memory_space<vmem>>
    %dma_start3A_305 = tpu.memref_squeeze %dma_start3A_304 : memref<1x4xi32, #tpu.memory_space<vmem>> -> memref<4xi32, #tpu.memory_space<vmem>>
    %dma_start3A_306 = arith.constant 0 : i32
    %dma_start3A_307 = arith.constant 0 : i32
    %dma_start3A_308 = arith.constant 0 : i32
    %dma_start3A_309 = tpu.memref_slice %arg2[%dma_start3A_306, %dma_start3A_307, %dma_start3A_308] : memref<2049x4x2048xf32, #tpu.memory_space<hbm>> -> memref<2049x4x2048xf32, #tpu.memory_space<hbm>>
    tpu.enqueue_indirect_dma source(%dma_start3A_309 : memref<2049x4x2048xf32, #tpu.memory_space<hbm>>) target(%dma_start3A_302 : memref<4x4x2048xf32, #tpu.memory_space<vmem>>) offsets(%dma_start3A_305 : memref<4xi32, #tpu.memory_space<vmem>>) semaphore(%arg8 : memref<!tpu.dma_semaphore, #tpu.memory_space<semaphore_mem>>)
    %dma_wait3A_310 = arith.constant 0 : i32
    %dma_wait3A_311 = arith.constant 0 : i32
    %dma_wait3A_312 = arith.constant 0 : i32
    %dma_wait3A_313 = arith.constant 0 : i32
    %dma_wait3A_314 = tpu.memref_slice %arg6[%dma_wait3A_311, %dma_wait3A_312, %dma_wait3A_313] : memref<8x4x2048xf32, #tpu.memory_space<vmem>> -> memref<4x4x2048xf32, #tpu.memory_space<vmem>>
    %dma_wait3A_315 = arith.constant 16 : i32
    %dma_wait3A_316 = tpu.memref_slice %arg5[%dma_wait3A_310, %dma_wait3A_315] : memref<1x80xi32, #tpu.memory_space<vmem>> -> memref<1x4xi32, #tpu.memory_space<vmem>>
    %dma_wait3A_317 = tpu.memref_squeeze %dma_wait3A_316 : memref<1x4xi32, #tpu.memory_space<vmem>> -> memref<4xi32, #tpu.memory_space<vmem>>
    %dma_wait3A_318 = arith.constant 0 : i32
    %dma_wait3A_319 = arith.constant 0 : i32
    %dma_wait3A_320 = arith.constant 0 : i32
    %dma_wait3A_321 = tpu.memref_slice %arg2[%dma_wait3A_318, %dma_wait3A_319, %dma_wait3A_320] : memref<2049x4x2048xf32, #tpu.memory_space<hbm>> -> memref<2049x4x2048xf32, #tpu.memory_space<hbm>>
    tpu.wait_indirect_dma semaphore(%arg7 : memref<!tpu.dma_semaphore, #tpu.memory_space<semaphore_mem>>) src(%dma_wait3A_321 : memref<2049x4x2048xf32, #tpu.memory_space<hbm>>) dst(%dma_wait3A_314 : memref<4x4x2048xf32, #tpu.memory_space<vmem>>)
    %dma_wait3A_322 = arith.constant 0 : i32
    %dma_wait3A_323 = arith.constant 4 : i32
    %dma_wait3A_324 = arith.constant 0 : i32
    %dma_wait3A_325 = arith.constant 0 : i32
    %dma_wait3A_326 = tpu.memref_slice %arg6[%dma_wait3A_323, %dma_wait3A_324, %dma_wait3A_325] : memref<8x4x2048xf32, #tpu.memory_space<vmem>> -> memref<4x4x2048xf32, #tpu.memory_space<vmem>>
    %dma_wait3A_327 = arith.constant 20 : i32
    %dma_wait3A_328 = tpu.memref_slice %arg5[%dma_wait3A_322, %dma_wait3A_327] : memref<1x80xi32, #tpu.memory_space<vmem>> -> memref<1x4xi32, #tpu.memory_space<vmem>>
    %dma_wait3A_329 = tpu.memref_squeeze %dma_wait3A_328 : memref<1x4xi32, #tpu.memory_space<vmem>> -> memref<4xi32, #tpu.memory_space<vmem>>
    %dma_wait3A_330 = arith.constant 0 : i32
    %dma_wait3A_331 = arith.constant 0 : i32
    %dma_wait3A_332 = arith.constant 0 : i32
    %dma_wait3A_333 = tpu.memref_slice %arg2[%dma_wait3A_330, %dma_wait3A_331, %dma_wait3A_332] : memref<2049x4x2048xf32, #tpu.memory_space<hbm>> -> memref<2049x4x2048xf32, #tpu.memory_space<hbm>>
    tpu.wait_indirect_dma semaphore(%arg8 : memref<!tpu.dma_semaphore, #tpu.memory_space<semaphore_mem>>) src(%dma_wait3A_333 : memref<2049x4x2048xf32, #tpu.memory_space<hbm>>) dst(%dma_wait3A_326 : memref<4x4x2048xf32, #tpu.memory_space<vmem>>)
    %mul3A_334 = arith.constant 8 : i32
    %mul3A_335 = arith.muli %select_n3A_285, %mul3A_334 : i32
    %dma_start3A_336 = arith.constant 0 : i32
    %dma_start3A_337 = arith.constant 0 : i32
    %dma_start3A_338 = tpu.memref_slice %arg6[%dma_start3A_336, %select_n3A_269, %dma_start3A_337] : memref<8x4x2048xf32, #tpu.memory_space<vmem>> -> memref<8x1x2048xf32, #tpu.memory_space<vmem>>
    %dma_start3A_339 = tpu.memref_squeeze %dma_start3A_338 : memref<8x1x2048xf32, #tpu.memory_space<vmem>> -> memref<8x2048xf32, #tpu.memory_space<vmem>>
    %dma_start3A_340 = arith.constant 0 : i32
    %dma_start3A_341 = tpu.memref_slice %arg4[%select_n3A_269, %mul3A_335, %dma_start3A_340] : memref<4x616x2048xf32, #tpu.memory_space<hbm>> -> memref<1x8x2048xf32, #tpu.memory_space<hbm>>
    %dma_start3A_342 = tpu.memref_squeeze %dma_start3A_341 : memref<1x8x2048xf32, #tpu.memory_space<hbm>> -> memref<8x2048xf32, #tpu.memory_space<hbm>>
    %dma_start3A_343 = arith.constant 0 : i32
    %dma_start3A_344 = tpu.memref_slice %arg4[%select_n3A_269, %mul3A_335, %dma_start3A_343] : memref<4x616x2048xf32, #tpu.memory_space<hbm>> -> memref<1x8x2048xf32, #tpu.memory_space<hbm>>
    %dma_start3A_345 = tpu.memref_squeeze %dma_start3A_344 : memref<1x8x2048xf32, #tpu.memory_space<hbm>> -> memref<8x2048xf32, #tpu.memory_space<hbm>>
    %dma_start3A_346 = arith.constant 0 : i32
    %dma_start3A_347 = arith.constant 0 : i32
    %dma_start3A_348 = tpu.memref_slice %arg6[%dma_start3A_346, %select_n3A_269, %dma_start3A_347] : memref<8x4x2048xf32, #tpu.memory_space<vmem>> -> memref<8x1x2048xf32, #tpu.memory_space<vmem>>
    %dma_start3A_349 = tpu.memref_squeeze %dma_start3A_348 : memref<8x1x2048xf32, #tpu.memory_space<vmem>> -> memref<8x2048xf32, #tpu.memory_space<vmem>>
    tpu.enqueue_dma source(%dma_start3A_349 : memref<8x2048xf32, #tpu.memory_space<vmem>>) target(%dma_start3A_345 : memref<8x2048xf32, #tpu.memory_space<hbm>>) target_semaphore(%arg9 : memref<!tpu.dma_semaphore, #tpu.memory_space<semaphore_mem>>)
    %dma_wait3A_350 = arith.constant 0 : i32
    %dma_wait3A_351 = arith.constant 0 : i32
    %dma_wait3A_352 = tpu.memref_slice %arg6[%dma_wait3A_350, %select_n3A_269, %dma_wait3A_351] : memref<8x4x2048xf32, #tpu.memory_space<vmem>> -> memref<8x1x2048xf32, #tpu.memory_space<vmem>>
    %dma_wait3A_353 = tpu.memref_squeeze %dma_wait3A_352 : memref<8x1x2048xf32, #tpu.memory_space<vmem>> -> memref<8x2048xf32, #tpu.memory_space<vmem>>
    %dma_wait3A_354 = arith.constant 0 : i32
    %dma_wait3A_355 = tpu.memref_slice %arg4[%select_n3A_269, %mul3A_335, %dma_wait3A_354] : memref<4x616x2048xf32, #tpu.memory_space<hbm>> -> memref<1x8x2048xf32, #tpu.memory_space<hbm>>
    %dma_wait3A_356 = tpu.memref_squeeze %dma_wait3A_355 : memref<1x8x2048xf32, #tpu.memory_space<hbm>> -> memref<8x2048xf32, #tpu.memory_space<hbm>>
    %dma_wait3A_357 = arith.constant 0 : i32
    %dma_wait3A_358 = tpu.memref_slice %arg4[%select_n3A_269, %mul3A_335, %dma_wait3A_357] : memref<4x616x2048xf32, #tpu.memory_space<hbm>> -> memref<1x8x2048xf32, #tpu.memory_space<hbm>>
    %dma_wait3A_359 = tpu.memref_squeeze %dma_wait3A_358 : memref<1x8x2048xf32, #tpu.memory_space<hbm>> -> memref<8x2048xf32, #tpu.memory_space<hbm>>
    %dma_wait3A_360 = arith.constant 0 : i32
    %dma_wait3A_361 = arith.constant 0 : i32
    %dma_wait3A_362 = tpu.memref_slice %arg6[%dma_wait3A_360, %select_n3A_269, %dma_wait3A_361] : memref<8x4x2048xf32, #tpu.memory_space<vmem>> -> memref<8x1x2048xf32, #tpu.memory_space<vmem>>
    %dma_wait3A_363 = tpu.memref_squeeze %dma_wait3A_362 : memref<8x1x2048xf32, #tpu.memory_space<vmem>> -> memref<8x2048xf32, #tpu.memory_space<vmem>>
    tpu.wait_dma2 semaphore(%arg9 : memref<!tpu.dma_semaphore, #tpu.memory_space<semaphore_mem>>) src(%dma_wait3A_363 : memref<8x2048xf32, #tpu.memory_space<vmem>>) dst(%dma_wait3A_359 : memref<8x2048xf32, #tpu.memory_space<hbm>>)
    %add3A_364 = arith.constant 96 : i32
    %add3A_365 = arith.addi %add3A_364, %add3A : i32
    %lt3A_366 = arith.constant 308 : i32
    %lt3A_367 = arith.cmpi slt, %add3A_365, %lt3A_366 : i32
    %sub3A_368 = arith.constant 308 : i32
    %sub3A_369 = arith.subi %add3A_365, %sub3A_368 : i32
    %select_n3A_370 = arith.select %lt3A_367, %add3A_365, %sub3A_369 : i32
    %jit3A_371 = arith.constant 77 : i32
    %div3A_372 = arith.divsi %select_n3A_370, %jit3A_371 : i32
    %sign3A_373 = arith.constant 0 : i32
    %sign3A_374 = arith.cmpi sgt, %select_n3A_370, %sign3A_373 : i32
    %sign3A_375 = arith.extui %sign3A_374 : i1 to i32
    %sign3A_376 = arith.constant 0 : i32
    %sign3A_377 = arith.cmpi slt, %select_n3A_370, %sign3A_376 : i32
    %sign3A_378 = arith.extui %sign3A_377 : i1 to i32
    %sign3A_379 = arith.subi %sign3A_375, %sign3A_378 : i32
    %sign3A_380 = arith.constant 0 : i32
    %sign3A_381 = arith.cmpi sgt, %jit3A_371, %sign3A_380 : i32
    %sign3A_382 = arith.extui %sign3A_381 : i1 to i32
    %sign3A_383 = arith.constant 0 : i32
    %sign3A_384 = arith.cmpi slt, %jit3A_371, %sign3A_383 : i32
    %sign3A_385 = arith.extui %sign3A_384 : i1 to i32
    %sign3A_386 = arith.subi %sign3A_382, %sign3A_385 : i32
    %ne3A_387 = arith.cmpi ne, %sign3A_379, %sign3A_386 : i32
    %rem3A_388 = arith.remsi %select_n3A_370, %jit3A_371 : i32
    %ne3A_389 = arith.constant 0 : i32
    %ne3A_390 = arith.cmpi ne, %rem3A_388, %ne3A_389 : i32
    %and3A_391 = arith.andi %ne3A_387, %ne3A_390 : i1
    %sub3A_392 = arith.constant 1 : i32
    %sub3A_393 = arith.subi %div3A_372, %sub3A_392 : i32
    %select_n3A_394 = arith.select %and3A_391, %sub3A_393, %div3A_372 : i32
    %jit3A_395 = arith.constant 77 : i32
    %eq3A_396 = arith.constant 0 : i32
    %eq3A_397 = arith.cmpi eq, %jit3A_395, %eq3A_396 : i32
    %jit3A_398 = arith.constant 1 : i32
    %select_n3A_399 = arith.select %eq3A_397, %jit3A_398, %jit3A_395 : i32
    %rem3A_400 = arith.remsi %select_n3A_370, %select_n3A_399 : i32
    %ne3A_401 = arith.constant 0 : i32
    %ne3A_402 = arith.cmpi ne, %rem3A_400, %ne3A_401 : i32
    %lt3A_403 = arith.constant 0 : i32
    %lt3A_404 = arith.cmpi slt, %rem3A_400, %lt3A_403 : i32
    %lt3A_405 = arith.constant 0 : i32
    %lt3A_406 = arith.cmpi slt, %select_n3A_399, %lt3A_405 : i32
    %ne3A_407 = arith.xori %lt3A_404, %lt3A_406 : i1
    %and3A_408 = arith.andi %ne3A_407, %ne3A_402 : i1
    %add3A_409 = arith.addi %rem3A_400, %select_n3A_399 : i32
    %select_n3A_410 = arith.select %and3A_408, %add3A_409, %rem3A_400 : i32
    %dma_start3A_411 = arith.constant 0 : i32
    %dma_start3A_412 = arith.constant 0 : i32
    %dma_start3A_413 = arith.constant 0 : i32
    %dma_start3A_414 = arith.constant 0 : i32
    %dma_start3A_415 = tpu.memref_slice %arg6[%dma_start3A_412, %dma_start3A_413, %dma_start3A_414] : memref<8x4x2048xf32, #tpu.memory_space<vmem>> -> memref<4x4x2048xf32, #tpu.memory_space<vmem>>
    %dma_start3A_416 = arith.constant 24 : i32
    %dma_start3A_417 = tpu.memref_slice %arg5[%dma_start3A_411, %dma_start3A_416] : memref<1x80xi32, #tpu.memory_space<vmem>> -> memref<1x4xi32, #tpu.memory_space<vmem>>
    %dma_start3A_418 = tpu.memref_squeeze %dma_start3A_417 : memref<1x4xi32, #tpu.memory_space<vmem>> -> memref<4xi32, #tpu.memory_space<vmem>>
    %dma_start3A_419 = arith.constant 0 : i32
    %dma_start3A_420 = arith.constant 0 : i32
    %dma_start3A_421 = arith.constant 0 : i32
    %dma_start3A_422 = tpu.memref_slice %arg2[%dma_start3A_419, %dma_start3A_420, %dma_start3A_421] : memref<2049x4x2048xf32, #tpu.memory_space<hbm>> -> memref<2049x4x2048xf32, #tpu.memory_space<hbm>>
    tpu.enqueue_indirect_dma source(%dma_start3A_422 : memref<2049x4x2048xf32, #tpu.memory_space<hbm>>) target(%dma_start3A_415 : memref<4x4x2048xf32, #tpu.memory_space<vmem>>) offsets(%dma_start3A_418 : memref<4xi32, #tpu.memory_space<vmem>>) semaphore(%arg7 : memref<!tpu.dma_semaphore, #tpu.memory_space<semaphore_mem>>)
    %dma_start3A_423 = arith.constant 0 : i32
    %dma_start3A_424 = arith.constant 4 : i32
    %dma_start3A_425 = arith.constant 0 : i32
    %dma_start3A_426 = arith.constant 0 : i32
    %dma_start3A_427 = tpu.memref_slice %arg6[%dma_start3A_424, %dma_start3A_425, %dma_start3A_426] : memref<8x4x2048xf32, #tpu.memory_space<vmem>> -> memref<4x4x2048xf32, #tpu.memory_space<vmem>>
    %dma_start3A_428 = arith.constant 28 : i32
    %dma_start3A_429 = tpu.memref_slice %arg5[%dma_start3A_423, %dma_start3A_428] : memref<1x80xi32, #tpu.memory_space<vmem>> -> memref<1x4xi32, #tpu.memory_space<vmem>>
    %dma_start3A_430 = tpu.memref_squeeze %dma_start3A_429 : memref<1x4xi32, #tpu.memory_space<vmem>> -> memref<4xi32, #tpu.memory_space<vmem>>
    %dma_start3A_431 = arith.constant 0 : i32
    %dma_start3A_432 = arith.constant 0 : i32
    %dma_start3A_433 = arith.constant 0 : i32
    %dma_start3A_434 = tpu.memref_slice %arg2[%dma_start3A_431, %dma_start3A_432, %dma_start3A_433] : memref<2049x4x2048xf32, #tpu.memory_space<hbm>> -> memref<2049x4x2048xf32, #tpu.memory_space<hbm>>
    tpu.enqueue_indirect_dma source(%dma_start3A_434 : memref<2049x4x2048xf32, #tpu.memory_space<hbm>>) target(%dma_start3A_427 : memref<4x4x2048xf32, #tpu.memory_space<vmem>>) offsets(%dma_start3A_430 : memref<4xi32, #tpu.memory_space<vmem>>) semaphore(%arg8 : memref<!tpu.dma_semaphore, #tpu.memory_space<semaphore_mem>>)
    %dma_wait3A_435 = arith.constant 0 : i32
    %dma_wait3A_436 = arith.constant 0 : i32
    %dma_wait3A_437 = arith.constant 0 : i32
    %dma_wait3A_438 = arith.constant 0 : i32
    %dma_wait3A_439 = tpu.memref_slice %arg6[%dma_wait3A_436, %dma_wait3A_437, %dma_wait3A_438] : memref<8x4x2048xf32, #tpu.memory_space<vmem>> -> memref<4x4x2048xf32, #tpu.memory_space<vmem>>
    %dma_wait3A_440 = arith.constant 24 : i32
    %dma_wait3A_441 = tpu.memref_slice %arg5[%dma_wait3A_435, %dma_wait3A_440] : memref<1x80xi32, #tpu.memory_space<vmem>> -> memref<1x4xi32, #tpu.memory_space<vmem>>
    %dma_wait3A_442 = tpu.memref_squeeze %dma_wait3A_441 : memref<1x4xi32, #tpu.memory_space<vmem>> -> memref<4xi32, #tpu.memory_space<vmem>>
    %dma_wait3A_443 = arith.constant 0 : i32
    %dma_wait3A_444 = arith.constant 0 : i32
    %dma_wait3A_445 = arith.constant 0 : i32
    %dma_wait3A_446 = tpu.memref_slice %arg2[%dma_wait3A_443, %dma_wait3A_444, %dma_wait3A_445] : memref<2049x4x2048xf32, #tpu.memory_space<hbm>> -> memref<2049x4x2048xf32, #tpu.memory_space<hbm>>
    tpu.wait_indirect_dma semaphore(%arg7 : memref<!tpu.dma_semaphore, #tpu.memory_space<semaphore_mem>>) src(%dma_wait3A_446 : memref<2049x4x2048xf32, #tpu.memory_space<hbm>>) dst(%dma_wait3A_439 : memref<4x4x2048xf32, #tpu.memory_space<vmem>>)
    %dma_wait3A_447 = arith.constant 0 : i32
    %dma_wait3A_448 = arith.constant 4 : i32
    %dma_wait3A_449 = arith.constant 0 : i32
    %dma_wait3A_450 = arith.constant 0 : i32
    %dma_wait3A_451 = tpu.memref_slice %arg6[%dma_wait3A_448, %dma_wait3A_449, %dma_wait3A_450] : memref<8x4x2048xf32, #tpu.memory_space<vmem>> -> memref<4x4x2048xf32, #tpu.memory_space<vmem>>
    %dma_wait3A_452 = arith.constant 28 : i32
    %dma_wait3A_453 = tpu.memref_slice %arg5[%dma_wait3A_447, %dma_wait3A_452] : memref<1x80xi32, #tpu.memory_space<vmem>> -> memref<1x4xi32, #tpu.memory_space<vmem>>
    %dma_wait3A_454 = tpu.memref_squeeze %dma_wait3A_453 : memref<1x4xi32, #tpu.memory_space<vmem>> -> memref<4xi32, #tpu.memory_space<vmem>>
    %dma_wait3A_455 = arith.constant 0 : i32
    %dma_wait3A_456 = arith.constant 0 : i32
    %dma_wait3A_457 = arith.constant 0 : i32
    %dma_wait3A_458 = tpu.memref_slice %arg2[%dma_wait3A_455, %dma_wait3A_456, %dma_wait3A_457] : memref<2049x4x2048xf32, #tpu.memory_space<hbm>> -> memref<2049x4x2048xf32, #tpu.memory_space<hbm>>
    tpu.wait_indirect_dma semaphore(%arg8 : memref<!tpu.dma_semaphore, #tpu.memory_space<semaphore_mem>>) src(%dma_wait3A_458 : memref<2049x4x2048xf32, #tpu.memory_space<hbm>>) dst(%dma_wait3A_451 : memref<4x4x2048xf32, #tpu.memory_space<vmem>>)
    %mul3A_459 = arith.constant 8 : i32
    %mul3A_460 = arith.muli %select_n3A_410, %mul3A_459 : i32
    %dma_start3A_461 = arith.constant 0 : i32
    %dma_start3A_462 = arith.constant 0 : i32
    %dma_start3A_463 = tpu.memref_slice %arg6[%dma_start3A_461, %select_n3A_394, %dma_start3A_462] : memref<8x4x2048xf32, #tpu.memory_space<vmem>> -> memref<8x1x2048xf32, #tpu.memory_space<vmem>>
    %dma_start3A_464 = tpu.memref_squeeze %dma_start3A_463 : memref<8x1x2048xf32, #tpu.memory_space<vmem>> -> memref<8x2048xf32, #tpu.memory_space<vmem>>
    %dma_start3A_465 = arith.constant 0 : i32
    %dma_start3A_466 = tpu.memref_slice %arg4[%select_n3A_394, %mul3A_460, %dma_start3A_465] : memref<4x616x2048xf32, #tpu.memory_space<hbm>> -> memref<1x8x2048xf32, #tpu.memory_space<hbm>>
    %dma_start3A_467 = tpu.memref_squeeze %dma_start3A_466 : memref<1x8x2048xf32, #tpu.memory_space<hbm>> -> memref<8x2048xf32, #tpu.memory_space<hbm>>
    %dma_start3A_468 = arith.constant 0 : i32
    %dma_start3A_469 = tpu.memref_slice %arg4[%select_n3A_394, %mul3A_460, %dma_start3A_468] : memref<4x616x2048xf32, #tpu.memory_space<hbm>> -> memref<1x8x2048xf32, #tpu.memory_space<hbm>>
    %dma_start3A_470 = tpu.memref_squeeze %dma_start3A_469 : memref<1x8x2048xf32, #tpu.memory_space<hbm>> -> memref<8x2048xf32, #tpu.memory_space<hbm>>
    %dma_start3A_471 = arith.constant 0 : i32
    %dma_start3A_472 = arith.constant 0 : i32
    %dma_start3A_473 = tpu.memref_slice %arg6[%dma_start3A_471, %select_n3A_394, %dma_start3A_472] : memref<8x4x2048xf32, #tpu.memory_space<vmem>> -> memref<8x1x2048xf32, #tpu.memory_space<vmem>>
    %dma_start3A_474 = tpu.memref_squeeze %dma_start3A_473 : memref<8x1x2048xf32, #tpu.memory_space<vmem>> -> memref<8x2048xf32, #tpu.memory_space<vmem>>
    tpu.enqueue_dma source(%dma_start3A_474 : memref<8x2048xf32, #tpu.memory_space<vmem>>) target(%dma_start3A_470 : memref<8x2048xf32, #tpu.memory_space<hbm>>) target_semaphore(%arg9 : memref<!tpu.dma_semaphore, #tpu.memory_space<semaphore_mem>>)
    %dma_wait3A_475 = arith.constant 0 : i32
    %dma_wait3A_476 = arith.constant 0 : i32
    %dma_wait3A_477 = tpu.memref_slice %arg6[%dma_wait3A_475, %select_n3A_394, %dma_wait3A_476] : memref<8x4x2048xf32, #tpu.memory_space<vmem>> -> memref<8x1x2048xf32, #tpu.memory_space<vmem>>
    %dma_wait3A_478 = tpu.memref_squeeze %dma_wait3A_477 : memref<8x1x2048xf32, #tpu.memory_space<vmem>> -> memref<8x2048xf32, #tpu.memory_space<vmem>>
    %dma_wait3A_479 = arith.constant 0 : i32
    %dma_wait3A_480 = tpu.memref_slice %arg4[%select_n3A_394, %mul3A_460, %dma_wait3A_479] : memref<4x616x2048xf32, #tpu.memory_space<hbm>> -> memref<1x8x2048xf32, #tpu.memory_space<hbm>>
    %dma_wait3A_481 = tpu.memref_squeeze %dma_wait3A_480 : memref<1x8x2048xf32, #tpu.memory_space<hbm>> -> memref<8x2048xf32, #tpu.memory_space<hbm>>
    %dma_wait3A_482 = arith.constant 0 : i32
    %dma_wait3A_483 = tpu.memref_slice %arg4[%select_n3A_394, %mul3A_460, %dma_wait3A_482] : memref<4x616x2048xf32, #tpu.memory_space<hbm>> -> memref<1x8x2048xf32, #tpu.memory_space<hbm>>
    %dma_wait3A_484 = tpu.memref_squeeze %dma_wait3A_483 : memref<1x8x2048xf32, #tpu.memory_space<hbm>> -> memref<8x2048xf32, #tpu.memory_space<hbm>>
    %dma_wait3A_485 = arith.constant 0 : i32
    %dma_wait3A_486 = arith.constant 0 : i32
    %dma_wait3A_487 = tpu.memref_slice %arg6[%dma_wait3A_485, %select_n3A_394, %dma_wait3A_486] : memref<8x4x2048xf32, #tpu.memory_space<vmem>> -> memref<8x1x2048xf32, #tpu.memory_space<vmem>>
    %dma_wait3A_488 = tpu.memref_squeeze %dma_wait3A_487 : memref<8x1x2048xf32, #tpu.memory_space<vmem>> -> memref<8x2048xf32, #tpu.memory_space<vmem>>
    tpu.wait_dma2 semaphore(%arg9 : memref<!tpu.dma_semaphore, #tpu.memory_space<semaphore_mem>>) src(%dma_wait3A_488 : memref<8x2048xf32, #tpu.memory_space<vmem>>) dst(%dma_wait3A_484 : memref<8x2048xf32, #tpu.memory_space<hbm>>)
    %add3A_489 = arith.constant 128 : i32
    %add3A_490 = arith.addi %add3A_489, %add3A : i32
    %lt3A_491 = arith.constant 308 : i32
    %lt3A_492 = arith.cmpi slt, %add3A_490, %lt3A_491 : i32
    %sub3A_493 = arith.constant 308 : i32
    %sub3A_494 = arith.subi %add3A_490, %sub3A_493 : i32
    %select_n3A_495 = arith.select %lt3A_492, %add3A_490, %sub3A_494 : i32
    %jit3A_496 = arith.constant 77 : i32
    %div3A_497 = arith.divsi %select_n3A_495, %jit3A_496 : i32
    %sign3A_498 = arith.constant 0 : i32
    %sign3A_499 = arith.cmpi sgt, %select_n3A_495, %sign3A_498 : i32
    %sign3A_500 = arith.extui %sign3A_499 : i1 to i32
    %sign3A_501 = arith.constant 0 : i32
    %sign3A_502 = arith.cmpi slt, %select_n3A_495, %sign3A_501 : i32
    %sign3A_503 = arith.extui %sign3A_502 : i1 to i32
    %sign3A_504 = arith.subi %sign3A_500, %sign3A_503 : i32
    %sign3A_505 = arith.constant 0 : i32
    %sign3A_506 = arith.cmpi sgt, %jit3A_496, %sign3A_505 : i32
    %sign3A_507 = arith.extui %sign3A_506 : i1 to i32
    %sign3A_508 = arith.constant 0 : i32
    %sign3A_509 = arith.cmpi slt, %jit3A_496, %sign3A_508 : i32
    %sign3A_510 = arith.extui %sign3A_509 : i1 to i32
    %sign3A_511 = arith.subi %sign3A_507, %sign3A_510 : i32
    %ne3A_512 = arith.cmpi ne, %sign3A_504, %sign3A_511 : i32
    %rem3A_513 = arith.remsi %select_n3A_495, %jit3A_496 : i32
    %ne3A_514 = arith.constant 0 : i32
    %ne3A_515 = arith.cmpi ne, %rem3A_513, %ne3A_514 : i32
    %and3A_516 = arith.andi %ne3A_512, %ne3A_515 : i1
    %sub3A_517 = arith.constant 1 : i32
    %sub3A_518 = arith.subi %div3A_497, %sub3A_517 : i32
    %select_n3A_519 = arith.select %and3A_516, %sub3A_518, %div3A_497 : i32
    %jit3A_520 = arith.constant 77 : i32
    %eq3A_521 = arith.constant 0 : i32
    %eq3A_522 = arith.cmpi eq, %jit3A_520, %eq3A_521 : i32
    %jit3A_523 = arith.constant 1 : i32
    %select_n3A_524 = arith.select %eq3A_522, %jit3A_523, %jit3A_520 : i32
    %rem3A_525 = arith.remsi %select_n3A_495, %select_n3A_524 : i32
    %ne3A_526 = arith.constant 0 : i32
    %ne3A_527 = arith.cmpi ne, %rem3A_525, %ne3A_526 : i32
    %lt3A_528 = arith.constant 0 : i32
    %lt3A_529 = arith.cmpi slt, %rem3A_525, %lt3A_528 : i32
    %lt3A_530 = arith.constant 0 : i32
    %lt3A_531 = arith.cmpi slt, %select_n3A_524, %lt3A_530 : i32
    %ne3A_532 = arith.xori %lt3A_529, %lt3A_531 : i1
    %and3A_533 = arith.andi %ne3A_532, %ne3A_527 : i1
    %add3A_534 = arith.addi %rem3A_525, %select_n3A_524 : i32
    %select_n3A_535 = arith.select %and3A_533, %add3A_534, %rem3A_525 : i32
    %dma_start3A_536 = arith.constant 0 : i32
    %dma_start3A_537 = arith.constant 0 : i32
    %dma_start3A_538 = arith.constant 0 : i32
    %dma_start3A_539 = arith.constant 0 : i32
    %dma_start3A_540 = tpu.memref_slice %arg6[%dma_start3A_537, %dma_start3A_538, %dma_start3A_539] : memref<8x4x2048xf32, #tpu.memory_space<vmem>> -> memref<4x4x2048xf32, #tpu.memory_space<vmem>>
    %dma_start3A_541 = arith.constant 32 : i32
    %dma_start3A_542 = tpu.memref_slice %arg5[%dma_start3A_536, %dma_start3A_541] : memref<1x80xi32, #tpu.memory_space<vmem>> -> memref<1x4xi32, #tpu.memory_space<vmem>>
    %dma_start3A_543 = tpu.memref_squeeze %dma_start3A_542 : memref<1x4xi32, #tpu.memory_space<vmem>> -> memref<4xi32, #tpu.memory_space<vmem>>
    %dma_start3A_544 = arith.constant 0 : i32
    %dma_start3A_545 = arith.constant 0 : i32
    %dma_start3A_546 = arith.constant 0 : i32
    %dma_start3A_547 = tpu.memref_slice %arg2[%dma_start3A_544, %dma_start3A_545, %dma_start3A_546] : memref<2049x4x2048xf32, #tpu.memory_space<hbm>> -> memref<2049x4x2048xf32, #tpu.memory_space<hbm>>
    tpu.enqueue_indirect_dma source(%dma_start3A_547 : memref<2049x4x2048xf32, #tpu.memory_space<hbm>>) target(%dma_start3A_540 : memref<4x4x2048xf32, #tpu.memory_space<vmem>>) offsets(%dma_start3A_543 : memref<4xi32, #tpu.memory_space<vmem>>) semaphore(%arg7 : memref<!tpu.dma_semaphore, #tpu.memory_space<semaphore_mem>>)
    %dma_start3A_548 = arith.constant 0 : i32
    %dma_start3A_549 = arith.constant 4 : i32
    %dma_start3A_550 = arith.constant 0 : i32
    %dma_start3A_551 = arith.constant 0 : i32
    %dma_start3A_552 = tpu.memref_slice %arg6[%dma_start3A_549, %dma_start3A_550, %dma_start3A_551] : memref<8x4x2048xf32, #tpu.memory_space<vmem>> -> memref<4x4x2048xf32, #tpu.memory_space<vmem>>
    %dma_start3A_553 = arith.constant 36 : i32
    %dma_start3A_554 = tpu.memref_slice %arg5[%dma_start3A_548, %dma_start3A_553] : memref<1x80xi32, #tpu.memory_space<vmem>> -> memref<1x4xi32, #tpu.memory_space<vmem>>
    %dma_start3A_555 = tpu.memref_squeeze %dma_start3A_554 : memref<1x4xi32, #tpu.memory_space<vmem>> -> memref<4xi32, #tpu.memory_space<vmem>>
    %dma_start3A_556 = arith.constant 0 : i32
    %dma_start3A_557 = arith.constant 0 : i32
    %dma_start3A_558 = arith.constant 0 : i32
    %dma_start3A_559 = tpu.memref_slice %arg2[%dma_start3A_556, %dma_start3A_557, %dma_start3A_558] : memref<2049x4x2048xf32, #tpu.memory_space<hbm>> -> memref<2049x4x2048xf32, #tpu.memory_space<hbm>>
    tpu.enqueue_indirect_dma source(%dma_start3A_559 : memref<2049x4x2048xf32, #tpu.memory_space<hbm>>) target(%dma_start3A_552 : memref<4x4x2048xf32, #tpu.memory_space<vmem>>) offsets(%dma_start3A_555 : memref<4xi32, #tpu.memory_space<vmem>>) semaphore(%arg8 : memref<!tpu.dma_semaphore, #tpu.memory_space<semaphore_mem>>)
    %dma_wait3A_560 = arith.constant 0 : i32
    %dma_wait3A_561 = arith.constant 0 : i32
    %dma_wait3A_562 = arith.constant 0 : i32
    %dma_wait3A_563 = arith.constant 0 : i32
    %dma_wait3A_564 = tpu.memref_slice %arg6[%dma_wait3A_561, %dma_wait3A_562, %dma_wait3A_563] : memref<8x4x2048xf32, #tpu.memory_space<vmem>> -> memref<4x4x2048xf32, #tpu.memory_space<vmem>>
    %dma_wait3A_565 = arith.constant 32 : i32
    %dma_wait3A_566 = tpu.memref_slice %arg5[%dma_wait3A_560, %dma_wait3A_565] : memref<1x80xi32, #tpu.memory_space<vmem>> -> memref<1x4xi32, #tpu.memory_space<vmem>>
    %dma_wait3A_567 = tpu.memref_squeeze %dma_wait3A_566 : memref<1x4xi32, #tpu.memory_space<vmem>> -> memref<4xi32, #tpu.memory_space<vmem>>
    %dma_wait3A_568 = arith.constant 0 : i32
    %dma_wait3A_569 = arith.constant 0 : i32
    %dma_wait3A_570 = arith.constant 0 : i32
    %dma_wait3A_571 = tpu.memref_slice %arg2[%dma_wait3A_568, %dma_wait3A_569, %dma_wait3A_570] : memref<2049x4x2048xf32, #tpu.memory_space<hbm>> -> memref<2049x4x2048xf32, #tpu.memory_space<hbm>>
    tpu.wait_indirect_dma semaphore(%arg7 : memref<!tpu.dma_semaphore, #tpu.memory_space<semaphore_mem>>) src(%dma_wait3A_571 : memref<2049x4x2048xf32, #tpu.memory_space<hbm>>) dst(%dma_wait3A_564 : memref<4x4x2048xf32, #tpu.memory_space<vmem>>)
    %dma_wait3A_572 = arith.constant 0 : i32
    %dma_wait3A_573 = arith.constant 4 : i32
    %dma_wait3A_574 = arith.constant 0 : i32
    %dma_wait3A_575 = arith.constant 0 : i32
    %dma_wait3A_576 = tpu.memref_slice %arg6[%dma_wait3A_573, %dma_wait3A_574, %dma_wait3A_575] : memref<8x4x2048xf32, #tpu.memory_space<vmem>> -> memref<4x4x2048xf32, #tpu.memory_space<vmem>>
    %dma_wait3A_577 = arith.constant 36 : i32
    %dma_wait3A_578 = tpu.memref_slice %arg5[%dma_wait3A_572, %dma_wait3A_577] : memref<1x80xi32, #tpu.memory_space<vmem>> -> memref<1x4xi32, #tpu.memory_space<vmem>>
    %dma_wait3A_579 = tpu.memref_squeeze %dma_wait3A_578 : memref<1x4xi32, #tpu.memory_space<vmem>> -> memref<4xi32, #tpu.memory_space<vmem>>
    %dma_wait3A_580 = arith.constant 0 : i32
    %dma_wait3A_581 = arith.constant 0 : i32
    %dma_wait3A_582 = arith.constant 0 : i32
    %dma_wait3A_583 = tpu.memref_slice %arg2[%dma_wait3A_580, %dma_wait3A_581, %dma_wait3A_582] : memref<2049x4x2048xf32, #tpu.memory_space<hbm>> -> memref<2049x4x2048xf32, #tpu.memory_space<hbm>>
    tpu.wait_indirect_dma semaphore(%arg8 : memref<!tpu.dma_semaphore, #tpu.memory_space<semaphore_mem>>) src(%dma_wait3A_583 : memref<2049x4x2048xf32, #tpu.memory_space<hbm>>) dst(%dma_wait3A_576 : memref<4x4x2048xf32, #tpu.memory_space<vmem>>)
    %mul3A_584 = arith.constant 8 : i32
    %mul3A_585 = arith.muli %select_n3A_535, %mul3A_584 : i32
    %dma_start3A_586 = arith.constant 0 : i32
    %dma_start3A_587 = arith.constant 0 : i32
    %dma_start3A_588 = tpu.memref_slice %arg6[%dma_start3A_586, %select_n3A_519, %dma_start3A_587] : memref<8x4x2048xf32, #tpu.memory_space<vmem>> -> memref<8x1x2048xf32, #tpu.memory_space<vmem>>
    %dma_start3A_589 = tpu.memref_squeeze %dma_start3A_588 : memref<8x1x2048xf32, #tpu.memory_space<vmem>> -> memref<8x2048xf32, #tpu.memory_space<vmem>>
    %dma_start3A_590 = arith.constant 0 : i32
    %dma_start3A_591 = tpu.memref_slice %arg4[%select_n3A_519, %mul3A_585, %dma_start3A_590] : memref<4x616x2048xf32, #tpu.memory_space<hbm>> -> memref<1x8x2048xf32, #tpu.memory_space<hbm>>
    %dma_start3A_592 = tpu.memref_squeeze %dma_start3A_591 : memref<1x8x2048xf32, #tpu.memory_space<hbm>> -> memref<8x2048xf32, #tpu.memory_space<hbm>>
    %dma_start3A_593 = arith.constant 0 : i32
    %dma_start3A_594 = tpu.memref_slice %arg4[%select_n3A_519, %mul3A_585, %dma_start3A_593] : memref<4x616x2048xf32, #tpu.memory_space<hbm>> -> memref<1x8x2048xf32, #tpu.memory_space<hbm>>
    %dma_start3A_595 = tpu.memref_squeeze %dma_start3A_594 : memref<1x8x2048xf32, #tpu.memory_space<hbm>> -> memref<8x2048xf32, #tpu.memory_space<hbm>>
    %dma_start3A_596 = arith.constant 0 : i32
    %dma_start3A_597 = arith.constant 0 : i32
    %dma_start3A_598 = tpu.memref_slice %arg6[%dma_start3A_596, %select_n3A_519, %dma_start3A_597] : memref<8x4x2048xf32, #tpu.memory_space<vmem>> -> memref<8x1x2048xf32, #tpu.memory_space<vmem>>
    %dma_start3A_599 = tpu.memref_squeeze %dma_start3A_598 : memref<8x1x2048xf32, #tpu.memory_space<vmem>> -> memref<8x2048xf32, #tpu.memory_space<vmem>>
    tpu.enqueue_dma source(%dma_start3A_599 : memref<8x2048xf32, #tpu.memory_space<vmem>>) target(%dma_start3A_595 : memref<8x2048xf32, #tpu.memory_space<hbm>>) target_semaphore(%arg9 : memref<!tpu.dma_semaphore, #tpu.memory_space<semaphore_mem>>)
    %dma_wait3A_600 = arith.constant 0 : i32
    %dma_wait3A_601 = arith.constant 0 : i32
    %dma_wait3A_602 = tpu.memref_slice %arg6[%dma_wait3A_600, %select_n3A_519, %dma_wait3A_601] : memref<8x4x2048xf32, #tpu.memory_space<vmem>> -> memref<8x1x2048xf32, #tpu.memory_space<vmem>>
    %dma_wait3A_603 = tpu.memref_squeeze %dma_wait3A_602 : memref<8x1x2048xf32, #tpu.memory_space<vmem>> -> memref<8x2048xf32, #tpu.memory_space<vmem>>
    %dma_wait3A_604 = arith.constant 0 : i32
    %dma_wait3A_605 = tpu.memref_slice %arg4[%select_n3A_519, %mul3A_585, %dma_wait3A_604] : memref<4x616x2048xf32, #tpu.memory_space<hbm>> -> memref<1x8x2048xf32, #tpu.memory_space<hbm>>
    %dma_wait3A_606 = tpu.memref_squeeze %dma_wait3A_605 : memref<1x8x2048xf32, #tpu.memory_space<hbm>> -> memref<8x2048xf32, #tpu.memory_space<hbm>>
    %dma_wait3A_607 = arith.constant 0 : i32
    %dma_wait3A_608 = tpu.memref_slice %arg4[%select_n3A_519, %mul3A_585, %dma_wait3A_607] : memref<4x616x2048xf32, #tpu.memory_space<hbm>> -> memref<1x8x2048xf32, #tpu.memory_space<hbm>>
    %dma_wait3A_609 = tpu.memref_squeeze %dma_wait3A_608 : memref<1x8x2048xf32, #tpu.memory_space<hbm>> -> memref<8x2048xf32, #tpu.memory_space<hbm>>
    %dma_wait3A_610 = arith.constant 0 : i32
    %dma_wait3A_611 = arith.constant 0 : i32
    %dma_wait3A_612 = tpu.memref_slice %arg6[%dma_wait3A_610, %select_n3A_519, %dma_wait3A_611] : memref<8x4x2048xf32, #tpu.memory_space<vmem>> -> memref<8x1x2048xf32, #tpu.memory_space<vmem>>
    %dma_wait3A_613 = tpu.memref_squeeze %dma_wait3A_612 : memref<8x1x2048xf32, #tpu.memory_space<vmem>> -> memref<8x2048xf32, #tpu.memory_space<vmem>>
    tpu.wait_dma2 semaphore(%arg9 : memref<!tpu.dma_semaphore, #tpu.memory_space<semaphore_mem>>) src(%dma_wait3A_613 : memref<8x2048xf32, #tpu.memory_space<vmem>>) dst(%dma_wait3A_609 : memref<8x2048xf32, #tpu.memory_space<hbm>>)
    %add3A_614 = arith.constant 160 : i32
    %add3A_615 = arith.addi %add3A_614, %add3A : i32
    %lt3A_616 = arith.constant 308 : i32
    %lt3A_617 = arith.cmpi slt, %add3A_615, %lt3A_616 : i32
    %sub3A_618 = arith.constant 308 : i32
    %sub3A_619 = arith.subi %add3A_615, %sub3A_618 : i32
    %select_n3A_620 = arith.select %lt3A_617, %add3A_615, %sub3A_619 : i32
    %jit3A_621 = arith.constant 77 : i32
    %div3A_622 = arith.divsi %select_n3A_620, %jit3A_621 : i32
    %sign3A_623 = arith.constant 0 : i32
    %sign3A_624 = arith.cmpi sgt, %select_n3A_620, %sign3A_623 : i32
    %sign3A_625 = arith.extui %sign3A_624 : i1 to i32
    %sign3A_626 = arith.constant 0 : i32
    %sign3A_627 = arith.cmpi slt, %select_n3A_620, %sign3A_626 : i32
    %sign3A_628 = arith.extui %sign3A_627 : i1 to i32
    %sign3A_629 = arith.subi %sign3A_625, %sign3A_628 : i32
    %sign3A_630 = arith.constant 0 : i32
    %sign3A_631 = arith.cmpi sgt, %jit3A_621, %sign3A_630 : i32
    %sign3A_632 = arith.extui %sign3A_631 : i1 to i32
    %sign3A_633 = arith.constant 0 : i32
    %sign3A_634 = arith.cmpi slt, %jit3A_621, %sign3A_633 : i32
    %sign3A_635 = arith.extui %sign3A_634 : i1 to i32
    %sign3A_636 = arith.subi %sign3A_632, %sign3A_635 : i32
    %ne3A_637 = arith.cmpi ne, %sign3A_629, %sign3A_636 : i32
    %rem3A_638 = arith.remsi %select_n3A_620, %jit3A_621 : i32
    %ne3A_639 = arith.constant 0 : i32
    %ne3A_640 = arith.cmpi ne, %rem3A_638, %ne3A_639 : i32
    %and3A_641 = arith.andi %ne3A_637, %ne3A_640 : i1
    %sub3A_642 = arith.constant 1 : i32
    %sub3A_643 = arith.subi %div3A_622, %sub3A_642 : i32
    %select_n3A_644 = arith.select %and3A_641, %sub3A_643, %div3A_622 : i32
    %jit3A_645 = arith.constant 77 : i32
    %eq3A_646 = arith.constant 0 : i32
    %eq3A_647 = arith.cmpi eq, %jit3A_645, %eq3A_646 : i32
    %jit3A_648 = arith.constant 1 : i32
    %select_n3A_649 = arith.select %eq3A_647, %jit3A_648, %jit3A_645 : i32
    %rem3A_650 = arith.remsi %select_n3A_620, %select_n3A_649 : i32
    %ne3A_651 = arith.constant 0 : i32
    %ne3A_652 = arith.cmpi ne, %rem3A_650, %ne3A_651 : i32
    %lt3A_653 = arith.constant 0 : i32
    %lt3A_654 = arith.cmpi slt, %rem3A_650, %lt3A_653 : i32
    %lt3A_655 = arith.constant 0 : i32
    %lt3A_656 = arith.cmpi slt, %select_n3A_649, %lt3A_655 : i32
    %ne3A_657 = arith.xori %lt3A_654, %lt3A_656 : i1
    %and3A_658 = arith.andi %ne3A_657, %ne3A_652 : i1
    %add3A_659 = arith.addi %rem3A_650, %select_n3A_649 : i32
    %select_n3A_660 = arith.select %and3A_658, %add3A_659, %rem3A_650 : i32
    %dma_start3A_661 = arith.constant 0 : i32
    %dma_start3A_662 = arith.constant 0 : i32
    %dma_start3A_663 = arith.constant 0 : i32
    %dma_start3A_664 = arith.constant 0 : i32
    %dma_start3A_665 = tpu.memref_slice %arg6[%dma_start3A_662, %dma_start3A_663, %dma_start3A_664] : memref<8x4x2048xf32, #tpu.memory_space<vmem>> -> memref<4x4x2048xf32, #tpu.memory_space<vmem>>
    %dma_start3A_666 = arith.constant 40 : i32
    %dma_start3A_667 = tpu.memref_slice %arg5[%dma_start3A_661, %dma_start3A_666] : memref<1x80xi32, #tpu.memory_space<vmem>> -> memref<1x4xi32, #tpu.memory_space<vmem>>
    %dma_start3A_668 = tpu.memref_squeeze %dma_start3A_667 : memref<1x4xi32, #tpu.memory_space<vmem>> -> memref<4xi32, #tpu.memory_space<vmem>>
    %dma_start3A_669 = arith.constant 0 : i32
    %dma_start3A_670 = arith.constant 0 : i32
    %dma_start3A_671 = arith.constant 0 : i32
    %dma_start3A_672 = tpu.memref_slice %arg2[%dma_start3A_669, %dma_start3A_670, %dma_start3A_671] : memref<2049x4x2048xf32, #tpu.memory_space<hbm>> -> memref<2049x4x2048xf32, #tpu.memory_space<hbm>>
    tpu.enqueue_indirect_dma source(%dma_start3A_672 : memref<2049x4x2048xf32, #tpu.memory_space<hbm>>) target(%dma_start3A_665 : memref<4x4x2048xf32, #tpu.memory_space<vmem>>) offsets(%dma_start3A_668 : memref<4xi32, #tpu.memory_space<vmem>>) semaphore(%arg7 : memref<!tpu.dma_semaphore, #tpu.memory_space<semaphore_mem>>)
    %dma_start3A_673 = arith.constant 0 : i32
    %dma_start3A_674 = arith.constant 4 : i32
    %dma_start3A_675 = arith.constant 0 : i32
    %dma_start3A_676 = arith.constant 0 : i32
    %dma_start3A_677 = tpu.memref_slice %arg6[%dma_start3A_674, %dma_start3A_675, %dma_start3A_676] : memref<8x4x2048xf32, #tpu.memory_space<vmem>> -> memref<4x4x2048xf32, #tpu.memory_space<vmem>>
    %dma_start3A_678 = arith.constant 44 : i32
    %dma_start3A_679 = tpu.memref_slice %arg5[%dma_start3A_673, %dma_start3A_678] : memref<1x80xi32, #tpu.memory_space<vmem>> -> memref<1x4xi32, #tpu.memory_space<vmem>>
    %dma_start3A_680 = tpu.memref_squeeze %dma_start3A_679 : memref<1x4xi32, #tpu.memory_space<vmem>> -> memref<4xi32, #tpu.memory_space<vmem>>
    %dma_start3A_681 = arith.constant 0 : i32
    %dma_start3A_682 = arith.constant 0 : i32
    %dma_start3A_683 = arith.constant 0 : i32
    %dma_start3A_684 = tpu.memref_slice %arg2[%dma_start3A_681, %dma_start3A_682, %dma_start3A_683] : memref<2049x4x2048xf32, #tpu.memory_space<hbm>> -> memref<2049x4x2048xf32, #tpu.memory_space<hbm>>
    tpu.enqueue_indirect_dma source(%dma_start3A_684 : memref<2049x4x2048xf32, #tpu.memory_space<hbm>>) target(%dma_start3A_677 : memref<4x4x2048xf32, #tpu.memory_space<vmem>>) offsets(%dma_start3A_680 : memref<4xi32, #tpu.memory_space<vmem>>) semaphore(%arg8 : memref<!tpu.dma_semaphore, #tpu.memory_space<semaphore_mem>>)
    %dma_wait3A_685 = arith.constant 0 : i32
    %dma_wait3A_686 = arith.constant 0 : i32
    %dma_wait3A_687 = arith.constant 0 : i32
    %dma_wait3A_688 = arith.constant 0 : i32
    %dma_wait3A_689 = tpu.memref_slice %arg6[%dma_wait3A_686, %dma_wait3A_687, %dma_wait3A_688] : memref<8x4x2048xf32, #tpu.memory_space<vmem>> -> memref<4x4x2048xf32, #tpu.memory_space<vmem>>
    %dma_wait3A_690 = arith.constant 40 : i32
    %dma_wait3A_691 = tpu.memref_slice %arg5[%dma_wait3A_685, %dma_wait3A_690] : memref<1x80xi32, #tpu.memory_space<vmem>> -> memref<1x4xi32, #tpu.memory_space<vmem>>
    %dma_wait3A_692 = tpu.memref_squeeze %dma_wait3A_691 : memref<1x4xi32, #tpu.memory_space<vmem>> -> memref<4xi32, #tpu.memory_space<vmem>>
    %dma_wait3A_693 = arith.constant 0 : i32
    %dma_wait3A_694 = arith.constant 0 : i32
    %dma_wait3A_695 = arith.constant 0 : i32
    %dma_wait3A_696 = tpu.memref_slice %arg2[%dma_wait3A_693, %dma_wait3A_694, %dma_wait3A_695] : memref<2049x4x2048xf32, #tpu.memory_space<hbm>> -> memref<2049x4x2048xf32, #tpu.memory_space<hbm>>
    tpu.wait_indirect_dma semaphore(%arg7 : memref<!tpu.dma_semaphore, #tpu.memory_space<semaphore_mem>>) src(%dma_wait3A_696 : memref<2049x4x2048xf32, #tpu.memory_space<hbm>>) dst(%dma_wait3A_689 : memref<4x4x2048xf32, #tpu.memory_space<vmem>>)
    %dma_wait3A_697 = arith.constant 0 : i32
    %dma_wait3A_698 = arith.constant 4 : i32
    %dma_wait3A_699 = arith.constant 0 : i32
    %dma_wait3A_700 = arith.constant 0 : i32
    %dma_wait3A_701 = tpu.memref_slice %arg6[%dma_wait3A_698, %dma_wait3A_699, %dma_wait3A_700] : memref<8x4x2048xf32, #tpu.memory_space<vmem>> -> memref<4x4x2048xf32, #tpu.memory_space<vmem>>
    %dma_wait3A_702 = arith.constant 44 : i32
    %dma_wait3A_703 = tpu.memref_slice %arg5[%dma_wait3A_697, %dma_wait3A_702] : memref<1x80xi32, #tpu.memory_space<vmem>> -> memref<1x4xi32, #tpu.memory_space<vmem>>
    %dma_wait3A_704 = tpu.memref_squeeze %dma_wait3A_703 : memref<1x4xi32, #tpu.memory_space<vmem>> -> memref<4xi32, #tpu.memory_space<vmem>>
    %dma_wait3A_705 = arith.constant 0 : i32
    %dma_wait3A_706 = arith.constant 0 : i32
    %dma_wait3A_707 = arith.constant 0 : i32
    %dma_wait3A_708 = tpu.memref_slice %arg2[%dma_wait3A_705, %dma_wait3A_706, %dma_wait3A_707] : memref<2049x4x2048xf32, #tpu.memory_space<hbm>> -> memref<2049x4x2048xf32, #tpu.memory_space<hbm>>
    tpu.wait_indirect_dma semaphore(%arg8 : memref<!tpu.dma_semaphore, #tpu.memory_space<semaphore_mem>>) src(%dma_wait3A_708 : memref<2049x4x2048xf32, #tpu.memory_space<hbm>>) dst(%dma_wait3A_701 : memref<4x4x2048xf32, #tpu.memory_space<vmem>>)
    %mul3A_709 = arith.constant 8 : i32
    %mul3A_710 = arith.muli %select_n3A_660, %mul3A_709 : i32
    %dma_start3A_711 = arith.constant 0 : i32
    %dma_start3A_712 = arith.constant 0 : i32
    %dma_start3A_713 = tpu.memref_slice %arg6[%dma_start3A_711, %select_n3A_644, %dma_start3A_712] : memref<8x4x2048xf32, #tpu.memory_space<vmem>> -> memref<8x1x2048xf32, #tpu.memory_space<vmem>>
    %dma_start3A_714 = tpu.memref_squeeze %dma_start3A_713 : memref<8x1x2048xf32, #tpu.memory_space<vmem>> -> memref<8x2048xf32, #tpu.memory_space<vmem>>
    %dma_start3A_715 = arith.constant 0 : i32
    %dma_start3A_716 = tpu.memref_slice %arg4[%select_n3A_644, %mul3A_710, %dma_start3A_715] : memref<4x616x2048xf32, #tpu.memory_space<hbm>> -> memref<1x8x2048xf32, #tpu.memory_space<hbm>>
    %dma_start3A_717 = tpu.memref_squeeze %dma_start3A_716 : memref<1x8x2048xf32, #tpu.memory_space<hbm>> -> memref<8x2048xf32, #tpu.memory_space<hbm>>
    %dma_start3A_718 = arith.constant 0 : i32
    %dma_start3A_719 = tpu.memref_slice %arg4[%select_n3A_644, %mul3A_710, %dma_start3A_718] : memref<4x616x2048xf32, #tpu.memory_space<hbm>> -> memref<1x8x2048xf32, #tpu.memory_space<hbm>>
    %dma_start3A_720 = tpu.memref_squeeze %dma_start3A_719 : memref<1x8x2048xf32, #tpu.memory_space<hbm>> -> memref<8x2048xf32, #tpu.memory_space<hbm>>
    %dma_start3A_721 = arith.constant 0 : i32
    %dma_start3A_722 = arith.constant 0 : i32
    %dma_start3A_723 = tpu.memref_slice %arg6[%dma_start3A_721, %select_n3A_644, %dma_start3A_722] : memref<8x4x2048xf32, #tpu.memory_space<vmem>> -> memref<8x1x2048xf32, #tpu.memory_space<vmem>>
    %dma_start3A_724 = tpu.memref_squeeze %dma_start3A_723 : memref<8x1x2048xf32, #tpu.memory_space<vmem>> -> memref<8x2048xf32, #tpu.memory_space<vmem>>
    tpu.enqueue_dma source(%dma_start3A_724 : memref<8x2048xf32, #tpu.memory_space<vmem>>) target(%dma_start3A_720 : memref<8x2048xf32, #tpu.memory_space<hbm>>) target_semaphore(%arg9 : memref<!tpu.dma_semaphore, #tpu.memory_space<semaphore_mem>>)
    %dma_wait3A_725 = arith.constant 0 : i32
    %dma_wait3A_726 = arith.constant 0 : i32
    %dma_wait3A_727 = tpu.memref_slice %arg6[%dma_wait3A_725, %select_n3A_644, %dma_wait3A_726] : memref<8x4x2048xf32, #tpu.memory_space<vmem>> -> memref<8x1x2048xf32, #tpu.memory_space<vmem>>
    %dma_wait3A_728 = tpu.memref_squeeze %dma_wait3A_727 : memref<8x1x2048xf32, #tpu.memory_space<vmem>> -> memref<8x2048xf32, #tpu.memory_space<vmem>>
    %dma_wait3A_729 = arith.constant 0 : i32
    %dma_wait3A_730 = tpu.memref_slice %arg4[%select_n3A_644, %mul3A_710, %dma_wait3A_729] : memref<4x616x2048xf32, #tpu.memory_space<hbm>> -> memref<1x8x2048xf32, #tpu.memory_space<hbm>>
    %dma_wait3A_731 = tpu.memref_squeeze %dma_wait3A_730 : memref<1x8x2048xf32, #tpu.memory_space<hbm>> -> memref<8x2048xf32, #tpu.memory_space<hbm>>
    %dma_wait3A_732 = arith.constant 0 : i32
    %dma_wait3A_733 = tpu.memref_slice %arg4[%select_n3A_644, %mul3A_710, %dma_wait3A_732] : memref<4x616x2048xf32, #tpu.memory_space<hbm>> -> memref<1x8x2048xf32, #tpu.memory_space<hbm>>
    %dma_wait3A_734 = tpu.memref_squeeze %dma_wait3A_733 : memref<1x8x2048xf32, #tpu.memory_space<hbm>> -> memref<8x2048xf32, #tpu.memory_space<hbm>>
    %dma_wait3A_735 = arith.constant 0 : i32
    %dma_wait3A_736 = arith.constant 0 : i32
    %dma_wait3A_737 = tpu.memref_slice %arg6[%dma_wait3A_735, %select_n3A_644, %dma_wait3A_736] : memref<8x4x2048xf32, #tpu.memory_space<vmem>> -> memref<8x1x2048xf32, #tpu.memory_space<vmem>>
    %dma_wait3A_738 = tpu.memref_squeeze %dma_wait3A_737 : memref<8x1x2048xf32, #tpu.memory_space<vmem>> -> memref<8x2048xf32, #tpu.memory_space<vmem>>
    tpu.wait_dma2 semaphore(%arg9 : memref<!tpu.dma_semaphore, #tpu.memory_space<semaphore_mem>>) src(%dma_wait3A_738 : memref<8x2048xf32, #tpu.memory_space<vmem>>) dst(%dma_wait3A_734 : memref<8x2048xf32, #tpu.memory_space<hbm>>)
    %add3A_739 = arith.constant 192 : i32
    %add3A_740 = arith.addi %add3A_739, %add3A : i32
    %lt3A_741 = arith.constant 308 : i32
    %lt3A_742 = arith.cmpi slt, %add3A_740, %lt3A_741 : i32
    %sub3A_743 = arith.constant 308 : i32
    %sub3A_744 = arith.subi %add3A_740, %sub3A_743 : i32
    %select_n3A_745 = arith.select %lt3A_742, %add3A_740, %sub3A_744 : i32
    %jit3A_746 = arith.constant 77 : i32
    %div3A_747 = arith.divsi %select_n3A_745, %jit3A_746 : i32
    %sign3A_748 = arith.constant 0 : i32
    %sign3A_749 = arith.cmpi sgt, %select_n3A_745, %sign3A_748 : i32
    %sign3A_750 = arith.extui %sign3A_749 : i1 to i32
    %sign3A_751 = arith.constant 0 : i32
    %sign3A_752 = arith.cmpi slt, %select_n3A_745, %sign3A_751 : i32
    %sign3A_753 = arith.extui %sign3A_752 : i1 to i32
    %sign3A_754 = arith.subi %sign3A_750, %sign3A_753 : i32
    %sign3A_755 = arith.constant 0 : i32
    %sign3A_756 = arith.cmpi sgt, %jit3A_746, %sign3A_755 : i32
    %sign3A_757 = arith.extui %sign3A_756 : i1 to i32
    %sign3A_758 = arith.constant 0 : i32
    %sign3A_759 = arith.cmpi slt, %jit3A_746, %sign3A_758 : i32
    %sign3A_760 = arith.extui %sign3A_759 : i1 to i32
    %sign3A_761 = arith.subi %sign3A_757, %sign3A_760 : i32
    %ne3A_762 = arith.cmpi ne, %sign3A_754, %sign3A_761 : i32
    %rem3A_763 = arith.remsi %select_n3A_745, %jit3A_746 : i32
    %ne3A_764 = arith.constant 0 : i32
    %ne3A_765 = arith.cmpi ne, %rem3A_763, %ne3A_764 : i32
    %and3A_766 = arith.andi %ne3A_762, %ne3A_765 : i1
    %sub3A_767 = arith.constant 1 : i32
    %sub3A_768 = arith.subi %div3A_747, %sub3A_767 : i32
    %select_n3A_769 = arith.select %and3A_766, %sub3A_768, %div3A_747 : i32
    %jit3A_770 = arith.constant 77 : i32
    %eq3A_771 = arith.constant 0 : i32
    %eq3A_772 = arith.cmpi eq, %jit3A_770, %eq3A_771 : i32
    %jit3A_773 = arith.constant 1 : i32
    %select_n3A_774 = arith.select %eq3A_772, %jit3A_773, %jit3A_770 : i32
    %rem3A_775 = arith.remsi %select_n3A_745, %select_n3A_774 : i32
    %ne3A_776 = arith.constant 0 : i32
    %ne3A_777 = arith.cmpi ne, %rem3A_775, %ne3A_776 : i32
    %lt3A_778 = arith.constant 0 : i32
    %lt3A_779 = arith.cmpi slt, %rem3A_775, %lt3A_778 : i32
    %lt3A_780 = arith.constant 0 : i32
    %lt3A_781 = arith.cmpi slt, %select_n3A_774, %lt3A_780 : i32
    %ne3A_782 = arith.xori %lt3A_779, %lt3A_781 : i1
    %and3A_783 = arith.andi %ne3A_782, %ne3A_777 : i1
    %add3A_784 = arith.addi %rem3A_775, %select_n3A_774 : i32
    %select_n3A_785 = arith.select %and3A_783, %add3A_784, %rem3A_775 : i32
    %dma_start3A_786 = arith.constant 0 : i32
    %dma_start3A_787 = arith.constant 0 : i32
    %dma_start3A_788 = arith.constant 0 : i32
    %dma_start3A_789 = arith.constant 0 : i32
    %dma_start3A_790 = tpu.memref_slice %arg6[%dma_start3A_787, %dma_start3A_788, %dma_start3A_789] : memref<8x4x2048xf32, #tpu.memory_space<vmem>> -> memref<4x4x2048xf32, #tpu.memory_space<vmem>>
    %dma_start3A_791 = arith.constant 48 : i32
    %dma_start3A_792 = tpu.memref_slice %arg5[%dma_start3A_786, %dma_start3A_791] : memref<1x80xi32, #tpu.memory_space<vmem>> -> memref<1x4xi32, #tpu.memory_space<vmem>>
    %dma_start3A_793 = tpu.memref_squeeze %dma_start3A_792 : memref<1x4xi32, #tpu.memory_space<vmem>> -> memref<4xi32, #tpu.memory_space<vmem>>
    %dma_start3A_794 = arith.constant 0 : i32
    %dma_start3A_795 = arith.constant 0 : i32
    %dma_start3A_796 = arith.constant 0 : i32
    %dma_start3A_797 = tpu.memref_slice %arg2[%dma_start3A_794, %dma_start3A_795, %dma_start3A_796] : memref<2049x4x2048xf32, #tpu.memory_space<hbm>> -> memref<2049x4x2048xf32, #tpu.memory_space<hbm>>
    tpu.enqueue_indirect_dma source(%dma_start3A_797 : memref<2049x4x2048xf32, #tpu.memory_space<hbm>>) target(%dma_start3A_790 : memref<4x4x2048xf32, #tpu.memory_space<vmem>>) offsets(%dma_start3A_793 : memref<4xi32, #tpu.memory_space<vmem>>) semaphore(%arg7 : memref<!tpu.dma_semaphore, #tpu.memory_space<semaphore_mem>>)
    %dma_start3A_798 = arith.constant 0 : i32
    %dma_start3A_799 = arith.constant 4 : i32
    %dma_start3A_800 = arith.constant 0 : i32
    %dma_start3A_801 = arith.constant 0 : i32
    %dma_start3A_802 = tpu.memref_slice %arg6[%dma_start3A_799, %dma_start3A_800, %dma_start3A_801] : memref<8x4x2048xf32, #tpu.memory_space<vmem>> -> memref<4x4x2048xf32, #tpu.memory_space<vmem>>
    %dma_start3A_803 = arith.constant 52 : i32
    %dma_start3A_804 = tpu.memref_slice %arg5[%dma_start3A_798, %dma_start3A_803] : memref<1x80xi32, #tpu.memory_space<vmem>> -> memref<1x4xi32, #tpu.memory_space<vmem>>
    %dma_start3A_805 = tpu.memref_squeeze %dma_start3A_804 : memref<1x4xi32, #tpu.memory_space<vmem>> -> memref<4xi32, #tpu.memory_space<vmem>>
    %dma_start3A_806 = arith.constant 0 : i32
    %dma_start3A_807 = arith.constant 0 : i32
    %dma_start3A_808 = arith.constant 0 : i32
    %dma_start3A_809 = tpu.memref_slice %arg2[%dma_start3A_806, %dma_start3A_807, %dma_start3A_808] : memref<2049x4x2048xf32, #tpu.memory_space<hbm>> -> memref<2049x4x2048xf32, #tpu.memory_space<hbm>>
    tpu.enqueue_indirect_dma source(%dma_start3A_809 : memref<2049x4x2048xf32, #tpu.memory_space<hbm>>) target(%dma_start3A_802 : memref<4x4x2048xf32, #tpu.memory_space<vmem>>) offsets(%dma_start3A_805 : memref<4xi32, #tpu.memory_space<vmem>>) semaphore(%arg8 : memref<!tpu.dma_semaphore, #tpu.memory_space<semaphore_mem>>)
    %dma_wait3A_810 = arith.constant 0 : i32
    %dma_wait3A_811 = arith.constant 0 : i32
    %dma_wait3A_812 = arith.constant 0 : i32
    %dma_wait3A_813 = arith.constant 0 : i32
    %dma_wait3A_814 = tpu.memref_slice %arg6[%dma_wait3A_811, %dma_wait3A_812, %dma_wait3A_813] : memref<8x4x2048xf32, #tpu.memory_space<vmem>> -> memref<4x4x2048xf32, #tpu.memory_space<vmem>>
    %dma_wait3A_815 = arith.constant 48 : i32
    %dma_wait3A_816 = tpu.memref_slice %arg5[%dma_wait3A_810, %dma_wait3A_815] : memref<1x80xi32, #tpu.memory_space<vmem>> -> memref<1x4xi32, #tpu.memory_space<vmem>>
    %dma_wait3A_817 = tpu.memref_squeeze %dma_wait3A_816 : memref<1x4xi32, #tpu.memory_space<vmem>> -> memref<4xi32, #tpu.memory_space<vmem>>
    %dma_wait3A_818 = arith.constant 0 : i32
    %dma_wait3A_819 = arith.constant 0 : i32
    %dma_wait3A_820 = arith.constant 0 : i32
    %dma_wait3A_821 = tpu.memref_slice %arg2[%dma_wait3A_818, %dma_wait3A_819, %dma_wait3A_820] : memref<2049x4x2048xf32, #tpu.memory_space<hbm>> -> memref<2049x4x2048xf32, #tpu.memory_space<hbm>>
    tpu.wait_indirect_dma semaphore(%arg7 : memref<!tpu.dma_semaphore, #tpu.memory_space<semaphore_mem>>) src(%dma_wait3A_821 : memref<2049x4x2048xf32, #tpu.memory_space<hbm>>) dst(%dma_wait3A_814 : memref<4x4x2048xf32, #tpu.memory_space<vmem>>)
    %dma_wait3A_822 = arith.constant 0 : i32
    %dma_wait3A_823 = arith.constant 4 : i32
    %dma_wait3A_824 = arith.constant 0 : i32
    %dma_wait3A_825 = arith.constant 0 : i32
    %dma_wait3A_826 = tpu.memref_slice %arg6[%dma_wait3A_823, %dma_wait3A_824, %dma_wait3A_825] : memref<8x4x2048xf32, #tpu.memory_space<vmem>> -> memref<4x4x2048xf32, #tpu.memory_space<vmem>>
    %dma_wait3A_827 = arith.constant 52 : i32
    %dma_wait3A_828 = tpu.memref_slice %arg5[%dma_wait3A_822, %dma_wait3A_827] : memref<1x80xi32, #tpu.memory_space<vmem>> -> memref<1x4xi32, #tpu.memory_space<vmem>>
    %dma_wait3A_829 = tpu.memref_squeeze %dma_wait3A_828 : memref<1x4xi32, #tpu.memory_space<vmem>> -> memref<4xi32, #tpu.memory_space<vmem>>
    %dma_wait3A_830 = arith.constant 0 : i32
    %dma_wait3A_831 = arith.constant 0 : i32
    %dma_wait3A_832 = arith.constant 0 : i32
    %dma_wait3A_833 = tpu.memref_slice %arg2[%dma_wait3A_830, %dma_wait3A_831, %dma_wait3A_832] : memref<2049x4x2048xf32, #tpu.memory_space<hbm>> -> memref<2049x4x2048xf32, #tpu.memory_space<hbm>>
    tpu.wait_indirect_dma semaphore(%arg8 : memref<!tpu.dma_semaphore, #tpu.memory_space<semaphore_mem>>) src(%dma_wait3A_833 : memref<2049x4x2048xf32, #tpu.memory_space<hbm>>) dst(%dma_wait3A_826 : memref<4x4x2048xf32, #tpu.memory_space<vmem>>)
    %mul3A_834 = arith.constant 8 : i32
    %mul3A_835 = arith.muli %select_n3A_785, %mul3A_834 : i32
    %dma_start3A_836 = arith.constant 0 : i32
    %dma_start3A_837 = arith.constant 0 : i32
    %dma_start3A_838 = tpu.memref_slice %arg6[%dma_start3A_836, %select_n3A_769, %dma_start3A_837] : memref<8x4x2048xf32, #tpu.memory_space<vmem>> -> memref<8x1x2048xf32, #tpu.memory_space<vmem>>
    %dma_start3A_839 = tpu.memref_squeeze %dma_start3A_838 : memref<8x1x2048xf32, #tpu.memory_space<vmem>> -> memref<8x2048xf32, #tpu.memory_space<vmem>>
    %dma_start3A_840 = arith.constant 0 : i32
    %dma_start3A_841 = tpu.memref_slice %arg4[%select_n3A_769, %mul3A_835, %dma_start3A_840] : memref<4x616x2048xf32, #tpu.memory_space<hbm>> -> memref<1x8x2048xf32, #tpu.memory_space<hbm>>
    %dma_start3A_842 = tpu.memref_squeeze %dma_start3A_841 : memref<1x8x2048xf32, #tpu.memory_space<hbm>> -> memref<8x2048xf32, #tpu.memory_space<hbm>>
    %dma_start3A_843 = arith.constant 0 : i32
    %dma_start3A_844 = tpu.memref_slice %arg4[%select_n3A_769, %mul3A_835, %dma_start3A_843] : memref<4x616x2048xf32, #tpu.memory_space<hbm>> -> memref<1x8x2048xf32, #tpu.memory_space<hbm>>
    %dma_start3A_845 = tpu.memref_squeeze %dma_start3A_844 : memref<1x8x2048xf32, #tpu.memory_space<hbm>> -> memref<8x2048xf32, #tpu.memory_space<hbm>>
    %dma_start3A_846 = arith.constant 0 : i32
    %dma_start3A_847 = arith.constant 0 : i32
    %dma_start3A_848 = tpu.memref_slice %arg6[%dma_start3A_846, %select_n3A_769, %dma_start3A_847] : memref<8x4x2048xf32, #tpu.memory_space<vmem>> -> memref<8x1x2048xf32, #tpu.memory_space<vmem>>
    %dma_start3A_849 = tpu.memref_squeeze %dma_start3A_848 : memref<8x1x2048xf32, #tpu.memory_space<vmem>> -> memref<8x2048xf32, #tpu.memory_space<vmem>>
    tpu.enqueue_dma source(%dma_start3A_849 : memref<8x2048xf32, #tpu.memory_space<vmem>>) target(%dma_start3A_845 : memref<8x2048xf32, #tpu.memory_space<hbm>>) target_semaphore(%arg9 : memref<!tpu.dma_semaphore, #tpu.memory_space<semaphore_mem>>)
    %dma_wait3A_850 = arith.constant 0 : i32
    %dma_wait3A_851 = arith.constant 0 : i32
    %dma_wait3A_852 = tpu.memref_slice %arg6[%dma_wait3A_850, %select_n3A_769, %dma_wait3A_851] : memref<8x4x2048xf32, #tpu.memory_space<vmem>> -> memref<8x1x2048xf32, #tpu.memory_space<vmem>>
    %dma_wait3A_853 = tpu.memref_squeeze %dma_wait3A_852 : memref<8x1x2048xf32, #tpu.memory_space<vmem>> -> memref<8x2048xf32, #tpu.memory_space<vmem>>
    %dma_wait3A_854 = arith.constant 0 : i32
    %dma_wait3A_855 = tpu.memref_slice %arg4[%select_n3A_769, %mul3A_835, %dma_wait3A_854] : memref<4x616x2048xf32, #tpu.memory_space<hbm>> -> memref<1x8x2048xf32, #tpu.memory_space<hbm>>
    %dma_wait3A_856 = tpu.memref_squeeze %dma_wait3A_855 : memref<1x8x2048xf32, #tpu.memory_space<hbm>> -> memref<8x2048xf32, #tpu.memory_space<hbm>>
    %dma_wait3A_857 = arith.constant 0 : i32
    %dma_wait3A_858 = tpu.memref_slice %arg4[%select_n3A_769, %mul3A_835, %dma_wait3A_857] : memref<4x616x2048xf32, #tpu.memory_space<hbm>> -> memref<1x8x2048xf32, #tpu.memory_space<hbm>>
    %dma_wait3A_859 = tpu.memref_squeeze %dma_wait3A_858 : memref<1x8x2048xf32, #tpu.memory_space<hbm>> -> memref<8x2048xf32, #tpu.memory_space<hbm>>
    %dma_wait3A_860 = arith.constant 0 : i32
    %dma_wait3A_861 = arith.constant 0 : i32
    %dma_wait3A_862 = tpu.memref_slice %arg6[%dma_wait3A_860, %select_n3A_769, %dma_wait3A_861] : memref<8x4x2048xf32, #tpu.memory_space<vmem>> -> memref<8x1x2048xf32, #tpu.memory_space<vmem>>
    %dma_wait3A_863 = tpu.memref_squeeze %dma_wait3A_862 : memref<8x1x2048xf32, #tpu.memory_space<vmem>> -> memref<8x2048xf32, #tpu.memory_space<vmem>>
    tpu.wait_dma2 semaphore(%arg9 : memref<!tpu.dma_semaphore, #tpu.memory_space<semaphore_mem>>) src(%dma_wait3A_863 : memref<8x2048xf32, #tpu.memory_space<vmem>>) dst(%dma_wait3A_859 : memref<8x2048xf32, #tpu.memory_space<hbm>>)
    %add3A_864 = arith.constant 224 : i32
    %add3A_865 = arith.addi %add3A_864, %add3A : i32
    %lt3A_866 = arith.constant 308 : i32
    %lt3A_867 = arith.cmpi slt, %add3A_865, %lt3A_866 : i32
    %sub3A_868 = arith.constant 308 : i32
    %sub3A_869 = arith.subi %add3A_865, %sub3A_868 : i32
    %select_n3A_870 = arith.select %lt3A_867, %add3A_865, %sub3A_869 : i32
    %jit3A_871 = arith.constant 77 : i32
    %div3A_872 = arith.divsi %select_n3A_870, %jit3A_871 : i32
    %sign3A_873 = arith.constant 0 : i32
    %sign3A_874 = arith.cmpi sgt, %select_n3A_870, %sign3A_873 : i32
    %sign3A_875 = arith.extui %sign3A_874 : i1 to i32
    %sign3A_876 = arith.constant 0 : i32
    %sign3A_877 = arith.cmpi slt, %select_n3A_870, %sign3A_876 : i32
    %sign3A_878 = arith.extui %sign3A_877 : i1 to i32
    %sign3A_879 = arith.subi %sign3A_875, %sign3A_878 : i32
    %sign3A_880 = arith.constant 0 : i32
    %sign3A_881 = arith.cmpi sgt, %jit3A_871, %sign3A_880 : i32
    %sign3A_882 = arith.extui %sign3A_881 : i1 to i32
    %sign3A_883 = arith.constant 0 : i32
    %sign3A_884 = arith.cmpi slt, %jit3A_871, %sign3A_883 : i32
    %sign3A_885 = arith.extui %sign3A_884 : i1 to i32
    %sign3A_886 = arith.subi %sign3A_882, %sign3A_885 : i32
    %ne3A_887 = arith.cmpi ne, %sign3A_879, %sign3A_886 : i32
    %rem3A_888 = arith.remsi %select_n3A_870, %jit3A_871 : i32
    %ne3A_889 = arith.constant 0 : i32
    %ne3A_890 = arith.cmpi ne, %rem3A_888, %ne3A_889 : i32
    %and3A_891 = arith.andi %ne3A_887, %ne3A_890 : i1
    %sub3A_892 = arith.constant 1 : i32
    %sub3A_893 = arith.subi %div3A_872, %sub3A_892 : i32
    %select_n3A_894 = arith.select %and3A_891, %sub3A_893, %div3A_872 : i32
    %jit3A_895 = arith.constant 77 : i32
    %eq3A_896 = arith.constant 0 : i32
    %eq3A_897 = arith.cmpi eq, %jit3A_895, %eq3A_896 : i32
    %jit3A_898 = arith.constant 1 : i32
    %select_n3A_899 = arith.select %eq3A_897, %jit3A_898, %jit3A_895 : i32
    %rem3A_900 = arith.remsi %select_n3A_870, %select_n3A_899 : i32
    %ne3A_901 = arith.constant 0 : i32
    %ne3A_902 = arith.cmpi ne, %rem3A_900, %ne3A_901 : i32
    %lt3A_903 = arith.constant 0 : i32
    %lt3A_904 = arith.cmpi slt, %rem3A_900, %lt3A_903 : i32
    %lt3A_905 = arith.constant 0 : i32
    %lt3A_906 = arith.cmpi slt, %select_n3A_899, %lt3A_905 : i32
    %ne3A_907 = arith.xori %lt3A_904, %lt3A_906 : i1
    %and3A_908 = arith.andi %ne3A_907, %ne3A_902 : i1
    %add3A_909 = arith.addi %rem3A_900, %select_n3A_899 : i32
    %select_n3A_910 = arith.select %and3A_908, %add3A_909, %rem3A_900 : i32
    %dma_start3A_911 = arith.constant 0 : i32
    %dma_start3A_912 = arith.constant 0 : i32
    %dma_start3A_913 = arith.constant 0 : i32
    %dma_start3A_914 = arith.constant 0 : i32
    %dma_start3A_915 = tpu.memref_slice %arg6[%dma_start3A_912, %dma_start3A_913, %dma_start3A_914] : memref<8x4x2048xf32, #tpu.memory_space<vmem>> -> memref<4x4x2048xf32, #tpu.memory_space<vmem>>
    %dma_start3A_916 = arith.constant 56 : i32
    %dma_start3A_917 = tpu.memref_slice %arg5[%dma_start3A_911, %dma_start3A_916] : memref<1x80xi32, #tpu.memory_space<vmem>> -> memref<1x4xi32, #tpu.memory_space<vmem>>
    %dma_start3A_918 = tpu.memref_squeeze %dma_start3A_917 : memref<1x4xi32, #tpu.memory_space<vmem>> -> memref<4xi32, #tpu.memory_space<vmem>>
    %dma_start3A_919 = arith.constant 0 : i32
    %dma_start3A_920 = arith.constant 0 : i32
    %dma_start3A_921 = arith.constant 0 : i32
    %dma_start3A_922 = tpu.memref_slice %arg2[%dma_start3A_919, %dma_start3A_920, %dma_start3A_921] : memref<2049x4x2048xf32, #tpu.memory_space<hbm>> -> memref<2049x4x2048xf32, #tpu.memory_space<hbm>>
    tpu.enqueue_indirect_dma source(%dma_start3A_922 : memref<2049x4x2048xf32, #tpu.memory_space<hbm>>) target(%dma_start3A_915 : memref<4x4x2048xf32, #tpu.memory_space<vmem>>) offsets(%dma_start3A_918 : memref<4xi32, #tpu.memory_space<vmem>>) semaphore(%arg7 : memref<!tpu.dma_semaphore, #tpu.memory_space<semaphore_mem>>)
    %dma_start3A_923 = arith.constant 0 : i32
    %dma_start3A_924 = arith.constant 4 : i32
    %dma_start3A_925 = arith.constant 0 : i32
    %dma_start3A_926 = arith.constant 0 : i32
    %dma_start3A_927 = tpu.memref_slice %arg6[%dma_start3A_924, %dma_start3A_925, %dma_start3A_926] : memref<8x4x2048xf32, #tpu.memory_space<vmem>> -> memref<4x4x2048xf32, #tpu.memory_space<vmem>>
    %dma_start3A_928 = arith.constant 60 : i32
    %dma_start3A_929 = tpu.memref_slice %arg5[%dma_start3A_923, %dma_start3A_928] : memref<1x80xi32, #tpu.memory_space<vmem>> -> memref<1x4xi32, #tpu.memory_space<vmem>>
    %dma_start3A_930 = tpu.memref_squeeze %dma_start3A_929 : memref<1x4xi32, #tpu.memory_space<vmem>> -> memref<4xi32, #tpu.memory_space<vmem>>
    %dma_start3A_931 = arith.constant 0 : i32
    %dma_start3A_932 = arith.constant 0 : i32
    %dma_start3A_933 = arith.constant 0 : i32
    %dma_start3A_934 = tpu.memref_slice %arg2[%dma_start3A_931, %dma_start3A_932, %dma_start3A_933] : memref<2049x4x2048xf32, #tpu.memory_space<hbm>> -> memref<2049x4x2048xf32, #tpu.memory_space<hbm>>
    tpu.enqueue_indirect_dma source(%dma_start3A_934 : memref<2049x4x2048xf32, #tpu.memory_space<hbm>>) target(%dma_start3A_927 : memref<4x4x2048xf32, #tpu.memory_space<vmem>>) offsets(%dma_start3A_930 : memref<4xi32, #tpu.memory_space<vmem>>) semaphore(%arg8 : memref<!tpu.dma_semaphore, #tpu.memory_space<semaphore_mem>>)
    %dma_wait3A_935 = arith.constant 0 : i32
    %dma_wait3A_936 = arith.constant 0 : i32
    %dma_wait3A_937 = arith.constant 0 : i32
    %dma_wait3A_938 = arith.constant 0 : i32
    %dma_wait3A_939 = tpu.memref_slice %arg6[%dma_wait3A_936, %dma_wait3A_937, %dma_wait3A_938] : memref<8x4x2048xf32, #tpu.memory_space<vmem>> -> memref<4x4x2048xf32, #tpu.memory_space<vmem>>
    %dma_wait3A_940 = arith.constant 56 : i32
    %dma_wait3A_941 = tpu.memref_slice %arg5[%dma_wait3A_935, %dma_wait3A_940] : memref<1x80xi32, #tpu.memory_space<vmem>> -> memref<1x4xi32, #tpu.memory_space<vmem>>
    %dma_wait3A_942 = tpu.memref_squeeze %dma_wait3A_941 : memref<1x4xi32, #tpu.memory_space<vmem>> -> memref<4xi32, #tpu.memory_space<vmem>>
    %dma_wait3A_943 = arith.constant 0 : i32
    %dma_wait3A_944 = arith.constant 0 : i32
    %dma_wait3A_945 = arith.constant 0 : i32
    %dma_wait3A_946 = tpu.memref_slice %arg2[%dma_wait3A_943, %dma_wait3A_944, %dma_wait3A_945] : memref<2049x4x2048xf32, #tpu.memory_space<hbm>> -> memref<2049x4x2048xf32, #tpu.memory_space<hbm>>
    tpu.wait_indirect_dma semaphore(%arg7 : memref<!tpu.dma_semaphore, #tpu.memory_space<semaphore_mem>>) src(%dma_wait3A_946 : memref<2049x4x2048xf32, #tpu.memory_space<hbm>>) dst(%dma_wait3A_939 : memref<4x4x2048xf32, #tpu.memory_space<vmem>>)
    %dma_wait3A_947 = arith.constant 0 : i32
    %dma_wait3A_948 = arith.constant 4 : i32
    %dma_wait3A_949 = arith.constant 0 : i32
    %dma_wait3A_950 = arith.constant 0 : i32
    %dma_wait3A_951 = tpu.memref_slice %arg6[%dma_wait3A_948, %dma_wait3A_949, %dma_wait3A_950] : memref<8x4x2048xf32, #tpu.memory_space<vmem>> -> memref<4x4x2048xf32, #tpu.memory_space<vmem>>
    %dma_wait3A_952 = arith.constant 60 : i32
    %dma_wait3A_953 = tpu.memref_slice %arg5[%dma_wait3A_947, %dma_wait3A_952] : memref<1x80xi32, #tpu.memory_space<vmem>> -> memref<1x4xi32, #tpu.memory_space<vmem>>
    %dma_wait3A_954 = tpu.memref_squeeze %dma_wait3A_953 : memref<1x4xi32, #tpu.memory_space<vmem>> -> memref<4xi32, #tpu.memory_space<vmem>>
    %dma_wait3A_955 = arith.constant 0 : i32
    %dma_wait3A_956 = arith.constant 0 : i32
    %dma_wait3A_957 = arith.constant 0 : i32
    %dma_wait3A_958 = tpu.memref_slice %arg2[%dma_wait3A_955, %dma_wait3A_956, %dma_wait3A_957] : memref<2049x4x2048xf32, #tpu.memory_space<hbm>> -> memref<2049x4x2048xf32, #tpu.memory_space<hbm>>
    tpu.wait_indirect_dma semaphore(%arg8 : memref<!tpu.dma_semaphore, #tpu.memory_space<semaphore_mem>>) src(%dma_wait3A_958 : memref<2049x4x2048xf32, #tpu.memory_space<hbm>>) dst(%dma_wait3A_951 : memref<4x4x2048xf32, #tpu.memory_space<vmem>>)
    %mul3A_959 = arith.constant 8 : i32
    %mul3A_960 = arith.muli %select_n3A_910, %mul3A_959 : i32
    %dma_start3A_961 = arith.constant 0 : i32
    %dma_start3A_962 = arith.constant 0 : i32
    %dma_start3A_963 = tpu.memref_slice %arg6[%dma_start3A_961, %select_n3A_894, %dma_start3A_962] : memref<8x4x2048xf32, #tpu.memory_space<vmem>> -> memref<8x1x2048xf32, #tpu.memory_space<vmem>>
    %dma_start3A_964 = tpu.memref_squeeze %dma_start3A_963 : memref<8x1x2048xf32, #tpu.memory_space<vmem>> -> memref<8x2048xf32, #tpu.memory_space<vmem>>
    %dma_start3A_965 = arith.constant 0 : i32
    %dma_start3A_966 = tpu.memref_slice %arg4[%select_n3A_894, %mul3A_960, %dma_start3A_965] : memref<4x616x2048xf32, #tpu.memory_space<hbm>> -> memref<1x8x2048xf32, #tpu.memory_space<hbm>>
    %dma_start3A_967 = tpu.memref_squeeze %dma_start3A_966 : memref<1x8x2048xf32, #tpu.memory_space<hbm>> -> memref<8x2048xf32, #tpu.memory_space<hbm>>
    %dma_start3A_968 = arith.constant 0 : i32
    %dma_start3A_969 = tpu.memref_slice %arg4[%select_n3A_894, %mul3A_960, %dma_start3A_968] : memref<4x616x2048xf32, #tpu.memory_space<hbm>> -> memref<1x8x2048xf32, #tpu.memory_space<hbm>>
    %dma_start3A_970 = tpu.memref_squeeze %dma_start3A_969 : memref<1x8x2048xf32, #tpu.memory_space<hbm>> -> memref<8x2048xf32, #tpu.memory_space<hbm>>
    %dma_start3A_971 = arith.constant 0 : i32
    %dma_start3A_972 = arith.constant 0 : i32
    %dma_start3A_973 = tpu.memref_slice %arg6[%dma_start3A_971, %select_n3A_894, %dma_start3A_972] : memref<8x4x2048xf32, #tpu.memory_space<vmem>> -> memref<8x1x2048xf32, #tpu.memory_space<vmem>>
    %dma_start3A_974 = tpu.memref_squeeze %dma_start3A_973 : memref<8x1x2048xf32, #tpu.memory_space<vmem>> -> memref<8x2048xf32, #tpu.memory_space<vmem>>
    tpu.enqueue_dma source(%dma_start3A_974 : memref<8x2048xf32, #tpu.memory_space<vmem>>) target(%dma_start3A_970 : memref<8x2048xf32, #tpu.memory_space<hbm>>) target_semaphore(%arg9 : memref<!tpu.dma_semaphore, #tpu.memory_space<semaphore_mem>>)
    %dma_wait3A_975 = arith.constant 0 : i32
    %dma_wait3A_976 = arith.constant 0 : i32
    %dma_wait3A_977 = tpu.memref_slice %arg6[%dma_wait3A_975, %select_n3A_894, %dma_wait3A_976] : memref<8x4x2048xf32, #tpu.memory_space<vmem>> -> memref<8x1x2048xf32, #tpu.memory_space<vmem>>
    %dma_wait3A_978 = tpu.memref_squeeze %dma_wait3A_977 : memref<8x1x2048xf32, #tpu.memory_space<vmem>> -> memref<8x2048xf32, #tpu.memory_space<vmem>>
    %dma_wait3A_979 = arith.constant 0 : i32
    %dma_wait3A_980 = tpu.memref_slice %arg4[%select_n3A_894, %mul3A_960, %dma_wait3A_979] : memref<4x616x2048xf32, #tpu.memory_space<hbm>> -> memref<1x8x2048xf32, #tpu.memory_space<hbm>>
    %dma_wait3A_981 = tpu.memref_squeeze %dma_wait3A_980 : memref<1x8x2048xf32, #tpu.memory_space<hbm>> -> memref<8x2048xf32, #tpu.memory_space<hbm>>
    %dma_wait3A_982 = arith.constant 0 : i32
    %dma_wait3A_983 = tpu.memref_slice %arg4[%select_n3A_894, %mul3A_960, %dma_wait3A_982] : memref<4x616x2048xf32, #tpu.memory_space<hbm>> -> memref<1x8x2048xf32, #tpu.memory_space<hbm>>
    %dma_wait3A_984 = tpu.memref_squeeze %dma_wait3A_983 : memref<1x8x2048xf32, #tpu.memory_space<hbm>> -> memref<8x2048xf32, #tpu.memory_space<hbm>>
    %dma_wait3A_985 = arith.constant 0 : i32
    %dma_wait3A_986 = arith.constant 0 : i32
    %dma_wait3A_987 = tpu.memref_slice %arg6[%dma_wait3A_985, %select_n3A_894, %dma_wait3A_986] : memref<8x4x2048xf32, #tpu.memory_space<vmem>> -> memref<8x1x2048xf32, #tpu.memory_space<vmem>>
    %dma_wait3A_988 = tpu.memref_squeeze %dma_wait3A_987 : memref<8x1x2048xf32, #tpu.memory_space<vmem>> -> memref<8x2048xf32, #tpu.memory_space<vmem>>
    tpu.wait_dma2 semaphore(%arg9 : memref<!tpu.dma_semaphore, #tpu.memory_space<semaphore_mem>>) src(%dma_wait3A_988 : memref<8x2048xf32, #tpu.memory_space<vmem>>) dst(%dma_wait3A_984 : memref<8x2048xf32, #tpu.memory_space<hbm>>)
    %add3A_989 = arith.constant 256 : i32
    %add3A_990 = arith.addi %add3A_989, %add3A : i32
    %lt3A_991 = arith.constant 308 : i32
    %lt3A_992 = arith.cmpi slt, %add3A_990, %lt3A_991 : i32
    %sub3A_993 = arith.constant 308 : i32
    %sub3A_994 = arith.subi %add3A_990, %sub3A_993 : i32
    %select_n3A_995 = arith.select %lt3A_992, %add3A_990, %sub3A_994 : i32
    %jit3A_996 = arith.constant 77 : i32
    %div3A_997 = arith.divsi %select_n3A_995, %jit3A_996 : i32
    %sign3A_998 = arith.constant 0 : i32
    %sign3A_999 = arith.cmpi sgt, %select_n3A_995, %sign3A_998 : i32
    %sign3A_1000 = arith.extui %sign3A_999 : i1 to i32
    %sign3A_1001 = arith.constant 0 : i32
    %sign3A_1002 = arith.cmpi slt, %select_n3A_995, %sign3A_1001 : i32
    %sign3A_1003 = arith.extui %sign3A_1002 : i1 to i32
    %sign3A_1004 = arith.subi %sign3A_1000, %sign3A_1003 : i32
    %sign3A_1005 = arith.constant 0 : i32
    %sign3A_1006 = arith.cmpi sgt, %jit3A_996, %sign3A_1005 : i32
    %sign3A_1007 = arith.extui %sign3A_1006 : i1 to i32
    %sign3A_1008 = arith.constant 0 : i32
    %sign3A_1009 = arith.cmpi slt, %jit3A_996, %sign3A_1008 : i32
    %sign3A_1010 = arith.extui %sign3A_1009 : i1 to i32
    %sign3A_1011 = arith.subi %sign3A_1007, %sign3A_1010 : i32
    %ne3A_1012 = arith.cmpi ne, %sign3A_1004, %sign3A_1011 : i32
    %rem3A_1013 = arith.remsi %select_n3A_995, %jit3A_996 : i32
    %ne3A_1014 = arith.constant 0 : i32
    %ne3A_1015 = arith.cmpi ne, %rem3A_1013, %ne3A_1014 : i32
    %and3A_1016 = arith.andi %ne3A_1012, %ne3A_1015 : i1
    %sub3A_1017 = arith.constant 1 : i32
    %sub3A_1018 = arith.subi %div3A_997, %sub3A_1017 : i32
    %select_n3A_1019 = arith.select %and3A_1016, %sub3A_1018, %div3A_997 : i32
    %jit3A_1020 = arith.constant 77 : i32
    %eq3A_1021 = arith.constant 0 : i32
    %eq3A_1022 = arith.cmpi eq, %jit3A_1020, %eq3A_1021 : i32
    %jit3A_1023 = arith.constant 1 : i32
    %select_n3A_1024 = arith.select %eq3A_1022, %jit3A_1023, %jit3A_1020 : i32
    %rem3A_1025 = arith.remsi %select_n3A_995, %select_n3A_1024 : i32
    %ne3A_1026 = arith.constant 0 : i32
    %ne3A_1027 = arith.cmpi ne, %rem3A_1025, %ne3A_1026 : i32
    %lt3A_1028 = arith.constant 0 : i32
    %lt3A_1029 = arith.cmpi slt, %rem3A_1025, %lt3A_1028 : i32
    %lt3A_1030 = arith.constant 0 : i32
    %lt3A_1031 = arith.cmpi slt, %select_n3A_1024, %lt3A_1030 : i32
    %ne3A_1032 = arith.xori %lt3A_1029, %lt3A_1031 : i1
    %and3A_1033 = arith.andi %ne3A_1032, %ne3A_1027 : i1
    %add3A_1034 = arith.addi %rem3A_1025, %select_n3A_1024 : i32
    %select_n3A_1035 = arith.select %and3A_1033, %add3A_1034, %rem3A_1025 : i32
    %dma_start3A_1036 = arith.constant 0 : i32
    %dma_start3A_1037 = arith.constant 0 : i32
    %dma_start3A_1038 = arith.constant 0 : i32
    %dma_start3A_1039 = arith.constant 0 : i32
    %dma_start3A_1040 = tpu.memref_slice %arg6[%dma_start3A_1037, %dma_start3A_1038, %dma_start3A_1039] : memref<8x4x2048xf32, #tpu.memory_space<vmem>> -> memref<4x4x2048xf32, #tpu.memory_space<vmem>>
    %dma_start3A_1041 = arith.constant 64 : i32
    %dma_start3A_1042 = tpu.memref_slice %arg5[%dma_start3A_1036, %dma_start3A_1041] : memref<1x80xi32, #tpu.memory_space<vmem>> -> memref<1x4xi32, #tpu.memory_space<vmem>>
    %dma_start3A_1043 = tpu.memref_squeeze %dma_start3A_1042 : memref<1x4xi32, #tpu.memory_space<vmem>> -> memref<4xi32, #tpu.memory_space<vmem>>
    %dma_start3A_1044 = arith.constant 0 : i32
    %dma_start3A_1045 = arith.constant 0 : i32
    %dma_start3A_1046 = arith.constant 0 : i32
    %dma_start3A_1047 = tpu.memref_slice %arg2[%dma_start3A_1044, %dma_start3A_1045, %dma_start3A_1046] : memref<2049x4x2048xf32, #tpu.memory_space<hbm>> -> memref<2049x4x2048xf32, #tpu.memory_space<hbm>>
    tpu.enqueue_indirect_dma source(%dma_start3A_1047 : memref<2049x4x2048xf32, #tpu.memory_space<hbm>>) target(%dma_start3A_1040 : memref<4x4x2048xf32, #tpu.memory_space<vmem>>) offsets(%dma_start3A_1043 : memref<4xi32, #tpu.memory_space<vmem>>) semaphore(%arg7 : memref<!tpu.dma_semaphore, #tpu.memory_space<semaphore_mem>>)
    %dma_start3A_1048 = arith.constant 0 : i32
    %dma_start3A_1049 = arith.constant 4 : i32
    %dma_start3A_1050 = arith.constant 0 : i32
    %dma_start3A_1051 = arith.constant 0 : i32
    %dma_start3A_1052 = tpu.memref_slice %arg6[%dma_start3A_1049, %dma_start3A_1050, %dma_start3A_1051] : memref<8x4x2048xf32, #tpu.memory_space<vmem>> -> memref<4x4x2048xf32, #tpu.memory_space<vmem>>
    %dma_start3A_1053 = arith.constant 68 : i32
    %dma_start3A_1054 = tpu.memref_slice %arg5[%dma_start3A_1048, %dma_start3A_1053] : memref<1x80xi32, #tpu.memory_space<vmem>> -> memref<1x4xi32, #tpu.memory_space<vmem>>
    %dma_start3A_1055 = tpu.memref_squeeze %dma_start3A_1054 : memref<1x4xi32, #tpu.memory_space<vmem>> -> memref<4xi32, #tpu.memory_space<vmem>>
    %dma_start3A_1056 = arith.constant 0 : i32
    %dma_start3A_1057 = arith.constant 0 : i32
    %dma_start3A_1058 = arith.constant 0 : i32
    %dma_start3A_1059 = tpu.memref_slice %arg2[%dma_start3A_1056, %dma_start3A_1057, %dma_start3A_1058] : memref<2049x4x2048xf32, #tpu.memory_space<hbm>> -> memref<2049x4x2048xf32, #tpu.memory_space<hbm>>
    tpu.enqueue_indirect_dma source(%dma_start3A_1059 : memref<2049x4x2048xf32, #tpu.memory_space<hbm>>) target(%dma_start3A_1052 : memref<4x4x2048xf32, #tpu.memory_space<vmem>>) offsets(%dma_start3A_1055 : memref<4xi32, #tpu.memory_space<vmem>>) semaphore(%arg8 : memref<!tpu.dma_semaphore, #tpu.memory_space<semaphore_mem>>)
    %dma_wait3A_1060 = arith.constant 0 : i32
    %dma_wait3A_1061 = arith.constant 0 : i32
    %dma_wait3A_1062 = arith.constant 0 : i32
    %dma_wait3A_1063 = arith.constant 0 : i32
    %dma_wait3A_1064 = tpu.memref_slice %arg6[%dma_wait3A_1061, %dma_wait3A_1062, %dma_wait3A_1063] : memref<8x4x2048xf32, #tpu.memory_space<vmem>> -> memref<4x4x2048xf32, #tpu.memory_space<vmem>>
    %dma_wait3A_1065 = arith.constant 64 : i32
    %dma_wait3A_1066 = tpu.memref_slice %arg5[%dma_wait3A_1060, %dma_wait3A_1065] : memref<1x80xi32, #tpu.memory_space<vmem>> -> memref<1x4xi32, #tpu.memory_space<vmem>>
    %dma_wait3A_1067 = tpu.memref_squeeze %dma_wait3A_1066 : memref<1x4xi32, #tpu.memory_space<vmem>> -> memref<4xi32, #tpu.memory_space<vmem>>
    %dma_wait3A_1068 = arith.constant 0 : i32
    %dma_wait3A_1069 = arith.constant 0 : i32
    %dma_wait3A_1070 = arith.constant 0 : i32
    %dma_wait3A_1071 = tpu.memref_slice %arg2[%dma_wait3A_1068, %dma_wait3A_1069, %dma_wait3A_1070] : memref<2049x4x2048xf32, #tpu.memory_space<hbm>> -> memref<2049x4x2048xf32, #tpu.memory_space<hbm>>
    tpu.wait_indirect_dma semaphore(%arg7 : memref<!tpu.dma_semaphore, #tpu.memory_space<semaphore_mem>>) src(%dma_wait3A_1071 : memref<2049x4x2048xf32, #tpu.memory_space<hbm>>) dst(%dma_wait3A_1064 : memref<4x4x2048xf32, #tpu.memory_space<vmem>>)
    %dma_wait3A_1072 = arith.constant 0 : i32
    %dma_wait3A_1073 = arith.constant 4 : i32
    %dma_wait3A_1074 = arith.constant 0 : i32
    %dma_wait3A_1075 = arith.constant 0 : i32
    %dma_wait3A_1076 = tpu.memref_slice %arg6[%dma_wait3A_1073, %dma_wait3A_1074, %dma_wait3A_1075] : memref<8x4x2048xf32, #tpu.memory_space<vmem>> -> memref<4x4x2048xf32, #tpu.memory_space<vmem>>
    %dma_wait3A_1077 = arith.constant 68 : i32
    %dma_wait3A_1078 = tpu.memref_slice %arg5[%dma_wait3A_1072, %dma_wait3A_1077] : memref<1x80xi32, #tpu.memory_space<vmem>> -> memref<1x4xi32, #tpu.memory_space<vmem>>
    %dma_wait3A_1079 = tpu.memref_squeeze %dma_wait3A_1078 : memref<1x4xi32, #tpu.memory_space<vmem>> -> memref<4xi32, #tpu.memory_space<vmem>>
    %dma_wait3A_1080 = arith.constant 0 : i32
    %dma_wait3A_1081 = arith.constant 0 : i32
    %dma_wait3A_1082 = arith.constant 0 : i32
    %dma_wait3A_1083 = tpu.memref_slice %arg2[%dma_wait3A_1080, %dma_wait3A_1081, %dma_wait3A_1082] : memref<2049x4x2048xf32, #tpu.memory_space<hbm>> -> memref<2049x4x2048xf32, #tpu.memory_space<hbm>>
    tpu.wait_indirect_dma semaphore(%arg8 : memref<!tpu.dma_semaphore, #tpu.memory_space<semaphore_mem>>) src(%dma_wait3A_1083 : memref<2049x4x2048xf32, #tpu.memory_space<hbm>>) dst(%dma_wait3A_1076 : memref<4x4x2048xf32, #tpu.memory_space<vmem>>)
    %mul3A_1084 = arith.constant 8 : i32
    %mul3A_1085 = arith.muli %select_n3A_1035, %mul3A_1084 : i32
    %dma_start3A_1086 = arith.constant 0 : i32
    %dma_start3A_1087 = arith.constant 0 : i32
    %dma_start3A_1088 = tpu.memref_slice %arg6[%dma_start3A_1086, %select_n3A_1019, %dma_start3A_1087] : memref<8x4x2048xf32, #tpu.memory_space<vmem>> -> memref<8x1x2048xf32, #tpu.memory_space<vmem>>
    %dma_start3A_1089 = tpu.memref_squeeze %dma_start3A_1088 : memref<8x1x2048xf32, #tpu.memory_space<vmem>> -> memref<8x2048xf32, #tpu.memory_space<vmem>>
    %dma_start3A_1090 = arith.constant 0 : i32
    %dma_start3A_1091 = tpu.memref_slice %arg4[%select_n3A_1019, %mul3A_1085, %dma_start3A_1090] : memref<4x616x2048xf32, #tpu.memory_space<hbm>> -> memref<1x8x2048xf32, #tpu.memory_space<hbm>>
    %dma_start3A_1092 = tpu.memref_squeeze %dma_start3A_1091 : memref<1x8x2048xf32, #tpu.memory_space<hbm>> -> memref<8x2048xf32, #tpu.memory_space<hbm>>
    %dma_start3A_1093 = arith.constant 0 : i32
    %dma_start3A_1094 = tpu.memref_slice %arg4[%select_n3A_1019, %mul3A_1085, %dma_start3A_1093] : memref<4x616x2048xf32, #tpu.memory_space<hbm>> -> memref<1x8x2048xf32, #tpu.memory_space<hbm>>
    %dma_start3A_1095 = tpu.memref_squeeze %dma_start3A_1094 : memref<1x8x2048xf32, #tpu.memory_space<hbm>> -> memref<8x2048xf32, #tpu.memory_space<hbm>>
    %dma_start3A_1096 = arith.constant 0 : i32
    %dma_start3A_1097 = arith.constant 0 : i32
    %dma_start3A_1098 = tpu.memref_slice %arg6[%dma_start3A_1096, %select_n3A_1019, %dma_start3A_1097] : memref<8x4x2048xf32, #tpu.memory_space<vmem>> -> memref<8x1x2048xf32, #tpu.memory_space<vmem>>
    %dma_start3A_1099 = tpu.memref_squeeze %dma_start3A_1098 : memref<8x1x2048xf32, #tpu.memory_space<vmem>> -> memref<8x2048xf32, #tpu.memory_space<vmem>>
    tpu.enqueue_dma source(%dma_start3A_1099 : memref<8x2048xf32, #tpu.memory_space<vmem>>) target(%dma_start3A_1095 : memref<8x2048xf32, #tpu.memory_space<hbm>>) target_semaphore(%arg9 : memref<!tpu.dma_semaphore, #tpu.memory_space<semaphore_mem>>)
    %dma_wait3A_1100 = arith.constant 0 : i32
    %dma_wait3A_1101 = arith.constant 0 : i32
    %dma_wait3A_1102 = tpu.memref_slice %arg6[%dma_wait3A_1100, %select_n3A_1019, %dma_wait3A_1101] : memref<8x4x2048xf32, #tpu.memory_space<vmem>> -> memref<8x1x2048xf32, #tpu.memory_space<vmem>>
    %dma_wait3A_1103 = tpu.memref_squeeze %dma_wait3A_1102 : memref<8x1x2048xf32, #tpu.memory_space<vmem>> -> memref<8x2048xf32, #tpu.memory_space<vmem>>
    %dma_wait3A_1104 = arith.constant 0 : i32
    %dma_wait3A_1105 = tpu.memref_slice %arg4[%select_n3A_1019, %mul3A_1085, %dma_wait3A_1104] : memref<4x616x2048xf32, #tpu.memory_space<hbm>> -> memref<1x8x2048xf32, #tpu.memory_space<hbm>>
    %dma_wait3A_1106 = tpu.memref_squeeze %dma_wait3A_1105 : memref<1x8x2048xf32, #tpu.memory_space<hbm>> -> memref<8x2048xf32, #tpu.memory_space<hbm>>
    %dma_wait3A_1107 = arith.constant 0 : i32
    %dma_wait3A_1108 = tpu.memref_slice %arg4[%select_n3A_1019, %mul3A_1085, %dma_wait3A_1107] : memref<4x616x2048xf32, #tpu.memory_space<hbm>> -> memref<1x8x2048xf32, #tpu.memory_space<hbm>>
    %dma_wait3A_1109 = tpu.memref_squeeze %dma_wait3A_1108 : memref<1x8x2048xf32, #tpu.memory_space<hbm>> -> memref<8x2048xf32, #tpu.memory_space<hbm>>
    %dma_wait3A_1110 = arith.constant 0 : i32
    %dma_wait3A_1111 = arith.constant 0 : i32
    %dma_wait3A_1112 = tpu.memref_slice %arg6[%dma_wait3A_1110, %select_n3A_1019, %dma_wait3A_1111] : memref<8x4x2048xf32, #tpu.memory_space<vmem>> -> memref<8x1x2048xf32, #tpu.memory_space<vmem>>
    %dma_wait3A_1113 = tpu.memref_squeeze %dma_wait3A_1112 : memref<8x1x2048xf32, #tpu.memory_space<vmem>> -> memref<8x2048xf32, #tpu.memory_space<vmem>>
    tpu.wait_dma2 semaphore(%arg9 : memref<!tpu.dma_semaphore, #tpu.memory_space<semaphore_mem>>) src(%dma_wait3A_1113 : memref<8x2048xf32, #tpu.memory_space<vmem>>) dst(%dma_wait3A_1109 : memref<8x2048xf32, #tpu.memory_space<hbm>>)
    %add3A_1114 = arith.constant 288 : i32
    %add3A_1115 = arith.addi %add3A_1114, %add3A : i32
    %lt3A_1116 = arith.constant 308 : i32
    %lt3A_1117 = arith.cmpi slt, %add3A_1115, %lt3A_1116 : i32
    %convert_element_type3A = arith.extui %lt3A_1117 : i1 to i32
    %cond3A = arith.constant 0 : i32
    %cond3A_1118 = arith.cmpi ne, %convert_element_type3A, %cond3A : i32
    scf.if %cond3A_1118 {
      %add3A_1119 = arith.constant 288 : i32
      %add3A_1120 = arith.addi %add3A_1119, %add3A : i32
      %lt3A_1121 = arith.constant 308 : i32
      %lt3A_1122 = arith.cmpi slt, %add3A_1120, %lt3A_1121 : i32
      %sub3A_1123 = arith.constant 308 : i32
      %sub3A_1124 = arith.subi %add3A_1120, %sub3A_1123 : i32
      %select_n3A_1125 = arith.select %lt3A_1122, %add3A_1120, %sub3A_1124 : i32
      %jit3A_1126 = arith.constant 77 : i32
      %div3A_1127 = arith.divsi %select_n3A_1125, %jit3A_1126 : i32
      %sign3A_1128 = arith.constant 0 : i32
      %sign3A_1129 = arith.cmpi sgt, %select_n3A_1125, %sign3A_1128 : i32
      %sign3A_1130 = arith.extui %sign3A_1129 : i1 to i32
      %sign3A_1131 = arith.constant 0 : i32
      %sign3A_1132 = arith.cmpi slt, %select_n3A_1125, %sign3A_1131 : i32
      %sign3A_1133 = arith.extui %sign3A_1132 : i1 to i32
      %sign3A_1134 = arith.subi %sign3A_1130, %sign3A_1133 : i32
      %sign3A_1135 = arith.constant 0 : i32
      %sign3A_1136 = arith.cmpi sgt, %jit3A_1126, %sign3A_1135 : i32
      %sign3A_1137 = arith.extui %sign3A_1136 : i1 to i32
      %sign3A_1138 = arith.constant 0 : i32
      %sign3A_1139 = arith.cmpi slt, %jit3A_1126, %sign3A_1138 : i32
      %sign3A_1140 = arith.extui %sign3A_1139 : i1 to i32
      %sign3A_1141 = arith.subi %sign3A_1137, %sign3A_1140 : i32
      %ne3A_1142 = arith.cmpi ne, %sign3A_1134, %sign3A_1141 : i32
      %rem3A_1143 = arith.remsi %select_n3A_1125, %jit3A_1126 : i32
      %ne3A_1144 = arith.constant 0 : i32
      %ne3A_1145 = arith.cmpi ne, %rem3A_1143, %ne3A_1144 : i32
      %and3A_1146 = arith.andi %ne3A_1142, %ne3A_1145 : i1
      %sub3A_1147 = arith.constant 1 : i32
      %sub3A_1148 = arith.subi %div3A_1127, %sub3A_1147 : i32
      %select_n3A_1149 = arith.select %and3A_1146, %sub3A_1148, %div3A_1127 : i32
      %jit3A_1150 = arith.constant 77 : i32
      %eq3A_1151 = arith.constant 0 : i32
      %eq3A_1152 = arith.cmpi eq, %jit3A_1150, %eq3A_1151 : i32
      %jit3A_1153 = arith.constant 1 : i32
      %select_n3A_1154 = arith.select %eq3A_1152, %jit3A_1153, %jit3A_1150 : i32
      %rem3A_1155 = arith.remsi %select_n3A_1125, %select_n3A_1154 : i32
      %ne3A_1156 = arith.constant 0 : i32
      %ne3A_1157 = arith.cmpi ne, %rem3A_1155, %ne3A_1156 : i32
      %lt3A_1158 = arith.constant 0 : i32
      %lt3A_1159 = arith.cmpi slt, %rem3A_1155, %lt3A_1158 : i32
      %lt3A_1160 = arith.constant 0 : i32
      %lt3A_1161 = arith.cmpi slt, %select_n3A_1154, %lt3A_1160 : i32
      %ne3A_1162 = arith.xori %lt3A_1159, %lt3A_1161 : i1
      %and3A_1163 = arith.andi %ne3A_1162, %ne3A_1157 : i1
      %add3A_1164 = arith.addi %rem3A_1155, %select_n3A_1154 : i32
      %select_n3A_1165 = arith.select %and3A_1163, %add3A_1164, %rem3A_1155 : i32
      %dma_start3A_1166 = arith.constant 0 : i32
      %dma_start3A_1167 = arith.constant 0 : i32
      %dma_start3A_1168 = arith.constant 0 : i32
      %dma_start3A_1169 = arith.constant 0 : i32
      %dma_start3A_1170 = tpu.memref_slice %arg6[%dma_start3A_1167, %dma_start3A_1168, %dma_start3A_1169] : memref<8x4x2048xf32, #tpu.memory_space<vmem>> -> memref<4x4x2048xf32, #tpu.memory_space<vmem>>
      %dma_start3A_1171 = arith.constant 72 : i32
      %dma_start3A_1172 = tpu.memref_slice %arg5[%dma_start3A_1166, %dma_start3A_1171] : memref<1x80xi32, #tpu.memory_space<vmem>> -> memref<1x4xi32, #tpu.memory_space<vmem>>
      %dma_start3A_1173 = tpu.memref_squeeze %dma_start3A_1172 : memref<1x4xi32, #tpu.memory_space<vmem>> -> memref<4xi32, #tpu.memory_space<vmem>>
      %dma_start3A_1174 = arith.constant 0 : i32
      %dma_start3A_1175 = arith.constant 0 : i32
      %dma_start3A_1176 = arith.constant 0 : i32
      %dma_start3A_1177 = tpu.memref_slice %arg2[%dma_start3A_1174, %dma_start3A_1175, %dma_start3A_1176] : memref<2049x4x2048xf32, #tpu.memory_space<hbm>> -> memref<2049x4x2048xf32, #tpu.memory_space<hbm>>
      tpu.enqueue_indirect_dma source(%dma_start3A_1177 : memref<2049x4x2048xf32, #tpu.memory_space<hbm>>) target(%dma_start3A_1170 : memref<4x4x2048xf32, #tpu.memory_space<vmem>>) offsets(%dma_start3A_1173 : memref<4xi32, #tpu.memory_space<vmem>>) semaphore(%arg7 : memref<!tpu.dma_semaphore, #tpu.memory_space<semaphore_mem>>)
      %dma_start3A_1178 = arith.constant 0 : i32
      %dma_start3A_1179 = arith.constant 4 : i32
      %dma_start3A_1180 = arith.constant 0 : i32
      %dma_start3A_1181 = arith.constant 0 : i32
      %dma_start3A_1182 = tpu.memref_slice %arg6[%dma_start3A_1179, %dma_start3A_1180, %dma_start3A_1181] : memref<8x4x2048xf32, #tpu.memory_space<vmem>> -> memref<4x4x2048xf32, #tpu.memory_space<vmem>>
      %dma_start3A_1183 = arith.constant 76 : i32
      %dma_start3A_1184 = tpu.memref_slice %arg5[%dma_start3A_1178, %dma_start3A_1183] : memref<1x80xi32, #tpu.memory_space<vmem>> -> memref<1x4xi32, #tpu.memory_space<vmem>>
      %dma_start3A_1185 = tpu.memref_squeeze %dma_start3A_1184 : memref<1x4xi32, #tpu.memory_space<vmem>> -> memref<4xi32, #tpu.memory_space<vmem>>
      %dma_start3A_1186 = arith.constant 0 : i32
      %dma_start3A_1187 = arith.constant 0 : i32
      %dma_start3A_1188 = arith.constant 0 : i32
      %dma_start3A_1189 = tpu.memref_slice %arg2[%dma_start3A_1186, %dma_start3A_1187, %dma_start3A_1188] : memref<2049x4x2048xf32, #tpu.memory_space<hbm>> -> memref<2049x4x2048xf32, #tpu.memory_space<hbm>>
      tpu.enqueue_indirect_dma source(%dma_start3A_1189 : memref<2049x4x2048xf32, #tpu.memory_space<hbm>>) target(%dma_start3A_1182 : memref<4x4x2048xf32, #tpu.memory_space<vmem>>) offsets(%dma_start3A_1185 : memref<4xi32, #tpu.memory_space<vmem>>) semaphore(%arg8 : memref<!tpu.dma_semaphore, #tpu.memory_space<semaphore_mem>>)
      %dma_wait3A_1190 = arith.constant 0 : i32
      %dma_wait3A_1191 = arith.constant 0 : i32
      %dma_wait3A_1192 = arith.constant 0 : i32
      %dma_wait3A_1193 = arith.constant 0 : i32
      %dma_wait3A_1194 = tpu.memref_slice %arg6[%dma_wait3A_1191, %dma_wait3A_1192, %dma_wait3A_1193] : memref<8x4x2048xf32, #tpu.memory_space<vmem>> -> memref<4x4x2048xf32, #tpu.memory_space<vmem>>
      %dma_wait3A_1195 = arith.constant 72 : i32
      %dma_wait3A_1196 = tpu.memref_slice %arg5[%dma_wait3A_1190, %dma_wait3A_1195] : memref<1x80xi32, #tpu.memory_space<vmem>> -> memref<1x4xi32, #tpu.memory_space<vmem>>
      %dma_wait3A_1197 = tpu.memref_squeeze %dma_wait3A_1196 : memref<1x4xi32, #tpu.memory_space<vmem>> -> memref<4xi32, #tpu.memory_space<vmem>>
      %dma_wait3A_1198 = arith.constant 0 : i32
      %dma_wait3A_1199 = arith.constant 0 : i32
      %dma_wait3A_1200 = arith.constant 0 : i32
      %dma_wait3A_1201 = tpu.memref_slice %arg2[%dma_wait3A_1198, %dma_wait3A_1199, %dma_wait3A_1200] : memref<2049x4x2048xf32, #tpu.memory_space<hbm>> -> memref<2049x4x2048xf32, #tpu.memory_space<hbm>>
      tpu.wait_indirect_dma semaphore(%arg7 : memref<!tpu.dma_semaphore, #tpu.memory_space<semaphore_mem>>) src(%dma_wait3A_1201 : memref<2049x4x2048xf32, #tpu.memory_space<hbm>>) dst(%dma_wait3A_1194 : memref<4x4x2048xf32, #tpu.memory_space<vmem>>)
      %dma_wait3A_1202 = arith.constant 0 : i32
      %dma_wait3A_1203 = arith.constant 4 : i32
      %dma_wait3A_1204 = arith.constant 0 : i32
      %dma_wait3A_1205 = arith.constant 0 : i32
      %dma_wait3A_1206 = tpu.memref_slice %arg6[%dma_wait3A_1203, %dma_wait3A_1204, %dma_wait3A_1205] : memref<8x4x2048xf32, #tpu.memory_space<vmem>> -> memref<4x4x2048xf32, #tpu.memory_space<vmem>>
      %dma_wait3A_1207 = arith.constant 76 : i32
      %dma_wait3A_1208 = tpu.memref_slice %arg5[%dma_wait3A_1202, %dma_wait3A_1207] : memref<1x80xi32, #tpu.memory_space<vmem>> -> memref<1x4xi32, #tpu.memory_space<vmem>>
      %dma_wait3A_1209 = tpu.memref_squeeze %dma_wait3A_1208 : memref<1x4xi32, #tpu.memory_space<vmem>> -> memref<4xi32, #tpu.memory_space<vmem>>
      %dma_wait3A_1210 = arith.constant 0 : i32
      %dma_wait3A_1211 = arith.constant 0 : i32
      %dma_wait3A_1212 = arith.constant 0 : i32
      %dma_wait3A_1213 = tpu.memref_slice %arg2[%dma_wait3A_1210, %dma_wait3A_1211, %dma_wait3A_1212] : memref<2049x4x2048xf32, #tpu.memory_space<hbm>> -> memref<2049x4x2048xf32, #tpu.memory_space<hbm>>
      tpu.wait_indirect_dma semaphore(%arg8 : memref<!tpu.dma_semaphore, #tpu.memory_space<semaphore_mem>>) src(%dma_wait3A_1213 : memref<2049x4x2048xf32, #tpu.memory_space<hbm>>) dst(%dma_wait3A_1206 : memref<4x4x2048xf32, #tpu.memory_space<vmem>>)
      %mul3A_1214 = arith.constant 8 : i32
      %mul3A_1215 = arith.muli %select_n3A_1165, %mul3A_1214 : i32
      "tpu.region"() ({
        %run_scoped3A = tpu.sem_alloc : memref<!tpu.dma_semaphore, #tpu.memory_space<semaphore_mem>>
        %dma_start3A_1216 = arith.constant 0 : i32
        %dma_start3A_1217 = arith.constant 0 : i32
        %dma_start3A_1218 = tpu.memref_slice %arg6[%dma_start3A_1216, %select_n3A_1149, %dma_start3A_1217] : memref<8x4x2048xf32, #tpu.memory_space<vmem>> -> memref<8x1x2048xf32, #tpu.memory_space<vmem>>
        %dma_start3A_1219 = tpu.memref_squeeze %dma_start3A_1218 : memref<8x1x2048xf32, #tpu.memory_space<vmem>> -> memref<8x2048xf32, #tpu.memory_space<vmem>>
        %dma_start3A_1220 = arith.constant 0 : i32
        %dma_start3A_1221 = tpu.memref_slice %arg4[%select_n3A_1149, %mul3A_1215, %dma_start3A_1220] : memref<4x616x2048xf32, #tpu.memory_space<hbm>> -> memref<1x8x2048xf32, #tpu.memory_space<hbm>>
        %dma_start3A_1222 = tpu.memref_squeeze %dma_start3A_1221 : memref<1x8x2048xf32, #tpu.memory_space<hbm>> -> memref<8x2048xf32, #tpu.memory_space<hbm>>
        %dma_start3A_1223 = arith.constant 0 : i32
        %dma_start3A_1224 = tpu.memref_slice %arg4[%select_n3A_1149, %mul3A_1215, %dma_start3A_1223] : memref<4x616x2048xf32, #tpu.memory_space<hbm>> -> memref<1x8x2048xf32, #tpu.memory_space<hbm>>
        %dma_start3A_1225 = tpu.memref_squeeze %dma_start3A_1224 : memref<1x8x2048xf32, #tpu.memory_space<hbm>> -> memref<8x2048xf32, #tpu.memory_space<hbm>>
        %dma_start3A_1226 = arith.constant 0 : i32
        %dma_start3A_1227 = arith.constant 0 : i32
        %dma_start3A_1228 = tpu.memref_slice %arg6[%dma_start3A_1226, %select_n3A_1149, %dma_start3A_1227] : memref<8x4x2048xf32, #tpu.memory_space<vmem>> -> memref<8x1x2048xf32, #tpu.memory_space<vmem>>
        %dma_start3A_1229 = tpu.memref_squeeze %dma_start3A_1228 : memref<8x1x2048xf32, #tpu.memory_space<vmem>> -> memref<8x2048xf32, #tpu.memory_space<vmem>>
        tpu.enqueue_dma source(%dma_start3A_1229 : memref<8x2048xf32, #tpu.memory_space<vmem>>) target(%dma_start3A_1225 : memref<8x2048xf32, #tpu.memory_space<hbm>>) target_semaphore(%run_scoped3A : memref<!tpu.dma_semaphore, #tpu.memory_space<semaphore_mem>>)
        %dma_wait3A_1230 = arith.constant 0 : i32
        %dma_wait3A_1231 = arith.constant 0 : i32
        %dma_wait3A_1232 = tpu.memref_slice %arg6[%dma_wait3A_1230, %select_n3A_1149, %dma_wait3A_1231] : memref<8x4x2048xf32, #tpu.memory_space<vmem>> -> memref<8x1x2048xf32, #tpu.memory_space<vmem>>
        %dma_wait3A_1233 = tpu.memref_squeeze %dma_wait3A_1232 : memref<8x1x2048xf32, #tpu.memory_space<vmem>> -> memref<8x2048xf32, #tpu.memory_space<vmem>>
        %dma_wait3A_1234 = arith.constant 0 : i32
        %dma_wait3A_1235 = tpu.memref_slice %arg4[%select_n3A_1149, %mul3A_1215, %dma_wait3A_1234] : memref<4x616x2048xf32, #tpu.memory_space<hbm>> -> memref<1x8x2048xf32, #tpu.memory_space<hbm>>
        %dma_wait3A_1236 = tpu.memref_squeeze %dma_wait3A_1235 : memref<1x8x2048xf32, #tpu.memory_space<hbm>> -> memref<8x2048xf32, #tpu.memory_space<hbm>>
        %dma_wait3A_1237 = arith.constant 0 : i32
        %dma_wait3A_1238 = tpu.memref_slice %arg4[%select_n3A_1149, %mul3A_1215, %dma_wait3A_1237] : memref<4x616x2048xf32, #tpu.memory_space<hbm>> -> memref<1x8x2048xf32, #tpu.memory_space<hbm>>
        %dma_wait3A_1239 = tpu.memref_squeeze %dma_wait3A_1238 : memref<1x8x2048xf32, #tpu.memory_space<hbm>> -> memref<8x2048xf32, #tpu.memory_space<hbm>>
        %dma_wait3A_1240 = arith.constant 0 : i32
        %dma_wait3A_1241 = arith.constant 0 : i32
        %dma_wait3A_1242 = tpu.memref_slice %arg6[%dma_wait3A_1240, %select_n3A_1149, %dma_wait3A_1241] : memref<8x4x2048xf32, #tpu.memory_space<vmem>> -> memref<8x1x2048xf32, #tpu.memory_space<vmem>>
        %dma_wait3A_1243 = tpu.memref_squeeze %dma_wait3A_1242 : memref<8x1x2048xf32, #tpu.memory_space<vmem>> -> memref<8x2048xf32, #tpu.memory_space<vmem>>
        tpu.wait_dma2 semaphore(%run_scoped3A : memref<!tpu.dma_semaphore, #tpu.memory_space<semaphore_mem>>) src(%dma_wait3A_1243 : memref<8x2048xf32, #tpu.memory_space<vmem>>) dst(%dma_wait3A_1239 : memref<8x2048xf32, #tpu.memory_space<hbm>>)
        tpu.yield
      }) : () -> ()
    } else {
    }
    return
  }
}

</mosaic_0001>

<sc_bundles>
// kernel: kernel.3.cloned.1.call-start
scs
__scs_entry_jumppad:
0x0: {  	(pc) =	sbr.rel $0x88, $3  }
0x1: {  	(tag) =	ssettag $0x0;
	lr =	simm.s32 $0x1  }
0x2: {  	[smem:$0x3FA0] =	sst lr;
	_ =	strace $0xD0000000  }
0x3: {  	_ = 	snop  }
0x4: {  	_ = 	snop  }
0x5: {  	_ = 	snop  }
0x6: {  	_ = 	snop  }
0x7: {  	_ = 	snop  }
__scs_overlays_trampoline_lowered:
0x8: {  	[smem:$0x3FAF] =	sst s0  }
0x9: {  	[smem:$0x3FB0] =	sst s1  }
0xa: {  	[smem:$0x3FB1] =	sst s2  }
0xb: {  	[smem:$0x3FB2] =	sst s3  }
0xc: {  	[smem:$0x3FB3] =	sst s4  }
0xd: {  	[smem:$0x3FB4] =	sst s5  }
0xe: {  	[smem:$0x3FB5] =	sst s6  }
0xf: {  	[smem:$0x3FB6] =	sst s7  }
0x10: {  	[smem:$0x3FB7] =	sst s8  }
0x11: {  	[smem:$0x3FB8] =	sst s9;
	s0 =	simm.s32 @!p0 $0x0  }
0x12: {  	s1 =	sld [smem:$0x3F9E];
	s0 =	simm.s32 @p0 $0x1  }
0x13: {  	[smem:$0x3FB9] =	sst s0;
	s0 =	simm.s32 @!p1 $0x0  }
0x14: {  	s2 =	sld [smem:$0x3F9D];
	s0 =	simm.s32 @p1 $0x1  }
0x15: {  	[smem:$0x3FBA] =	sst s0;
	s0 =	simm.s32 @!p2 $0x0  }
0x16: {  	s3 =	sld [smem:$0x3FDB];
	s0 =	simm.s32 @p2 $0x1  }
0x17: {  	s4 =	simm.s32 $0x1BF5;
	[smem:$0x3FBC] =	sst s0  }
0x18: {  	s0 =	sld [smem:$0x3F9F];
	_ =	swait.ge [sflag:s4], $0x0  }
0x19: {  	s7 =	sld [smem:$0x3FA0]  }
0x1a: {  	s8 =	sadd.s32 $0xFFFFE003, lr  }
0x1b: {  	s9 =	sadd.s32 $0xFFFFFEF7, lr;
	s5 =	simm.s32 $0xFFFFFFFF;
	p2 =	slt.u32 s8, $0xFFFFF086  }
0x1c: {  	p1 =	slt.u32 s9, $0xF7A;
	s5 =	simm.s32 @!p2 $0x0  }
0x1d: {  	s5 =	simm.s32 @p1 $0x1;
	p0 =	seq.s32 s7, s2  }
0x1e: {  	s7 =	smul.u32 @!p0 $0xF7A, s2;
	p2 =	seq.s32 @!p0 s5, $0x0  }
0x1f: {  	s9 =	smul.u32 $0xF7A, s1;
	s8 =	simm.s32 @!p0 $0x1BF5;
	p2 =	por !p2, p0  }
0x20: {  	[sflag:s8] =	ssyncset.s32 @!p0 $0xFFFFF086;
	s6 =	sadd.s32 @!p0 s3, s7;
	s7 =	simm.s32 @!p0 $0x108  }
0x21: {  	s3 =	sadd.s32 s3, s9;
	s6 =	sadd.s32 @!p0 $0x88, s6;
	s7 =	simm.s32 @p2 $0x1082  }
0x22: {  	[simem:s7], [sflag:s8] =	dma.local @!p0 [hbm:s6], $0xF7A  }
0x23: {  	s9 =	sor.u32 $0xD0000000, s2;
	s6 =	simm.s32 $0x108;
	_ =	swait.ge @!p0 [sflag:s8], $0x0  }
0x24: {  	s3 =	sadd.s32 $0x88, s3;
	s6 =	simm.s32 @!p1 $0x1082;
	[sflag:s4] =	ssyncset.s32 $0xFFFFF086  }
0x25: {  	[simem:s6], [sflag:s4] =	dma.local [hbm:s3], $0xF7A  }
0x26: {  	[smem:$0x3FA0] =	sst s1;
	(tag) =	ssettag s2;
	_ =	strace s9  }
0x27: {  	s1 =	sld [smem:$0x3FB0]  }
0x28: {  	s2 =	sld [smem:$0x3FB1]  }
0x29: {  	s4 =	sld [smem:$0x3FB3]  }
0x2a: {  	p0 =	seq.s32 s5, $0x0;
	s5 =	sld [smem:$0x3FB4]  }
0x2b: {  	s6 =	sld [smem:$0x3FB5]  }
0x2c: {  	s7 =	sld [smem:$0x3FB6]  }
0x2d: {  	s3 =	simm.s32 $0x108;
	s8 =	sld [smem:$0x3FB7]  }
0x2e: {  	s3 =	simm.s32 @!p0 $0x1082;
	s9 =	sld [smem:$0x3FB8]  }
0x2f: {  	lr =	sadd.s32 s0, s3;
	s0 =	sld [smem:$0x3FAF]  }
0x30: {  	s3 =	sld [smem:$0x3FB2]  }
0x31: {  	[smem:$0x3FBB] =	sst s10  }
0x32: {  	s10 =	sld [smem:$0x3FB9];
	_ =	sdelay $0x3  }
0x33: {  	p0 =	seq.s32 s10, $0x1;
	s10 =	sld [smem:$0x3FBB];
	_ =	sdelay $0x3  }
0x34: {  	[smem:$0x3FBB] =	sst s10  }
0x35: {  	s10 =	sld [smem:$0x3FBA];
	_ =	sdelay $0x3  }
0x36: {  	p1 =	seq.s32 s10, $0x1;
	s10 =	sld [smem:$0x3FBB];
	_ =	sdelay $0x3  }
0x37: {  	[smem:$0x3FBB] =	sst s10  }
0x38: {  	s10 =	sld [smem:$0x3FBC]  }
0x39: {  	_ = 	snop;
	(pc) =	sbr.ind lr, $3  }
0x3a: {  	_ = 	snop  }
0x3b: {  	_ = 	snop  }
0x3c: {  	p2 =	seq.s32 s10, $0x1;
	s10 =	sld [smem:$0x3FBB]  }
0x3d: {  	_ =	shalt  }
0x3e: {  	_ =	shalt  }
0x3f: {  	_ =	shalt  }
0x40: {  	_ =	shalt  }
0x41: {  	_ =	shalt  }
0x42: {  	_ =	shalt  }
0x43: {  	_ =	shalt  }
0x44: {  	_ =	shalt  }
0x45: {  	_ =	shalt  }
0x46: {  	_ =	shalt  }
0x47: {  	_ =	shalt  }
0x48: {  	_ =	shalt  }
0x49: {  	_ =	shalt  }
0x4a: {  	_ =	shalt  }
0x4b: {  	_ =	shalt  }
0x4c: {  	_ =	shalt  }
0x4d: {  	_ =	shalt  }
0x4e: {  	_ =	shalt  }
0x4f: {  	_ =	shalt  }
0x50: {  	_ =	shalt  }
0x51: {  	_ =	shalt  }
0x52: {  	_ =	shalt  }
0x53: {  	_ =	shalt  }
0x54: {  	_ =	shalt  }
0x55: {  	_ =	shalt  }
0x56: {  	_ =	shalt  }
0x57: {  	_ =	shalt  }
0x58: {  	_ =	shalt  }
0x59: {  	_ =	shalt  }
0x5a: {  	_ =	shalt  }
0x5b: {  	_ =	shalt  }
0x5c: {  	_ =	shalt  }
0x5d: {  	_ =	shalt  }
0x5e: {  	_ =	shalt  }
0x5f: {  	_ =	shalt  }
0x60: {  	_ =	shalt  }
0x61: {  	_ =	shalt  }
0x62: {  	_ =	shalt  }
0x63: {  	_ =	shalt  }
0x64: {  	_ =	shalt  }
0x65: {  	_ =	shalt  }
0x66: {  	_ =	shalt  }
0x67: {  	_ =	shalt  }
0x68: {  	_ =	shalt  }
0x69: {  	_ =	shalt  }
0x6a: {  	_ =	shalt  }
0x6b: {  	_ =	shalt  }
0x6c: {  	_ =	shalt  }
0x6d: {  	_ =	shalt  }
0x6e: {  	_ =	shalt  }
0x6f: {  	_ =	shalt  }
0x70: {  	_ =	shalt  }
0x71: {  	_ =	shalt  }
0x72: {  	_ =	shalt  }
0x73: {  	_ =	shalt  }
0x74: {  	_ =	shalt  }
0x75: {  	_ =	shalt  }
0x76: {  	_ =	shalt  }
0x77: {  	_ =	shalt  }
0x78: {  	_ =	shalt  }
0x79: {  	_ =	shalt  }
0x7a: {  	_ =	shalt  }
0x7b: {  	_ =	shalt  }
0x7c: {  	_ =	shalt  }
0x7d: {  	_ =	shalt  }
0x7e: {  	_ =	shalt  }
0x7f: {  	_ =	shalt  }
0x80: {  	_ =	shalt  }
0x81: {  	_ =	shalt  }
0x82: {  	_ =	shalt  }
0x83: {  	_ =	shalt  }
0x84: {  	_ =	shalt  }
0x85: {  	_ =	shalt  }
0x86: {  	_ =	shalt  }
0x87: {  	_ =	shalt  }
.Lfunc_end0:
.L_simem_size_0:
called_computation_lowered:
.L_overlay_start_0:
0x88: {  	s2 =	sld [smem:$0x3FD9]  }
0x89: {  	s3 =	sld [smem:$0x3FFE];
	_ =	sdelay $0x1  }
0x8a: {  	s1 =	srdreg.scid  }
0x8b: {  	s0 =	sand.u32 $0x1, s1  }
0x8c: {  	s15 =	sshll.u32 s0, $0xA;
	s2 =	sadd.s32 s3, s2  }
0x8d: {  	s2 =	sadd.s32 s2, s15  }
0x8e: {  	[smem:$0x3FC7] =	sst s2  }
0x8f: {  	_ = 	snop  }
0x90: {  	s2 =	sld [smem:$0x3FD0];
	_ =	sdelay $0x2  }
0x91: {  	s4 =	simm.s32 $0xA;
	s5 =	simm.s32 $0x10;
	s16 =	sld [smem:$0x3FC9]  }
0x92: {  	[smem:s5], [sflag:s4] =	dma.local [hbm:s2], $0x1  }
0x93: {  	_ =	swait.eq [sflag:s4], $0x1  }
0x94: {  	[sflag:s4] =	ssyncset.done $0x0  }
0x95: {  	s17 =	sld [smem:$0x10];
	[sflag:s4] =	ssyncadd.s32 $0xFFFFFFFF  }
0x96: {  	s18 =	sld [smem:$0x12];
	(tm) =	ssettm $0x1  }
0x97: {  	s19 =	sld [smem:$0x3FFB];
	_ =	sdelay $0x3  }
0x98: {  	_ =	strace s19  }
0x99: {  	s5 =	sld [smem:$0x3FFC];
	_ =	sdelay $0x3  }
0x9a: {  	_ =	strace s5  }
0x9b: {  	s5 =	sld [smem:$0x3FFD];
	_ =	sdelay $0x3  }
0x9c: {  	_ =	strace s5  }
0x9d: {  	_ =	strace $0x8FFFFFFF  }
0x9e: {  	s20 =	sld [smem:$0x3FDB];
	_ =	sdelay $0x1  }
0x9f: {  	s6 =	simm.s32 $_scs_section_size  }
0xa0: {  	s7 =	simm.s32 $_size__tile_overlayer_lowered;
	s8 =	simm.s32 $_tile_overlayer_lowered  }
0xa1: {  	s23 =	simm.s32 $0x1BFF;
	s22 =	sshll.u32 s8, $0x1;
	s5 =	sadd.s32 s6, s20  }
0xa2: {  	s9 =	simm.s32 $0x0;
	s21 =	sshll.u32 s7, $0x1;
	s7 =	sadd.s32 s22, s5  }
0xa3: {  	[timem:s9], [sflag:s23] =	dma.local [hbm:s7], s21  }
0xa4: {  	_ =	swait.ge [sflag:s23], s21  }
0xa5: {  	s6 =	ssub.s32 $0x0, s21;
	[sflag:s23] =	ssyncset.done $0x0  }
0xa6: {  	[sflag:s23] =	ssyncadd.s32 s6;
	_ =	sdelay $0x1  }
0xa7: {  	s24 =	simm.s32 $0x1B8B  }
0xa8: {  	_ =	swait.ge [sflag:s24], $0x1  }
0xa9: {  	[sflag:s24] =	ssyncset.done $0x0  }
0xaa: {  	s25 =	simm.s32 $0x1B8E;
	[sflag:s24] =	ssyncadd.s32 $0xFFFFFFFF  }
0xab: {  	s26 =	simm.s32 $execute0_lowered;
	[smem:$0x3FD2] =	sst s25  }
0xac: {  	s6 =	sshll.u32 s26, $0x1;
	_ =	strace $0x80000046;
	[dreg:$0x1] =	wrdreg $0xFFFFFFFF  }
0xad: {  	s28 =	simm.s32 $_size_execute0_lowered;
	s5 =	sadd.s32 s5, s6;
	[dreg:$0x0] =	wrdreg $0x0  }
0xae: {  	s6 =	sshll.u32 s28, $0x1;
	[dreg:$0x2] =	wrdreg s5  }
0xaf: {  	[dreg:$0x3] =	wrdreg s6  }
0xb0: {  	[dreg:$0x4] =	wrdreg $0xC0  }
0xb1: {  	_ =	task [dreg:s9], $0x5FFFF  }
0xb2: {  	[dreg:$0x1] =	wrdreg $0xFFFFFFFF  }
0xb3: {  	[dreg:$0x0] =	wrdreg $0x60  }
0xb4: {  	[dreg:$0x2] =	wrdreg s16  }
0xb5: {  	[dreg:$0x3] =	wrdreg s18  }
0xb6: {  	[dreg:$0x4] =	wrdreg s17  }
0xb7: {  	[dreg:$0x5] =	wrdreg $0x9  }
0xb8: {  	_ =	task.clear_ibuf [dreg:s9], $0x6FFFF;
	_ =	strace $0x90000046  }
0xb9: {  	s29 =	simm.s32 $0x9;
	_ =	strace $0x80000048  }
0xba: {  	_ =	swait.ge [sflag:s29], $0x1  }
0xbb: {  	[sflag:s29] =	ssyncadd.s32 $0xFFFFFFFF  }
0xbc: {  	_ =	strace $0x90000048  }
0xbd: {  	_ =	sfence  }
0xbe: {  	s30 =	sld [smem:$0x0];
	_ =	sdelay $0x2  }
0xbf: {  	s31 =	sshll.u32 s1, $0xD;
	s1 =	sshrl.u32 s1, $0x2  }
0xc0: {  	s3 =	sand.u32 $0x4000, s31;
	s1 =	sadd.s32 s1, s30  }
0xc1: {  	s0 =	sor.u32 s3, s0;
	s1 =	sshll.u32 s1, $0x11  }
0xc2: {  	s0 =	sor.u32 s1, s0  }
0xc3: {  	s0 =	sadd.s32 $0x8F2B, s0  }
0xc4: {  	[sflag:s0] =	ssyncadd.remote.s32 $0x1  }
0xc5: {  	_ =	sfence.sel $0xFFFF  }
0xc6: {  	[dreg:$0x0] =	wrdreg $0xFFFFFFFF;
	(pc) =	sbr.abs _section_cstart, $3  }
0xc7: {  	[dreg:$0x1] =	wrdreg $0xFFFFFFFF  }
0xc8: {  	_ =	task.clear_ibuf [dreg:s9], $0x2FFFF;
	_ =	strace $0x9FFFFFFF  }
0xc9: {  	(tm) =	ssettm $0x7FFFFFFF  }
tec
execute0_lowered:
.L_overlay_start_1:
0x0: {  	(tag) =	ssettag $0x1  }
0x1: {  	s1 =	rddreg [dreg:$0x0]  }
0x2: {  	s5 =	rddreg [dreg:$0x1]  }
0x3: {  	s15 =	rddreg [dreg:$0x2];
	s3 =	srdreg.scid  }
0x4: {  	s0 =	stileid.u32;
	s9 =	simm.s32 $0x134000;
	s4 =	sand.u32 $0x1, s3  }
0x5: {  	s3 =	simm.s32 $0x0;
	s7 =	sshll.u32 s0, $0x1;
	s2 =	sadd.s32 $0x4D000, s15  }
0x6: {  	s6 =	ssub.s32 $0x2, s4;
	[smem:$0x7FF] =	sst s3;
	s12 =	sor.u32 s4, s7  }
0x7: {  	s8 =	sshrl.u32 s6, $0x1;
	_ =	strace $0x80000047;
	s7 =	sor.u32 $0xFFFFFF80, s12  }
0x8: {  	s24 =	sshll.u32 s12, $0x4;
	s4 =	sor.u32 $0x40, s12;
	s10 =	sshll.u32 s12, $0xB  }
0x9: {  	s26 =	sor.u32 $0xFFFFFFA0, s12;
	s30 =	sor.u32 $0xFFFFFFC0, s12;
	s19 =	sor.u32 $0xFFFFFFE0, s12  }
0xa: {  	s22 =	sor.u32 $0x100, s12;
	s18 =	ssub.s32 s6, s8;
	s25 =	sand.u32 $0xFF, s7  }
0xb: {  	p0 =	sgt.u32 s4, $0x4C;
	s11 =	sshll.u32 s4, $0xE;
	p1 =	slt.u32 s4, $0x4D  }
0xc: {  	s4 =	sadd.s32 s15, s10;
	s5 =	sadd.s32 s5, s24;
	s29 =	sand.u32 $0xFF, s26  }
0xd: {  	s17 =	sand.u32 $0xFF, s30;
	s20 =	sand.u32 $0xFF, s19;
	s8 =	smul.u32 $0xD5, s25  }
0xe: {  	s23 =	sand.u32 $0xFFFF, s22;
	s24 =	sor.u32 $0x120, s12;
	s17 =	smul.u32 $0xD5, s17  }
0xf: {  	s9 =	simm.s32 @!p0 $0x0;
	s13 =	sadd.s32 $0xFFECC000, s11;
	s31 =	smul.u32 $0xD5, s20  }
0x10: {  	s6 =	sadd.s32 $0x10000, s4;
	s25 =	smul.u32 $0x1A99, s23;
	s18 =	smax.u32 s18, $0x1  }
0x11: {  	s20 =	simm.s32 $0x80;
	s23 =	simm.s32 $0x2;
	s13 =	smov.u32 @p1 s11  }
0x12: {  	s14 =	sshrl.u32 s8, $0xE;
	s9 =	sadd.s32 s13, s9;
	s13 =	smul.u32 $0xD5, s29  }
0x13: {  	s17 =	sshrl.u32 s17, $0xE;
	s21 =	sshrl.u32 s31, $0xE;
	s8 =	smul.u32 $0x4D, s14  }
0x14: {  	s31 =	sadd.s32 $0x73800, s15;
	s9 =	sshrl.u32 s9, $0x3;
	s28 =	smul.u32 $0x134000, s14  }
0x15: {  	s14 =	sshll.u32 s14, $0x7;
	s17 =	smul.u32 $0x4D, s17;
	s13 =	sshrl.u32 s13, $0xE  }
0x16: {  	s11 =	sadd.s32 $0x80, s14;
	s14 =	smul.u32 $0x4D, s21;
	s7 =	ssub.s32 s7, s8  }
0x17: {  	s13 =	smul.u32 $0x4D, s13;
	s17 =	ssub.s32 s30, s17;
	s30 =	sshll.u32 s21, $0x7  }
0x18: {  	s8 =	sand.u32 $0xFF, s7;
	s7 =	simm.s32 $0x100;
	s12 =	sand.u32 $0xFF, s17  }
0x19: {  	s14 =	ssub.s32 s19, s14;
	s19 =	simm.s32 $0x4;
	s16 =	sshll.u32 s8, $0xE  }
0x1a: {  	s8 =	sadd.s32 s15, s9;
	s7 =	simm.s32 @!p0 $0x80;
	s9 =	sadd.s32 $0x30000, s4  }
0x1b: {  	s13 =	ssub.s32 s26, s13;
	s26 =	sand.u32 $0xFFFF, s24;
	s14 =	sand.u32 $0xFF, s14  }
0x1c: {  	s29 =	sshll.u32 s12, $0xB;
	p0 =	sgt.u32 s0, $0x9;
	s17 =	smul.u32 $0x1A99, s26  }
0x1d: {  	s10 =	sadd.s32 s16, s28;
	s13 =	sand.u32 $0xFF, s13;
	s28 =	smul.u32 $0x134000, s21  }
0x1e: {  	s16 =	sshrl.u32 s25, $0x13;
	s14 =	sshll.u32 s14, $0xE;
	s21 =	simm.s32 $0x8080  }
0x1f: {  	s25 =	simm.s32 $0x0;
	s10 =	sshrl.u32 s10, $0x3;
	s13 =	sshll.u32 s13, $0xB  }
0x20: {  	s16 =	smul.u32 $0x4D, s16;
	s10 =	sadd.s32 s15, s10;
	s17 =	sshrl.u32 s17, $0x13  }
0x21: {  	s14 =	sadd.s32 s14, s28;
	s12 =	sadd.s32 s13, s2;
	s17 =	smul.u32 $0x4D, s17  }
.Ltmp0:
0x22: {  	s13 =	sadd.s32 s29, s2;
	s14 =	sshrl.u32 s14, $0x3;
	(pc) =	sbr.rel .LBB2_1-.Ltmp0, $4  }
0x23: {  	s16 =	ssub.s32 s22, s16;
	s22 =	simm.s32 $0x1;
	s17 =	ssub.s32 s24, s17  }
0x24: {  	s14 =	sadd.s32 s15, s14;
	s16 =	sand.u32 $0xFFFF, s16;
	s17 =	sand.u32 $0xFFFF, s17  }
0x25: {  	s15 =	sadd.s32 $0x80, s30;
	s16 =	sshll.u32 s16, $0xB;
	s17 =	sshll.u32 s17, $0xB  }
0x26: {  	vm0 =	vmmov $0xf;
	v0 =	vlaneseq.u32;
	s24 =	simm.s32 $0x3;
	s16 =	sadd.s32 s16, s31;
	s17 =	sadd.s32 s17, s31  }
.LBB2_22:
0x27: {  	[hbm4b:s31+s3] =	stream.linear.scatter [tilespmem:s30], [sflag:$0x4], $0x80, $0x38;
	[tilespmem:$0x10080] =	vst v63  }
0x28: {  	s0 =	sadd.s32 $0x200, s26  }
0x29: {  	[hbm4b:s28+s3] =	stream.linear.scatter [tilespmem:s0], [sflag:$0x4], $0x80, $0x38;
	[tilespmem:$0x10080] =	vst v63  }
0x2a: {  	s31 =	sadd.s32 $0x2200, s26;
	s2 =	sadd.s32 $0x10, s28  }
0x2b: {  	[hbm4b:s2+s3] =	stream.linear.scatter [tilespmem:s31], [sflag:$0x4], $0x80, $0x38;
	[tilespmem:$0x10080] =	vst v63  }
0x2c: {  	s29 =	sadd.s32 $0x20, s28;
	s2 =	sadd.s32 $0x4200, s26  }
0x2d: {  	[hbm4b:s29+s3] =	stream.linear.scatter [tilespmem:s2], [sflag:$0x4], $0x80, $0x38;
	[tilespmem:$0x10080] =	vst v63  }
0x2e: {  	s30 =	sadd.s32 $0x6200, s26;
	s31 =	sadd.s32 $0x30, s28  }
0x2f: {  	[hbm4b:s31+s3] =	stream.linear.scatter [tilespmem:s30], [sflag:$0x4], $0x80, $0x38;
	[tilespmem:$0x10080] =	vst v63  }
0x30: {  	s2 =	sadd.s32 $0x8200, s26;
	s29 =	sadd.s32 $0x40, s28  }
0x31: {  	[hbm4b:s29+s3] =	stream.linear.scatter [tilespmem:s2], [sflag:$0x4], $0x80, $0x38;
	[tilespmem:$0x10080] =	vst v63  }
0x32: {  	s30 =	sadd.s32 $0xA200, s26;
	s31 =	sadd.s32 $0x50, s28  }
0x33: {  	[hbm4b:s31+s3] =	stream.linear.scatter [tilespmem:s30], [sflag:$0x4], $0x80, $0x38;
	[tilespmem:$0x10080] =	vst v63  }
0x34: {  	s2 =	sadd.s32 $0xC200, s26;
	s29 =	sadd.s32 $0x60, s28  }
0x35: {  	[hbm4b:s29+s3] =	stream.linear.scatter [tilespmem:s2], [sflag:$0x4], $0x80, $0x38;
	[tilespmem:$0x10080] =	vst v63  }
0x36: {  	s30 =	sadd.s32 $0xE200, s26;
	s31 =	sadd.s32 $0x70, s28  }
0x37: {  	[hbm4b:s31+s3] =	stream.linear.scatter [tilespmem:s30], [sflag:$0x4], $0x80, $0x38;
	[tilespmem:$0x10080] =	vst v63  }
0x38: {  	_ =	swait.ge [sflag:s19], $0x4000  }
0x39: {  	[sflag:s19] =	ssyncset.done $0x0  }
0x3a: {  	[sflag:s19] =	ssyncadd.s32 $0xFFFFC000  }
.LBB2_23:
0x3b: {  	s25 =	sadd.s32 $0x1, s25  }
0x3c: {  	p1 =	sne.s32 s25, s18  }
.Ltmp1:
0x3d: {  	_ = 	snop;
	(pc) =	sbr.rel @!p1 .LBB2_24-.Ltmp1, $1  }
0x3e: {  	_ =	sdelay $0x3  }
.LBB2_1:
0x3f: {  	[tilespmem:s3], [sflag:$0x4] =	stream.linear.gather [hbm4b:s5+s3], $0x80, $0x38;
	[tilespmem:$0x10080] =	vst v63  }
0x40: {  	_ =	swait.ge [sflag:s19], $0x80  }
0x41: {  	[sflag:s19] =	ssyncset.done $0x0  }
0x42: {  	[sflag:s19] =	ssyncadd.s32 $0xFFFFFF80  }
0x43: {  	v1 =	vld.msk [tilespmem:$0x0], $0xf;
	_ =	sdelay $0x4  }
0x44: {  	v1 =	vshll.u32 v1, $0xD  }
0x45: {  	v1 =	vperm.xlane v1, v0;
	_ =	sdelay $0x5  }
0x46: {  	[tilespmem:s20], [sflag:$0x1] =	stream.indirect_vreg.gather [hbm4b:s1+s3], $0x2000, v1, vm0, $0x38;
	[tilespmem:$0x10080] =	vst v63  }
0x47: {  	v1 =	vld.msk [tilespmem:$0x4], $0xf;
	_ =	sdelay $0x4  }
0x48: {  	v1 =	vshll.u32 v1, $0xD  }
0x49: {  	v1 =	vperm.xlane v1, v0;
	_ =	sdelay $0x5  }
0x4a: {  	[tilespmem:s21], [sflag:$0x2] =	stream.indirect_vreg.gather [hbm4b:s1+s3], $0x2000, v1, vm0, $0x38;
	[tilespmem:$0x10080] =	vst v63  }
0x4b: {  	_ =	swait.ge [sflag:s22], $0x8000  }
0x4c: {  	[sflag:s22] =	ssyncset.done $0x0  }
0x4d: {  	[sflag:s22] =	ssyncadd.s32 $0xFFFF8000  }
0x4e: {  	_ =	swait.ge [sflag:s23], $0x8000  }
0x4f: {  	[sflag:s23] =	ssyncset.done $0x0  }
0x50: {  	s26 =	simm.s32 $0x80;
	[sflag:s23] =	ssyncadd.s32 $0xFFFF8000  }
0x51: {  	[hbm4b:s4+s3] =	stream.linear.scatter [tilespmem:s26], [sflag:$0x3], $0x80, $0x38;
	[tilespmem:$0x10080] =	vst v63  }
0x52: {  	s0 =	simm.s32 $0x2080;
	s28 =	sadd.s32 $0x10, s4  }
0x53: {  	[hbm4b:s28+s3] =	stream.linear.scatter [tilespmem:s0], [sflag:$0x3], $0x80, $0x38;
	[tilespmem:$0x10080] =	vst v63  }
0x54: {  	s2 =	simm.s32 $0x4080;
	s28 =	sadd.s32 $0x20, s4  }
0x55: {  	[hbm4b:s28+s3] =	stream.linear.scatter [tilespmem:s2], [sflag:$0x3], $0x80, $0x38;
	[tilespmem:$0x10080] =	vst v63  }
0x56: {  	s0 =	simm.s32 $0x6080;
	s28 =	sadd.s32 $0x30, s4  }
0x57: {  	[hbm4b:s28+s3] =	stream.linear.scatter [tilespmem:s0], [sflag:$0x3], $0x80, $0x38;
	[tilespmem:$0x10080] =	vst v63  }
0x58: {  	s2 =	simm.s32 $0x8080;
	s28 =	sadd.s32 $0x40, s4  }
0x59: {  	[hbm4b:s28+s3] =	stream.linear.scatter [tilespmem:s2], [sflag:$0x3], $0x80, $0x38;
	[tilespmem:$0x10080] =	vst v63  }
0x5a: {  	s29 =	simm.s32 $0x1000;
	s0 =	simm.s32 $0xA080;
	s28 =	sadd.s32 $0x50, s4  }
0x5b: {  	[hbm4b:s28+s3] =	stream.linear.scatter [tilespmem:s0], [sflag:$0x3], $0x80, $0x38;
	[tilespmem:$0x10080] =	vst v63  }
0x5c: {  	s30 =	simm.s32 $0xE080;
	s2 =	simm.s32 $0xC080;
	s28 =	sadd.s32 $0x60, s4  }
0x5d: {  	[hbm4b:s28+s3] =	stream.linear.scatter [tilespmem:s2], [sflag:$0x3], $0x80, $0x38;
	[tilespmem:$0x10080] =	vst v63  }
0x5e: {  	s31 =	sadd.s32 $0x70, s4;
	s26 =	simm.s32 $0x200;
	s28 =	sadd.s32 $0x80, s4  }
.LBB2_2:
0x5f: {  	[hbm4b:s31+s3] =	stream.linear.scatter [tilespmem:s30], [sflag:$0x3], $0x80, $0x38;
	[tilespmem:$0x10080] =	vst v63  }
0x60: {  	s30 =	smov.u32 s26;
	s26 =	smov.u32 s29  }
0x61: {  	s0 =	sadd.s32 $0x800, s29;
	s26 =	sshra.s32 s26, $0x2;
	s31 =	sadd.s32 $0x80, s30  }
0x62: {  	[hbm4b:s28+s3] =	stream.linear.scatter [tilespmem:s31], [sflag:$0x3], $0x80, $0x38;
	[tilespmem:$0x10080] =	vst v63  }
0x63: {  	p1 =	sne.s32 s29, $0x7800;
	s29 =	sadd.s32 $0x2080, s30;
	s31 =	sadd.s32 $0x10, s28  }
0x64: {  	[hbm4b:s31+s3] =	stream.linear.scatter [tilespmem:s29], [sflag:$0x3], $0x80, $0x38;
	[tilespmem:$0x10080] =	vst v63  }
0x65: {  	s29 =	sadd.s32 $0x4080, s30;
	s31 =	sadd.s32 $0x20, s28  }
0x66: {  	[hbm4b:s31+s3] =	stream.linear.scatter [tilespmem:s29], [sflag:$0x3], $0x80, $0x38;
	[tilespmem:$0x10080] =	vst v63  }
0x67: {  	s29 =	sadd.s32 $0x6080, s30;
	s31 =	sadd.s32 $0x30, s28  }
0x68: {  	[hbm4b:s31+s3] =	stream.linear.scatter [tilespmem:s29], [sflag:$0x3], $0x80, $0x38;
	[tilespmem:$0x10080] =	vst v63  }
0x69: {  	s29 =	sadd.s32 $0x8080, s30;
	s31 =	sadd.s32 $0x40, s28  }
0x6a: {  	[hbm4b:s31+s3] =	stream.linear.scatter [tilespmem:s29], [sflag:$0x3], $0x80, $0x38;
	[tilespmem:$0x10080] =	vst v63  }
.Ltmp2:
0x6b: {  	s29 =	sadd.s32 $0xA080, s30;
	s31 =	sadd.s32 $0x50, s28;
	(pc) =	sbr.rel @p1 .LBB2_2-.Ltmp2, $4  }
0x6c: {  	[hbm4b:s31+s3] =	stream.linear.scatter [tilespmem:s29], [sflag:$0x3], $0x80, $0x38;
	[tilespmem:$0x10080] =	vst v63  }
0x6d: {  	s29 =	sadd.s32 $0xC080, s30;
	s31 =	sadd.s32 $0x60, s28;
	s30 =	sadd.s32 $0xE080, s30  }
0x6e: {  	[hbm4b:s31+s3] =	stream.linear.scatter [tilespmem:s29], [sflag:$0x3], $0x80, $0x38;
	[tilespmem:$0x10080] =	vst v63  }
0x6f: {  	s31 =	sadd.s32 $0x70, s28;
	s28 =	sadd.s32 $0x80, s28;
	s29 =	smov.u32 s0  }
0x70: {  	[hbm4b:s31+s3] =	stream.linear.scatter [tilespmem:s30], [sflag:$0x3], $0x80, $0x38;
	[tilespmem:$0x10080] =	vst v63  }
0x71: {  	s0 =	sadd.s32 $0x80, s26  }
0x72: {  	[hbm4b:s28+s3] =	stream.linear.scatter [tilespmem:s0], [sflag:$0x3], $0x80, $0x38;
	[tilespmem:$0x10080] =	vst v63  }
0x73: {  	s2 =	sadd.s32 $0x2080, s26;
	s29 =	sadd.s32 $0x10, s28  }
0x74: {  	[hbm4b:s29+s3] =	stream.linear.scatter [tilespmem:s2], [sflag:$0x3], $0x80, $0x38;
	[tilespmem:$0x10080] =	vst v63  }
0x75: {  	s2 =	sadd.s32 $0x4080, s26;
	s29 =	sadd.s32 $0x20, s28  }
0x76: {  	[hbm4b:s29+s3] =	stream.linear.scatter [tilespmem:s2], [sflag:$0x3], $0x80, $0x38;
	[tilespmem:$0x10080] =	vst v63  }
0x77: {  	s2 =	sadd.s32 $0x6080, s26;
	s29 =	sadd.s32 $0x30, s28  }
0x78: {  	[hbm4b:s29+s3] =	stream.linear.scatter [tilespmem:s2], [sflag:$0x3], $0x80, $0x38;
	[tilespmem:$0x10080] =	vst v63  }
0x79: {  	s2 =	sadd.s32 $0x8080, s26;
	s29 =	sadd.s32 $0x40, s28  }
0x7a: {  	[hbm4b:s29+s3] =	stream.linear.scatter [tilespmem:s2], [sflag:$0x3], $0x80, $0x38;
	[tilespmem:$0x10080] =	vst v63  }
0x7b: {  	s2 =	sadd.s32 $0xA080, s26;
	s29 =	sadd.s32 $0x50, s28  }
0x7c: {  	[hbm4b:s29+s3] =	stream.linear.scatter [tilespmem:s2], [sflag:$0x3], $0x80, $0x38;
	[tilespmem:$0x10080] =	vst v63  }
0x7d: {  	s2 =	sadd.s32 $0xC080, s26;
	s29 =	sadd.s32 $0x60, s28  }
0x7e: {  	[hbm4b:s29+s3] =	stream.linear.scatter [tilespmem:s2], [sflag:$0x3], $0x80, $0x38;
	[tilespmem:$0x10080] =	vst v63  }
0x7f: {  	s26 =	sadd.s32 $0xE080, s26;
	s2 =	sadd.s32 $0x70, s28  }
0x80: {  	[hbm4b:s2+s3] =	stream.linear.scatter [tilespmem:s26], [sflag:$0x3], $0x80, $0x38;
	[tilespmem:$0x10080] =	vst v63  }
0x81: {  	_ =	swait.ge [sflag:s24], $0x4000  }
0x82: {  	[sflag:s24] =	ssyncset.done $0x0  }
0x83: {  	[sflag:s24] =	ssyncadd.s32 $0xFFFFC000  }
0x84: {  	v1 =	vld.msk [tilespmem:$0x8], $0xf;
	_ =	sdelay $0x4  }
0x85: {  	v1 =	vshll.u32 v1, $0xD  }
0x86: {  	v1 =	vperm.xlane v1, v0;
	_ =	sdelay $0x4  }
0x87: {  	s26 =	simm.s32 $0x0  }
0x88: {  	[tilespmem:s20], [sflag:$0x1] =	stream.indirect_vreg.gather [hbm4b:s1+s26], $0x2000, v1, vm0, $0x38;
	[tilespmem:$0x10080] =	vst v63  }
0x89: {  	v1 =	vld.msk [tilespmem:$0xC], $0xf;
	_ =	sdelay $0x4  }
0x8a: {  	v1 =	vshll.u32 v1, $0xD  }
0x8b: {  	v1 =	vperm.xlane v1, v0;
	_ =	sdelay $0x5  }
0x8c: {  	[tilespmem:s21], [sflag:$0x2] =	stream.indirect_vreg.gather [hbm4b:s1+s26], $0x2000, v1, vm0, $0x38;
	[tilespmem:$0x10080] =	vst v63  }
0x8d: {  	_ =	swait.ge [sflag:s22], $0x8000  }
0x8e: {  	[sflag:s22] =	ssyncset.done $0x0  }
0x8f: {  	[sflag:s22] =	ssyncadd.s32 $0xFFFF8000  }
0x90: {  	_ =	swait.ge [sflag:s23], $0x8000  }
0x91: {  	[sflag:s23] =	ssyncset.done $0x0  }
0x92: {  	s2 =	simm.s32 $0x80;
	[sflag:s23] =	ssyncadd.s32 $0xFFFF8000  }
0x93: {  	[hbm4b:s6+s3] =	stream.linear.scatter [tilespmem:s2], [sflag:$0x3], $0x80, $0x38;
	[tilespmem:$0x10080] =	vst v63  }
0x94: {  	s26 =	simm.s32 $0x2080;
	s2 =	sadd.s32 $0x10, s6  }
0x95: {  	[hbm4b:s2+s3] =	stream.linear.scatter [tilespmem:s26], [sflag:$0x3], $0x80, $0x38;
	[tilespmem:$0x10080] =	vst v63  }
0x96: {  	s26 =	simm.s32 $0x4080;
	s2 =	sadd.s32 $0x20, s6  }
0x97: {  	[hbm4b:s2+s3] =	stream.linear.scatter [tilespmem:s26], [sflag:$0x3], $0x80, $0x38;
	[tilespmem:$0x10080] =	vst v63  }
0x98: {  	s26 =	simm.s32 $0x6080;
	s2 =	sadd.s32 $0x30, s6  }
0x99: {  	[hbm4b:s2+s3] =	stream.linear.scatter [tilespmem:s26], [sflag:$0x3], $0x80, $0x38;
	[tilespmem:$0x10080] =	vst v63  }
0x9a: {  	s26 =	simm.s32 $0x8080;
	s2 =	sadd.s32 $0x40, s6  }
0x9b: {  	[hbm4b:s2+s3] =	stream.linear.scatter [tilespmem:s26], [sflag:$0x3], $0x80, $0x38;
	[tilespmem:$0x10080] =	vst v63  }
0x9c: {  	s30 =	simm.s32 $0xE080;
	s26 =	simm.s32 $0xA080;
	s2 =	sadd.s32 $0x50, s6  }
0x9d: {  	[hbm4b:s2+s3] =	stream.linear.scatter [tilespmem:s26], [sflag:$0x3], $0x80, $0x38;
	[tilespmem:$0x10080] =	vst v63  }
0x9e: {  	s31 =	sadd.s32 $0x70, s6;
	s26 =	simm.s32 $0xC080;
	s2 =	sadd.s32 $0x60, s6  }
0x9f: {  	[hbm4b:s2+s3] =	stream.linear.scatter [tilespmem:s26], [sflag:$0x3], $0x80, $0x38;
	[tilespmem:$0x10080] =	vst v63  }
0xa0: {  	s29 =	simm.s32 $0x1000;
	s28 =	sadd.s32 $0x80, s6;
	s26 =	simm.s32 $0x200  }
.LBB2_4:
0xa1: {  	[hbm4b:s31+s3] =	stream.linear.scatter [tilespmem:s30], [sflag:$0x3], $0x80, $0x38;
	[tilespmem:$0x10080] =	vst v63  }
0xa2: {  	s0 =	smov.u32 s26;
	s26 =	smov.u32 s29  }
0xa3: {  	s2 =	sadd.s32 $0x800, s29;
	s26 =	sshra.s32 s26, $0x2;
	s30 =	sadd.s32 $0x80, s0  }
0xa4: {  	[hbm4b:s28+s3] =	stream.linear.scatter [tilespmem:s30], [sflag:$0x3], $0x80, $0x38;
	[tilespmem:$0x10080] =	vst v63  }
0xa5: {  	p1 =	sne.s32 s29, $0x7800;
	s29 =	sadd.s32 $0x2080, s0;
	s30 =	sadd.s32 $0x10, s28  }
0xa6: {  	[hbm4b:s30+s3] =	stream.linear.scatter [tilespmem:s29], [sflag:$0x3], $0x80, $0x38;
	[tilespmem:$0x10080] =	vst v63  }
0xa7: {  	s29 =	sadd.s32 $0x4080, s0;
	s30 =	sadd.s32 $0x20, s28  }
0xa8: {  	[hbm4b:s30+s3] =	stream.linear.scatter [tilespmem:s29], [sflag:$0x3], $0x80, $0x38;
	[tilespmem:$0x10080] =	vst v63  }
0xa9: {  	s29 =	sadd.s32 $0x6080, s0;
	s30 =	sadd.s32 $0x30, s28  }
0xaa: {  	[hbm4b:s30+s3] =	stream.linear.scatter [tilespmem:s29], [sflag:$0x3], $0x80, $0x38;
	[tilespmem:$0x10080] =	vst v63  }
0xab: {  	s29 =	sadd.s32 $0x8080, s0;
	s30 =	sadd.s32 $0x40, s28  }
0xac: {  	[hbm4b:s30+s3] =	stream.linear.scatter [tilespmem:s29], [sflag:$0x3], $0x80, $0x38;
	[tilespmem:$0x10080] =	vst v63  }
.Ltmp3:
0xad: {  	s29 =	sadd.s32 $0xA080, s0;
	s30 =	sadd.s32 $0x50, s28;
	(pc) =	sbr.rel @p1 .LBB2_4-.Ltmp3, $4  }
0xae: {  	[hbm4b:s30+s3] =	stream.linear.scatter [tilespmem:s29], [sflag:$0x3], $0x80, $0x38;
	[tilespmem:$0x10080] =	vst v63  }
0xaf: {  	s31 =	sadd.s32 $0x70, s28;
	s29 =	sadd.s32 $0xC080, s0;
	s30 =	sadd.s32 $0x60, s28  }
0xb0: {  	[hbm4b:s30+s3] =	stream.linear.scatter [tilespmem:s29], [sflag:$0x3], $0x80, $0x38;
	[tilespmem:$0x10080] =	vst v63  }
0xb1: {  	s28 =	sadd.s32 $0x80, s28;
	s30 =	sadd.s32 $0xE080, s0;
	s29 =	smov.u32 s2  }
0xb2: {  	[hbm4b:s31+s3] =	stream.linear.scatter [tilespmem:s30], [sflag:$0x3], $0x80, $0x38;
	[tilespmem:$0x10080] =	vst v63  }
0xb3: {  	s0 =	sadd.s32 $0x80, s26  }
0xb4: {  	[hbm4b:s28+s3] =	stream.linear.scatter [tilespmem:s0], [sflag:$0x3], $0x80, $0x38;
	[tilespmem:$0x10080] =	vst v63  }
0xb5: {  	s2 =	sadd.s32 $0x10, s28;
	s0 =	sadd.s32 $0x2080, s26  }
0xb6: {  	[hbm4b:s2+s3] =	stream.linear.scatter [tilespmem:s0], [sflag:$0x3], $0x80, $0x38;
	[tilespmem:$0x10080] =	vst v63  }
0xb7: {  	s0 =	sadd.s32 $0x4080, s26;
	s2 =	sadd.s32 $0x20, s28  }
0xb8: {  	[hbm4b:s2+s3] =	stream.linear.scatter [tilespmem:s0], [sflag:$0x3], $0x80, $0x38;
	[tilespmem:$0x10080] =	vst v63  }
0xb9: {  	s0 =	sadd.s32 $0x6080, s26;
	s2 =	sadd.s32 $0x30, s28  }
0xba: {  	[hbm4b:s2+s3] =	stream.linear.scatter [tilespmem:s0], [sflag:$0x3], $0x80, $0x38;
	[tilespmem:$0x10080] =	vst v63  }
0xbb: {  	s0 =	sadd.s32 $0x8080, s26;
	s2 =	sadd.s32 $0x40, s28  }
0xbc: {  	[hbm4b:s2+s3] =	stream.linear.scatter [tilespmem:s0], [sflag:$0x3], $0x80, $0x38;
	[tilespmem:$0x10080] =	vst v63  }
0xbd: {  	s0 =	sadd.s32 $0xA080, s26;
	s2 =	sadd.s32 $0x50, s28  }
0xbe: {  	[hbm4b:s2+s3] =	stream.linear.scatter [tilespmem:s0], [sflag:$0x3], $0x80, $0x38;
	[tilespmem:$0x10080] =	vst v63  }
0xbf: {  	s0 =	sadd.s32 $0xC080, s26;
	s2 =	sadd.s32 $0x60, s28  }
0xc0: {  	[hbm4b:s2+s3] =	stream.linear.scatter [tilespmem:s0], [sflag:$0x3], $0x80, $0x38;
	[tilespmem:$0x10080] =	vst v63  }
0xc1: {  	s2 =	sadd.s32 $0xE080, s26;
	s26 =	sadd.s32 $0x70, s28  }
0xc2: {  	[hbm4b:s26+s3] =	stream.linear.scatter [tilespmem:s2], [sflag:$0x3], $0x80, $0x38;
	[tilespmem:$0x10080] =	vst v63  }
0xc3: {  	_ =	swait.ge [sflag:s24], $0x4000  }
0xc4: {  	[sflag:s24] =	ssyncset.done $0x0  }
0xc5: {  	[sflag:s24] =	ssyncadd.s32 $0xFFFFC000  }
0xc6: {  	v1 =	vld.msk [tilespmem:$0x10], $0xf;
	_ =	sdelay $0x4  }
0xc7: {  	v1 =	vshll.u32 v1, $0xD  }
0xc8: {  	v1 =	vperm.xlane v1, v0;
	_ =	sdelay $0x4  }
0xc9: {  	s26 =	simm.s32 $0x0  }
0xca: {  	[tilespmem:s20], [sflag:$0x1] =	stream.indirect_vreg.gather [hbm4b:s1+s26], $0x2000, v1, vm0, $0x38;
	[tilespmem:$0x10080] =	vst v63  }
0xcb: {  	v1 =	vld.msk [tilespmem:$0x14], $0xf;
	_ =	sdelay $0x4  }
0xcc: {  	v1 =	vshll.u32 v1, $0xD  }
0xcd: {  	v1 =	vperm.xlane v1, v0;
	_ =	sdelay $0x5  }
0xce: {  	[tilespmem:s21], [sflag:$0x2] =	stream.indirect_vreg.gather [hbm4b:s1+s26], $0x2000, v1, vm0, $0x38;
	[tilespmem:$0x10080] =	vst v63  }
0xcf: {  	_ =	swait.ge [sflag:s22], $0x8000  }
0xd0: {  	[sflag:s22] =	ssyncset.done $0x0  }
0xd1: {  	[sflag:s22] =	ssyncadd.s32 $0xFFFF8000  }
0xd2: {  	_ =	swait.ge [sflag:s23], $0x8000  }
0xd3: {  	[sflag:s23] =	ssyncset.done $0x0  }
0xd4: {  	s0 =	sadd.s32 $0x0, s7;
	[sflag:s23] =	ssyncadd.s32 $0xFFFF8000  }
0xd5: {  	[hbm4b:s8+s3] =	stream.linear.scatter [tilespmem:s0], [sflag:$0x3], $0x80, $0x38;
	[tilespmem:$0x10080] =	vst v63  }
0xd6: {  	s2 =	sadd.s32 $0x2000, s0;
	s26 =	sadd.s32 $0x10, s8  }
0xd7: {  	[hbm4b:s26+s3] =	stream.linear.scatter [tilespmem:s2], [sflag:$0x3], $0x80, $0x38;
	[tilespmem:$0x10080] =	vst v63  }
0xd8: {  	s2 =	sadd.s32 $0x4000, s0;
	s26 =	sadd.s32 $0x20, s8  }
0xd9: {  	[hbm4b:s26+s3] =	stream.linear.scatter [tilespmem:s2], [sflag:$0x3], $0x80, $0x38;
	[tilespmem:$0x10080] =	vst v63  }
0xda: {  	s2 =	sadd.s32 $0x6000, s0;
	s26 =	sadd.s32 $0x30, s8  }
0xdb: {  	[hbm4b:s26+s3] =	stream.linear.scatter [tilespmem:s2], [sflag:$0x3], $0x80, $0x38;
	[tilespmem:$0x10080] =	vst v63  }
0xdc: {  	s2 =	sadd.s32 $0x8000, s0;
	s26 =	sadd.s32 $0x40, s8  }
0xdd: {  	[hbm4b:s26+s3] =	stream.linear.scatter [tilespmem:s2], [sflag:$0x3], $0x80, $0x38;
	[tilespmem:$0x10080] =	vst v63  }
0xde: {  	s29 =	simm.s32 $0x1000;
	s2 =	sadd.s32 $0xA000, s0;
	s26 =	sadd.s32 $0x50, s8  }
0xdf: {  	[hbm4b:s26+s3] =	stream.linear.scatter [tilespmem:s2], [sflag:$0x3], $0x80, $0x38;
	[tilespmem:$0x10080] =	vst v63  }
0xe0: {  	s31 =	sadd.s32 $0x70, s8;
	s2 =	sadd.s32 $0xC000, s0;
	s26 =	sadd.s32 $0x60, s8  }
0xe1: {  	[hbm4b:s26+s3] =	stream.linear.scatter [tilespmem:s2], [sflag:$0x3], $0x80, $0x38;
	[tilespmem:$0x10080] =	vst v63  }
0xe2: {  	s28 =	simm.s32 $0x200;
	s30 =	sadd.s32 $0xE000, s0;
	s26 =	sadd.s32 $0x80, s8  }
.LBB2_6:
0xe3: {  	[hbm4b:s31+s3] =	stream.linear.scatter [tilespmem:s30], [sflag:$0x3], $0x80, $0x38;
	[tilespmem:$0x10080] =	vst v63  }
0xe4: {  	s0 =	smov.u32 s29  }
0xe5: {  	s2 =	sadd.s32 $0x800, s29;
	s30 =	sadd.s32 s28, s7;
	s28 =	sshra.s32 s0, $0x2  }
0xe6: {  	[hbm4b:s26+s3] =	stream.linear.scatter [tilespmem:s30], [sflag:$0x3], $0x80, $0x38;
	[tilespmem:$0x10080] =	vst v63  }
0xe7: {  	p1 =	sne.s32 s29, $0x7800;
	s29 =	sadd.s32 $0x10, s26;
	s0 =	sadd.s32 $0x2000, s30  }
0xe8: {  	[hbm4b:s29+s3] =	stream.linear.scatter [tilespmem:s0], [sflag:$0x3], $0x80, $0x38;
	[tilespmem:$0x10080] =	vst v63  }
0xe9: {  	s0 =	sadd.s32 $0x4000, s30;
	s29 =	sadd.s32 $0x20, s26  }
0xea: {  	[hbm4b:s29+s3] =	stream.linear.scatter [tilespmem:s0], [sflag:$0x3], $0x80, $0x38;
	[tilespmem:$0x10080] =	vst v63  }
0xeb: {  	s0 =	sadd.s32 $0x6000, s30;
	s29 =	sadd.s32 $0x30, s26  }
0xec: {  	[hbm4b:s29+s3] =	stream.linear.scatter [tilespmem:s0], [sflag:$0x3], $0x80, $0x38;
	[tilespmem:$0x10080] =	vst v63  }
0xed: {  	s0 =	sadd.s32 $0x8000, s30;
	s29 =	sadd.s32 $0x40, s26  }
0xee: {  	[hbm4b:s29+s3] =	stream.linear.scatter [tilespmem:s0], [sflag:$0x3], $0x80, $0x38;
	[tilespmem:$0x10080] =	vst v63  }
.Ltmp4:
0xef: {  	s0 =	sadd.s32 $0xA000, s30;
	s29 =	sadd.s32 $0x50, s26;
	(pc) =	sbr.rel @p1 .LBB2_6-.Ltmp4, $4  }
0xf0: {  	[hbm4b:s29+s3] =	stream.linear.scatter [tilespmem:s0], [sflag:$0x3], $0x80, $0x38;
	[tilespmem:$0x10080] =	vst v63  }
0xf1: {  	s31 =	sadd.s32 $0x70, s26;
	s0 =	sadd.s32 $0xC000, s30;
	s29 =	sadd.s32 $0x60, s26  }
0xf2: {  	[hbm4b:s29+s3] =	stream.linear.scatter [tilespmem:s0], [sflag:$0x3], $0x80, $0x38;
	[tilespmem:$0x10080] =	vst v63  }
0xf3: {  	s30 =	sadd.s32 $0xE000, s30;
	s26 =	sadd.s32 $0x80, s26;
	s29 =	smov.u32 s2  }
0xf4: {  	[hbm4b:s31+s3] =	stream.linear.scatter [tilespmem:s30], [sflag:$0x3], $0x80, $0x38;
	[tilespmem:$0x10080] =	vst v63  }
0xf5: {  	s0 =	sadd.s32 s28, s7  }
0xf6: {  	[hbm4b:s26+s3] =	stream.linear.scatter [tilespmem:s0], [sflag:$0x3], $0x80, $0x38;
	[tilespmem:$0x10080] =	vst v63  }
0xf7: {  	s28 =	sadd.s32 $0x10, s26;
	s2 =	sadd.s32 $0x2000, s0  }
0xf8: {  	[hbm4b:s28+s3] =	stream.linear.scatter [tilespmem:s2], [sflag:$0x3], $0x80, $0x38;
	[tilespmem:$0x10080] =	vst v63  }
0xf9: {  	s2 =	sadd.s32 $0x4000, s0;
	s28 =	sadd.s32 $0x20, s26  }
0xfa: {  	[hbm4b:s28+s3] =	stream.linear.scatter [tilespmem:s2], [sflag:$0x3], $0x80, $0x38;
	[tilespmem:$0x10080] =	vst v63  }
0xfb: {  	s2 =	sadd.s32 $0x6000, s0;
	s28 =	sadd.s32 $0x30, s26  }
0xfc: {  	[hbm4b:s28+s3] =	stream.linear.scatter [tilespmem:s2], [sflag:$0x3], $0x80, $0x38;
	[tilespmem:$0x10080] =	vst v63  }
0xfd: {  	s2 =	sadd.s32 $0x8000, s0;
	s28 =	sadd.s32 $0x40, s26  }
0xfe: {  	[hbm4b:s28+s3] =	stream.linear.scatter [tilespmem:s2], [sflag:$0x3], $0x80, $0x38;
	[tilespmem:$0x10080] =	vst v63  }
0xff: {  	s2 =	sadd.s32 $0xA000, s0;
	s28 =	sadd.s32 $0x50, s26  }
0x100: {  	[hbm4b:s28+s3] =	stream.linear.scatter [tilespmem:s2], [sflag:$0x3], $0x80, $0x38;
	[tilespmem:$0x10080] =	vst v63  }
0x101: {  	s2 =	sadd.s32 $0xC000, s0;
	s28 =	sadd.s32 $0x60, s26  }
0x102: {  	[hbm4b:s28+s3] =	stream.linear.scatter [tilespmem:s2], [sflag:$0x3], $0x80, $0x38;
	[tilespmem:$0x10080] =	vst v63  }
0x103: {  	s0 =	sadd.s32 $0xE000, s0;
	s26 =	sadd.s32 $0x70, s26  }
0x104: {  	[hbm4b:s26+s3] =	stream.linear.scatter [tilespmem:s0], [sflag:$0x3], $0x80, $0x38;
	[tilespmem:$0x10080] =	vst v63  }
0x105: {  	_ =	swait.ge [sflag:s24], $0x4000  }
0x106: {  	[sflag:s24] =	ssyncset.done $0x0  }
0x107: {  	[sflag:s24] =	ssyncadd.s32 $0xFFFFC000  }
0x108: {  	v1 =	vld.msk [tilespmem:$0x18], $0xf;
	_ =	sdelay $0x4  }
0x109: {  	v1 =	vshll.u32 v1, $0xD  }
0x10a: {  	v1 =	vperm.xlane v1, v0;
	_ =	sdelay $0x4  }
0x10b: {  	s2 =	simm.s32 $0x0  }
0x10c: {  	[tilespmem:s20], [sflag:$0x1] =	stream.indirect_vreg.gather [hbm4b:s1+s2], $0x2000, v1, vm0, $0x38;
	[tilespmem:$0x10080] =	vst v63  }
0x10d: {  	v1 =	vld.msk [tilespmem:$0x1C], $0xf;
	_ =	sdelay $0x4  }
0x10e: {  	v1 =	vshll.u32 v1, $0xD  }
0x10f: {  	v1 =	vperm.xlane v1, v0;
	_ =	sdelay $0x5  }
0x110: {  	[tilespmem:s21], [sflag:$0x2] =	stream.indirect_vreg.gather [hbm4b:s1+s2], $0x2000, v1, vm0, $0x38;
	[tilespmem:$0x10080] =	vst v63  }
0x111: {  	_ =	swait.ge [sflag:s22], $0x8000  }
0x112: {  	[sflag:s22] =	ssyncset.done $0x0  }
0x113: {  	[sflag:s22] =	ssyncadd.s32 $0xFFFF8000  }
0x114: {  	_ =	swait.ge [sflag:s23], $0x8000  }
0x115: {  	[sflag:s23] =	ssyncset.done $0x0  }
0x116: {  	s26 =	simm.s32 $0x100;
	[sflag:s23] =	ssyncadd.s32 $0xFFFF8000  }
0x117: {  	[hbm4b:s9+s3] =	stream.linear.scatter [tilespmem:s26], [sflag:$0x3], $0x80, $0x38;
	[tilespmem:$0x10080] =	vst v63  }
0x118: {  	s2 =	simm.s32 $0x2100;
	s26 =	sadd.s32 $0x10, s9  }
0x119: {  	[hbm4b:s26+s3] =	stream.linear.scatter [tilespmem:s2], [sflag:$0x3], $0x80, $0x38;
	[tilespmem:$0x10080] =	vst v63  }
0x11a: {  	s2 =	simm.s32 $0x4100;
	s26 =	sadd.s32 $0x20, s9  }
0x11b: {  	[hbm4b:s26+s3] =	stream.linear.scatter [tilespmem:s2], [sflag:$0x3], $0x80, $0x38;
	[tilespmem:$0x10080] =	vst v63  }
0x11c: {  	s2 =	simm.s32 $0x6100;
	s26 =	sadd.s32 $0x30, s9  }
0x11d: {  	[hbm4b:s26+s3] =	stream.linear.scatter [tilespmem:s2], [sflag:$0x3], $0x80, $0x38;
	[tilespmem:$0x10080] =	vst v63  }
0x11e: {  	s2 =	simm.s32 $0x8100;
	s26 =	sadd.s32 $0x40, s9  }
0x11f: {  	[hbm4b:s26+s3] =	stream.linear.scatter [tilespmem:s2], [sflag:$0x3], $0x80, $0x38;
	[tilespmem:$0x10080] =	vst v63  }
0x120: {  	s29 =	simm.s32 $0x1000;
	s2 =	simm.s32 $0xA100;
	s26 =	sadd.s32 $0x50, s9  }
0x121: {  	[hbm4b:s26+s3] =	stream.linear.scatter [tilespmem:s2], [sflag:$0x3], $0x80, $0x38;
	[tilespmem:$0x10080] =	vst v63  }
0x122: {  	s30 =	simm.s32 $0xE100;
	s2 =	simm.s32 $0xC100;
	s26 =	sadd.s32 $0x60, s9  }
0x123: {  	[hbm4b:s26+s3] =	stream.linear.scatter [tilespmem:s2], [sflag:$0x3], $0x80, $0x38;
	[tilespmem:$0x10080] =	vst v63  }
0x124: {  	s31 =	sadd.s32 $0x70, s9;
	s28 =	sadd.s32 $0x80, s9;
	s26 =	simm.s32 $0x200  }
.LBB2_8:
0x125: {  	[hbm4b:s31+s3] =	stream.linear.scatter [tilespmem:s30], [sflag:$0x3], $0x80, $0x38;
	[tilespmem:$0x10080] =	vst v63  }
0x126: {  	s0 =	smov.u32 s26;
	s2 =	smov.u32 s29  }
0x127: {  	s26 =	sshra.s32 s2, $0x2;
	s2 =	sadd.s32 $0x800, s29;
	s30 =	sadd.s32 $0x100, s0  }
0x128: {  	[hbm4b:s28+s3] =	stream.linear.scatter [tilespmem:s30], [sflag:$0x3], $0x80, $0x38;
	[tilespmem:$0x10080] =	vst v63  }
0x129: {  	p1 =	sne.s32 s29, $0x7800;
	s29 =	sadd.s32 $0x2100, s0;
	s30 =	sadd.s32 $0x10, s28  }
0x12a: {  	[hbm4b:s30+s3] =	stream.linear.scatter [tilespmem:s29], [sflag:$0x3], $0x80, $0x38;
	[tilespmem:$0x10080] =	vst v63  }
0x12b: {  	s29 =	sadd.s32 $0x4100, s0;
	s30 =	sadd.s32 $0x20, s28  }
0x12c: {  	[hbm4b:s30+s3] =	stream.linear.scatter [tilespmem:s29], [sflag:$0x3], $0x80, $0x38;
	[tilespmem:$0x10080] =	vst v63  }
0x12d: {  	s29 =	sadd.s32 $0x6100, s0;
	s30 =	sadd.s32 $0x30, s28  }
0x12e: {  	[hbm4b:s30+s3] =	stream.linear.scatter [tilespmem:s29], [sflag:$0x3], $0x80, $0x38;
	[tilespmem:$0x10080] =	vst v63  }
0x12f: {  	s29 =	sadd.s32 $0x8100, s0;
	s30 =	sadd.s32 $0x40, s28  }
0x130: {  	[hbm4b:s30+s3] =	stream.linear.scatter [tilespmem:s29], [sflag:$0x3], $0x80, $0x38;
	[tilespmem:$0x10080] =	vst v63  }
.Ltmp5:
0x131: {  	s29 =	sadd.s32 $0xA100, s0;
	s30 =	sadd.s32 $0x50, s28;
	(pc) =	sbr.rel @p1 .LBB2_8-.Ltmp5, $4  }
0x132: {  	[hbm4b:s30+s3] =	stream.linear.scatter [tilespmem:s29], [sflag:$0x3], $0x80, $0x38;
	[tilespmem:$0x10080] =	vst v63  }
0x133: {  	s31 =	sadd.s32 $0x70, s28;
	s29 =	sadd.s32 $0xC100, s0;
	s30 =	sadd.s32 $0x60, s28  }
0x134: {  	[hbm4b:s30+s3] =	stream.linear.scatter [tilespmem:s29], [sflag:$0x3], $0x80, $0x38;
	[tilespmem:$0x10080] =	vst v63  }
0x135: {  	s28 =	sadd.s32 $0x80, s28;
	s30 =	sadd.s32 $0xE100, s0;
	s29 =	smov.u32 s2  }
0x136: {  	[hbm4b:s31+s3] =	stream.linear.scatter [tilespmem:s30], [sflag:$0x3], $0x80, $0x38;
	[tilespmem:$0x10080] =	vst v63  }
0x137: {  	s0 =	sadd.s32 $0x100, s26  }
0x138: {  	[hbm4b:s28+s3] =	stream.linear.scatter [tilespmem:s0], [sflag:$0x3], $0x80, $0x38;
	[tilespmem:$0x10080] =	vst v63  }
0x139: {  	s2 =	sadd.s32 $0x10, s28;
	s0 =	sadd.s32 $0x2100, s26  }
0x13a: {  	[hbm4b:s2+s3] =	stream.linear.scatter [tilespmem:s0], [sflag:$0x3], $0x80, $0x38;
	[tilespmem:$0x10080] =	vst v63  }
0x13b: {  	s0 =	sadd.s32 $0x4100, s26;
	s2 =	sadd.s32 $0x20, s28  }
0x13c: {  	[hbm4b:s2+s3] =	stream.linear.scatter [tilespmem:s0], [sflag:$0x3], $0x80, $0x38;
	[tilespmem:$0x10080] =	vst v63  }
0x13d: {  	s0 =	sadd.s32 $0x6100, s26;
	s2 =	sadd.s32 $0x30, s28  }
0x13e: {  	[hbm4b:s2+s3] =	stream.linear.scatter [tilespmem:s0], [sflag:$0x3], $0x80, $0x38;
	[tilespmem:$0x10080] =	vst v63  }
0x13f: {  	s0 =	sadd.s32 $0x8100, s26;
	s2 =	sadd.s32 $0x40, s28  }
0x140: {  	[hbm4b:s2+s3] =	stream.linear.scatter [tilespmem:s0], [sflag:$0x3], $0x80, $0x38;
	[tilespmem:$0x10080] =	vst v63  }
0x141: {  	s0 =	sadd.s32 $0xA100, s26;
	s2 =	sadd.s32 $0x50, s28  }
0x142: {  	[hbm4b:s2+s3] =	stream.linear.scatter [tilespmem:s0], [sflag:$0x3], $0x80, $0x38;
	[tilespmem:$0x10080] =	vst v63  }
0x143: {  	s0 =	sadd.s32 $0xC100, s26;
	s2 =	sadd.s32 $0x60, s28  }
0x144: {  	[hbm4b:s2+s3] =	stream.linear.scatter [tilespmem:s0], [sflag:$0x3], $0x80, $0x38;
	[tilespmem:$0x10080] =	vst v63  }
0x145: {  	s2 =	sadd.s32 $0xE100, s26;
	s26 =	sadd.s32 $0x70, s28  }
0x146: {  	[hbm4b:s26+s3] =	stream.linear.scatter [tilespmem:s2], [sflag:$0x3], $0x80, $0x38;
	[tilespmem:$0x10080] =	vst v63  }
0x147: {  	_ =	swait.ge [sflag:s24], $0x4000  }
0x148: {  	[sflag:s24] =	ssyncset.done $0x0  }
0x149: {  	[sflag:s24] =	ssyncadd.s32 $0xFFFFC000  }
0x14a: {  	v1 =	vld.msk [tilespmem:$0x20], $0xf;
	_ =	sdelay $0x4  }
0x14b: {  	v1 =	vshll.u32 v1, $0xD  }
0x14c: {  	v1 =	vperm.xlane v1, v0;
	_ =	sdelay $0x4  }
0x14d: {  	s26 =	simm.s32 $0x0  }
0x14e: {  	[tilespmem:s20], [sflag:$0x1] =	stream.indirect_vreg.gather [hbm4b:s1+s26], $0x2000, v1, vm0, $0x38;
	[tilespmem:$0x10080] =	vst v63  }
0x14f: {  	v1 =	vld.msk [tilespmem:$0x24], $0xf;
	_ =	sdelay $0x4  }
0x150: {  	v1 =	vshll.u32 v1, $0xD  }
0x151: {  	v1 =	vperm.xlane v1, v0;
	_ =	sdelay $0x5  }
0x152: {  	[tilespmem:s21], [sflag:$0x2] =	stream.indirect_vreg.gather [hbm4b:s1+s26], $0x2000, v1, vm0, $0x38;
	[tilespmem:$0x10080] =	vst v63  }
0x153: {  	_ =	swait.ge [sflag:s22], $0x8000  }
0x154: {  	[sflag:s22] =	ssyncset.done $0x0  }
0x155: {  	[sflag:s22] =	ssyncadd.s32 $0xFFFF8000  }
0x156: {  	_ =	swait.ge [sflag:s23], $0x8000  }
0x157: {  	[sflag:s23] =	ssyncset.done $0x0  }
0x158: {  	s0 =	sadd.s32 $0x0, s11;
	[sflag:s23] =	ssyncadd.s32 $0xFFFF8000  }
0x159: {  	[hbm4b:s10+s3] =	stream.linear.scatter [tilespmem:s0], [sflag:$0x3], $0x80, $0x38;
	[tilespmem:$0x10080] =	vst v63  }
0x15a: {  	s2 =	sadd.s32 $0x2000, s0;
	s26 =	sadd.s32 $0x10, s10  }
0x15b: {  	[hbm4b:s26+s3] =	stream.linear.scatter [tilespmem:s2], [sflag:$0x3], $0x80, $0x38;
	[tilespmem:$0x10080] =	vst v63  }
0x15c: {  	s2 =	sadd.s32 $0x4000, s0;
	s26 =	sadd.s32 $0x20, s10  }
0x15d: {  	[hbm4b:s26+s3] =	stream.linear.scatter [tilespmem:s2], [sflag:$0x3], $0x80, $0x38;
	[tilespmem:$0x10080] =	vst v63  }
0x15e: {  	s2 =	sadd.s32 $0x6000, s0;
	s26 =	sadd.s32 $0x30, s10  }
0x15f: {  	[hbm4b:s26+s3] =	stream.linear.scatter [tilespmem:s2], [sflag:$0x3], $0x80, $0x38;
	[tilespmem:$0x10080] =	vst v63  }
0x160: {  	s2 =	sadd.s32 $0x8000, s0;
	s26 =	sadd.s32 $0x40, s10  }
0x161: {  	[hbm4b:s26+s3] =	stream.linear.scatter [tilespmem:s2], [sflag:$0x3], $0x80, $0x38;
	[tilespmem:$0x10080] =	vst v63  }
0x162: {  	s29 =	simm.s32 $0x1000;
	s2 =	sadd.s32 $0xA000, s0;
	s26 =	sadd.s32 $0x50, s10  }
0x163: {  	[hbm4b:s26+s3] =	stream.linear.scatter [tilespmem:s2], [sflag:$0x3], $0x80, $0x38;
	[tilespmem:$0x10080] =	vst v63  }
0x164: {  	s31 =	sadd.s32 $0x70, s10;
	s2 =	sadd.s32 $0xC000, s0;
	s26 =	sadd.s32 $0x60, s10  }
0x165: {  	[hbm4b:s26+s3] =	stream.linear.scatter [tilespmem:s2], [sflag:$0x3], $0x80, $0x38;
	[tilespmem:$0x10080] =	vst v63  }
0x166: {  	s28 =	simm.s32 $0x200;
	s30 =	sadd.s32 $0xE000, s0;
	s26 =	sadd.s32 $0x80, s10  }
.LBB2_10:
0x167: {  	[hbm4b:s31+s3] =	stream.linear.scatter [tilespmem:s30], [sflag:$0x3], $0x80, $0x38;
	[tilespmem:$0x10080] =	vst v63  }
0x168: {  	s0 =	smov.u32 s29  }
0x169: {  	s2 =	sadd.s32 $0x800, s29;
	s30 =	sadd.s32 s28, s11;
	s28 =	sshra.s32 s0, $0x2  }
0x16a: {  	[hbm4b:s26+s3] =	stream.linear.scatter [tilespmem:s30], [sflag:$0x3], $0x80, $0x38;
	[tilespmem:$0x10080] =	vst v63  }
0x16b: {  	p1 =	sne.s32 s29, $0x7800;
	s29 =	sadd.s32 $0x10, s26;
	s0 =	sadd.s32 $0x2000, s30  }
0x16c: {  	[hbm4b:s29+s3] =	stream.linear.scatter [tilespmem:s0], [sflag:$0x3], $0x80, $0x38;
	[tilespmem:$0x10080] =	vst v63  }
0x16d: {  	s0 =	sadd.s32 $0x4000, s30;
	s29 =	sadd.s32 $0x20, s26  }
0x16e: {  	[hbm4b:s29+s3] =	stream.linear.scatter [tilespmem:s0], [sflag:$0x3], $0x80, $0x38;
	[tilespmem:$0x10080] =	vst v63  }
0x16f: {  	s0 =	sadd.s32 $0x6000, s30;
	s29 =	sadd.s32 $0x30, s26  }
0x170: {  	[hbm4b:s29+s3] =	stream.linear.scatter [tilespmem:s0], [sflag:$0x3], $0x80, $0x38;
	[tilespmem:$0x10080] =	vst v63  }
0x171: {  	s0 =	sadd.s32 $0x8000, s30;
	s29 =	sadd.s32 $0x40, s26  }
0x172: {  	[hbm4b:s29+s3] =	stream.linear.scatter [tilespmem:s0], [sflag:$0x3], $0x80, $0x38;
	[tilespmem:$0x10080] =	vst v63  }
.Ltmp6:
0x173: {  	s0 =	sadd.s32 $0xA000, s30;
	s29 =	sadd.s32 $0x50, s26;
	(pc) =	sbr.rel @p1 .LBB2_10-.Ltmp6, $4  }
0x174: {  	[hbm4b:s29+s3] =	stream.linear.scatter [tilespmem:s0], [sflag:$0x3], $0x80, $0x38;
	[tilespmem:$0x10080] =	vst v63  }
0x175: {  	s31 =	sadd.s32 $0x70, s26;
	s0 =	sadd.s32 $0xC000, s30;
	s29 =	sadd.s32 $0x60, s26  }
0x176: {  	[hbm4b:s29+s3] =	stream.linear.scatter [tilespmem:s0], [sflag:$0x3], $0x80, $0x38;
	[tilespmem:$0x10080] =	vst v63  }
0x177: {  	s30 =	sadd.s32 $0xE000, s30;
	s26 =	sadd.s32 $0x80, s26;
	s29 =	smov.u32 s2  }
0x178: {  	[hbm4b:s31+s3] =	stream.linear.scatter [tilespmem:s30], [sflag:$0x3], $0x80, $0x38;
	[tilespmem:$0x10080] =	vst v63  }
0x179: {  	s0 =	sadd.s32 s28, s11  }
0x17a: {  	[hbm4b:s26+s3] =	stream.linear.scatter [tilespmem:s0], [sflag:$0x3], $0x80, $0x38;
	[tilespmem:$0x10080] =	vst v63  }
0x17b: {  	s28 =	sadd.s32 $0x10, s26;
	s2 =	sadd.s32 $0x2000, s0  }
0x17c: {  	[hbm4b:s28+s3] =	stream.linear.scatter [tilespmem:s2], [sflag:$0x3], $0x80, $0x38;
	[tilespmem:$0x10080] =	vst v63  }
0x17d: {  	s2 =	sadd.s32 $0x4000, s0;
	s28 =	sadd.s32 $0x20, s26  }
0x17e: {  	[hbm4b:s28+s3] =	stream.linear.scatter [tilespmem:s2], [sflag:$0x3], $0x80, $0x38;
	[tilespmem:$0x10080] =	vst v63  }
0x17f: {  	s2 =	sadd.s32 $0x6000, s0;
	s28 =	sadd.s32 $0x30, s26  }
0x180: {  	[hbm4b:s28+s3] =	stream.linear.scatter [tilespmem:s2], [sflag:$0x3], $0x80, $0x38;
	[tilespmem:$0x10080] =	vst v63  }
0x181: {  	s2 =	sadd.s32 $0x8000, s0;
	s28 =	sadd.s32 $0x40, s26  }
0x182: {  	[hbm4b:s28+s3] =	stream.linear.scatter [tilespmem:s2], [sflag:$0x3], $0x80, $0x38;
	[tilespmem:$0x10080] =	vst v63  }
0x183: {  	s2 =	sadd.s32 $0xA000, s0;
	s28 =	sadd.s32 $0x50, s26  }
0x184: {  	[hbm4b:s28+s3] =	stream.linear.scatter [tilespmem:s2], [sflag:$0x3], $0x80, $0x38;
	[tilespmem:$0x10080] =	vst v63  }
0x185: {  	s2 =	sadd.s32 $0xC000, s0;
	s28 =	sadd.s32 $0x60, s26  }
0x186: {  	[hbm4b:s28+s3] =	stream.linear.scatter [tilespmem:s2], [sflag:$0x3], $0x80, $0x38;
	[tilespmem:$0x10080] =	vst v63  }
0x187: {  	s0 =	sadd.s32 $0xE000, s0;
	s26 =	sadd.s32 $0x70, s26  }
0x188: {  	[hbm4b:s26+s3] =	stream.linear.scatter [tilespmem:s0], [sflag:$0x3], $0x80, $0x38;
	[tilespmem:$0x10080] =	vst v63  }
0x189: {  	_ =	swait.ge [sflag:s24], $0x4000  }
0x18a: {  	[sflag:s24] =	ssyncset.done $0x0  }
0x18b: {  	[sflag:s24] =	ssyncadd.s32 $0xFFFFC000  }
0x18c: {  	v1 =	vld.msk [tilespmem:$0x28], $0xf;
	_ =	sdelay $0x4  }
0x18d: {  	v1 =	vshll.u32 v1, $0xD  }
0x18e: {  	v1 =	vperm.xlane v1, v0;
	_ =	sdelay $0x4  }
0x18f: {  	s2 =	simm.s32 $0x0  }
0x190: {  	[tilespmem:s20], [sflag:$0x1] =	stream.indirect_vreg.gather [hbm4b:s1+s2], $0x2000, v1, vm0, $0x38;
	[tilespmem:$0x10080] =	vst v63  }
0x191: {  	v1 =	vld.msk [tilespmem:$0x2C], $0xf;
	_ =	sdelay $0x4  }
0x192: {  	v1 =	vshll.u32 v1, $0xD  }
0x193: {  	v1 =	vperm.xlane v1, v0;
	_ =	sdelay $0x5  }
0x194: {  	[tilespmem:s21], [sflag:$0x2] =	stream.indirect_vreg.gather [hbm4b:s1+s2], $0x2000, v1, vm0, $0x38;
	[tilespmem:$0x10080] =	vst v63  }
0x195: {  	_ =	swait.ge [sflag:s22], $0x8000  }
0x196: {  	[sflag:s22] =	ssyncset.done $0x0  }
0x197: {  	[sflag:s22] =	ssyncadd.s32 $0xFFFF8000  }
0x198: {  	_ =	swait.ge [sflag:s23], $0x8000  }
0x199: {  	[sflag:s23] =	ssyncset.done $0x0  }
0x19a: {  	s26 =	simm.s32 $0x180;
	[sflag:s23] =	ssyncadd.s32 $0xFFFF8000  }
0x19b: {  	[hbm4b:s12+s3] =	stream.linear.scatter [tilespmem:s26], [sflag:$0x3], $0x80, $0x38;
	[tilespmem:$0x10080] =	vst v63  }
0x19c: {  	s2 =	simm.s32 $0x2180;
	s26 =	sadd.s32 $0x10, s12  }
0x19d: {  	[hbm4b:s26+s3] =	stream.linear.scatter [tilespmem:s2], [sflag:$0x3], $0x80, $0x38;
	[tilespmem:$0x10080] =	vst v63  }
0x19e: {  	s2 =	simm.s32 $0x4180;
	s26 =	sadd.s32 $0x20, s12  }
0x19f: {  	[hbm4b:s26+s3] =	stream.linear.scatter [tilespmem:s2], [sflag:$0x3], $0x80, $0x38;
	[tilespmem:$0x10080] =	vst v63  }
0x1a0: {  	s2 =	simm.s32 $0x6180;
	s26 =	sadd.s32 $0x30, s12  }
0x1a1: {  	[hbm4b:s26+s3] =	stream.linear.scatter [tilespmem:s2], [sflag:$0x3], $0x80, $0x38;
	[tilespmem:$0x10080] =	vst v63  }
0x1a2: {  	s2 =	simm.s32 $0x8180;
	s26 =	sadd.s32 $0x40, s12  }
0x1a3: {  	[hbm4b:s26+s3] =	stream.linear.scatter [tilespmem:s2], [sflag:$0x3], $0x80, $0x38;
	[tilespmem:$0x10080] =	vst v63  }
0x1a4: {  	s29 =	simm.s32 $0x1000;
	s2 =	simm.s32 $0xA180;
	s26 =	sadd.s32 $0x50, s12  }
0x1a5: {  	[hbm4b:s26+s3] =	stream.linear.scatter [tilespmem:s2], [sflag:$0x3], $0x80, $0x38;
	[tilespmem:$0x10080] =	vst v63  }
0x1a6: {  	s30 =	simm.s32 $0xE180;
	s2 =	simm.s32 $0xC180;
	s26 =	sadd.s32 $0x60, s12  }
0x1a7: {  	[hbm4b:s26+s3] =	stream.linear.scatter [tilespmem:s2], [sflag:$0x3], $0x80, $0x38;
	[tilespmem:$0x10080] =	vst v63  }
0x1a8: {  	s31 =	sadd.s32 $0x70, s12;
	s28 =	sadd.s32 $0x80, s12;
	s26 =	simm.s32 $0x200  }
.LBB2_12:
0x1a9: {  	[hbm4b:s31+s3] =	stream.linear.scatter [tilespmem:s30], [sflag:$0x3], $0x80, $0x38;
	[tilespmem:$0x10080] =	vst v63  }
0x1aa: {  	s0 =	smov.u32 s26;
	s2 =	smov.u32 s29  }
0x1ab: {  	s26 =	sshra.s32 s2, $0x2;
	s2 =	sadd.s32 $0x800, s29;
	s30 =	sadd.s32 $0x180, s0  }
0x1ac: {  	[hbm4b:s28+s3] =	stream.linear.scatter [tilespmem:s30], [sflag:$0x3], $0x80, $0x38;
	[tilespmem:$0x10080] =	vst v63  }
0x1ad: {  	p1 =	sne.s32 s29, $0x7800;
	s29 =	sadd.s32 $0x2180, s0;
	s30 =	sadd.s32 $0x10, s28  }
0x1ae: {  	[hbm4b:s30+s3] =	stream.linear.scatter [tilespmem:s29], [sflag:$0x3], $0x80, $0x38;
	[tilespmem:$0x10080] =	vst v63  }
0x1af: {  	s29 =	sadd.s32 $0x4180, s0;
	s30 =	sadd.s32 $0x20, s28  }
0x1b0: {  	[hbm4b:s30+s3] =	stream.linear.scatter [tilespmem:s29], [sflag:$0x3], $0x80, $0x38;
	[tilespmem:$0x10080] =	vst v63  }
0x1b1: {  	s29 =	sadd.s32 $0x6180, s0;
	s30 =	sadd.s32 $0x30, s28  }
0x1b2: {  	[hbm4b:s30+s3] =	stream.linear.scatter [tilespmem:s29], [sflag:$0x3], $0x80, $0x38;
	[tilespmem:$0x10080] =	vst v63  }
0x1b3: {  	s29 =	sadd.s32 $0x8180, s0;
	s30 =	sadd.s32 $0x40, s28  }
0x1b4: {  	[hbm4b:s30+s3] =	stream.linear.scatter [tilespmem:s29], [sflag:$0x3], $0x80, $0x38;
	[tilespmem:$0x10080] =	vst v63  }
.Ltmp7:
0x1b5: {  	s29 =	sadd.s32 $0xA180, s0;
	s30 =	sadd.s32 $0x50, s28;
	(pc) =	sbr.rel @p1 .LBB2_12-.Ltmp7, $4  }
0x1b6: {  	[hbm4b:s30+s3] =	stream.linear.scatter [tilespmem:s29], [sflag:$0x3], $0x80, $0x38;
	[tilespmem:$0x10080] =	vst v63  }
0x1b7: {  	s31 =	sadd.s32 $0x70, s28;
	s29 =	sadd.s32 $0xC180, s0;
	s30 =	sadd.s32 $0x60, s28  }
0x1b8: {  	[hbm4b:s30+s3] =	stream.linear.scatter [tilespmem:s29], [sflag:$0x3], $0x80, $0x38;
	[tilespmem:$0x10080] =	vst v63  }
0x1b9: {  	s28 =	sadd.s32 $0x80, s28;
	s30 =	sadd.s32 $0xE180, s0;
	s29 =	smov.u32 s2  }
0x1ba: {  	[hbm4b:s31+s3] =	stream.linear.scatter [tilespmem:s30], [sflag:$0x3], $0x80, $0x38;
	[tilespmem:$0x10080] =	vst v63  }
0x1bb: {  	s0 =	sadd.s32 $0x180, s26  }
0x1bc: {  	[hbm4b:s28+s3] =	stream.linear.scatter [tilespmem:s0], [sflag:$0x3], $0x80, $0x38;
	[tilespmem:$0x10080] =	vst v63  }
0x1bd: {  	s2 =	sadd.s32 $0x10, s28;
	s0 =	sadd.s32 $0x2180, s26  }
0x1be: {  	[hbm4b:s2+s3] =	stream.linear.scatter [tilespmem:s0], [sflag:$0x3], $0x80, $0x38;
	[tilespmem:$0x10080] =	vst v63  }
0x1bf: {  	s0 =	sadd.s32 $0x4180, s26;
	s2 =	sadd.s32 $0x20, s28  }
0x1c0: {  	[hbm4b:s2+s3] =	stream.linear.scatter [tilespmem:s0], [sflag:$0x3], $0x80, $0x38;
	[tilespmem:$0x10080] =	vst v63  }
0x1c1: {  	s0 =	sadd.s32 $0x6180, s26;
	s2 =	sadd.s32 $0x30, s28  }
0x1c2: {  	[hbm4b:s2+s3] =	stream.linear.scatter [tilespmem:s0], [sflag:$0x3], $0x80, $0x38;
	[tilespmem:$0x10080] =	vst v63  }
0x1c3: {  	s0 =	sadd.s32 $0x8180, s26;
	s2 =	sadd.s32 $0x40, s28  }
0x1c4: {  	[hbm4b:s2+s3] =	stream.linear.scatter [tilespmem:s0], [sflag:$0x3], $0x80, $0x38;
	[tilespmem:$0x10080] =	vst v63  }
0x1c5: {  	s0 =	sadd.s32 $0xA180, s26;
	s2 =	sadd.s32 $0x50, s28  }
0x1c6: {  	[hbm4b:s2+s3] =	stream.linear.scatter [tilespmem:s0], [sflag:$0x3], $0x80, $0x38;
	[tilespmem:$0x10080] =	vst v63  }
0x1c7: {  	s0 =	sadd.s32 $0xC180, s26;
	s2 =	sadd.s32 $0x60, s28  }
0x1c8: {  	[hbm4b:s2+s3] =	stream.linear.scatter [tilespmem:s0], [sflag:$0x3], $0x80, $0x38;
	[tilespmem:$0x10080] =	vst v63  }
0x1c9: {  	s2 =	sadd.s32 $0xE180, s26;
	s26 =	sadd.s32 $0x70, s28  }
0x1ca: {  	[hbm4b:s26+s3] =	stream.linear.scatter [tilespmem:s2], [sflag:$0x3], $0x80, $0x38;
	[tilespmem:$0x10080] =	vst v63  }
0x1cb: {  	_ =	swait.ge [sflag:s24], $0x4000  }
0x1cc: {  	[sflag:s24] =	ssyncset.done $0x0  }
0x1cd: {  	[sflag:s24] =	ssyncadd.s32 $0xFFFFC000  }
0x1ce: {  	v1 =	vld.msk [tilespmem:$0x30], $0xf;
	_ =	sdelay $0x4  }
0x1cf: {  	v1 =	vshll.u32 v1, $0xD  }
0x1d0: {  	v1 =	vperm.xlane v1, v0;
	_ =	sdelay $0x4  }
0x1d1: {  	s2 =	simm.s32 $0x0  }
0x1d2: {  	[tilespmem:s20], [sflag:$0x1] =	stream.indirect_vreg.gather [hbm4b:s1+s2], $0x2000, v1, vm0, $0x38;
	[tilespmem:$0x10080] =	vst v63  }
0x1d3: {  	v1 =	vld.msk [tilespmem:$0x34], $0xf;
	_ =	sdelay $0x4  }
0x1d4: {  	v1 =	vshll.u32 v1, $0xD  }
0x1d5: {  	v1 =	vperm.xlane v1, v0;
	_ =	sdelay $0x5  }
0x1d6: {  	[tilespmem:s21], [sflag:$0x2] =	stream.indirect_vreg.gather [hbm4b:s1+s2], $0x2000, v1, vm0, $0x38;
	[tilespmem:$0x10080] =	vst v63  }
0x1d7: {  	_ =	swait.ge [sflag:s22], $0x8000  }
0x1d8: {  	[sflag:s22] =	ssyncset.done $0x0  }
0x1d9: {  	[sflag:s22] =	ssyncadd.s32 $0xFFFF8000  }
0x1da: {  	_ =	swait.ge [sflag:s23], $0x8000  }
0x1db: {  	[sflag:s23] =	ssyncset.done $0x0  }
0x1dc: {  	s26 =	simm.s32 $0x180;
	[sflag:s23] =	ssyncadd.s32 $0xFFFF8000  }
0x1dd: {  	[hbm4b:s13+s3] =	stream.linear.scatter [tilespmem:s26], [sflag:$0x3], $0x80, $0x38;
	[tilespmem:$0x10080] =	vst v63  }
0x1de: {  	s2 =	simm.s32 $0x2180;
	s26 =	sadd.s32 $0x10, s13  }
0x1df: {  	[hbm4b:s26+s3] =	stream.linear.scatter [tilespmem:s2], [sflag:$0x3], $0x80, $0x38;
	[tilespmem:$0x10080] =	vst v63  }
0x1e0: {  	s2 =	simm.s32 $0x4180;
	s26 =	sadd.s32 $0x20, s13  }
0x1e1: {  	[hbm4b:s26+s3] =	stream.linear.scatter [tilespmem:s2], [sflag:$0x3], $0x80, $0x38;
	[tilespmem:$0x10080] =	vst v63  }
0x1e2: {  	s2 =	simm.s32 $0x6180;
	s26 =	sadd.s32 $0x30, s13  }
0x1e3: {  	[hbm4b:s26+s3] =	stream.linear.scatter [tilespmem:s2], [sflag:$0x3], $0x80, $0x38;
	[tilespmem:$0x10080] =	vst v63  }
0x1e4: {  	s2 =	simm.s32 $0x8180;
	s26 =	sadd.s32 $0x40, s13  }
0x1e5: {  	[hbm4b:s26+s3] =	stream.linear.scatter [tilespmem:s2], [sflag:$0x3], $0x80, $0x38;
	[tilespmem:$0x10080] =	vst v63  }
0x1e6: {  	s29 =	simm.s32 $0x1000;
	s2 =	simm.s32 $0xA180;
	s26 =	sadd.s32 $0x50, s13  }
0x1e7: {  	[hbm4b:s26+s3] =	stream.linear.scatter [tilespmem:s2], [sflag:$0x3], $0x80, $0x38;
	[tilespmem:$0x10080] =	vst v63  }
0x1e8: {  	s30 =	simm.s32 $0xE180;
	s2 =	simm.s32 $0xC180;
	s26 =	sadd.s32 $0x60, s13  }
0x1e9: {  	[hbm4b:s26+s3] =	stream.linear.scatter [tilespmem:s2], [sflag:$0x3], $0x80, $0x38;
	[tilespmem:$0x10080] =	vst v63  }
0x1ea: {  	s31 =	sadd.s32 $0x70, s13;
	s28 =	sadd.s32 $0x80, s13;
	s26 =	simm.s32 $0x200  }
.LBB2_14:
0x1eb: {  	[hbm4b:s31+s3] =	stream.linear.scatter [tilespmem:s30], [sflag:$0x3], $0x80, $0x38;
	[tilespmem:$0x10080] =	vst v63  }
0x1ec: {  	s0 =	smov.u32 s26;
	s2 =	smov.u32 s29  }
0x1ed: {  	s26 =	sshra.s32 s2, $0x2;
	s2 =	sadd.s32 $0x800, s29;
	s30 =	sadd.s32 $0x180, s0  }
0x1ee: {  	[hbm4b:s28+s3] =	stream.linear.scatter [tilespmem:s30], [sflag:$0x3], $0x80, $0x38;
	[tilespmem:$0x10080] =	vst v63  }
0x1ef: {  	p1 =	sne.s32 s29, $0x7800;
	s29 =	sadd.s32 $0x2180, s0;
	s30 =	sadd.s32 $0x10, s28  }
0x1f0: {  	[hbm4b:s30+s3] =	stream.linear.scatter [tilespmem:s29], [sflag:$0x3], $0x80, $0x38;
	[tilespmem:$0x10080] =	vst v63  }
0x1f1: {  	s29 =	sadd.s32 $0x4180, s0;
	s30 =	sadd.s32 $0x20, s28  }
0x1f2: {  	[hbm4b:s30+s3] =	stream.linear.scatter [tilespmem:s29], [sflag:$0x3], $0x80, $0x38;
	[tilespmem:$0x10080] =	vst v63  }
0x1f3: {  	s29 =	sadd.s32 $0x6180, s0;
	s30 =	sadd.s32 $0x30, s28  }
0x1f4: {  	[hbm4b:s30+s3] =	stream.linear.scatter [tilespmem:s29], [sflag:$0x3], $0x80, $0x38;
	[tilespmem:$0x10080] =	vst v63  }
0x1f5: {  	s29 =	sadd.s32 $0x8180, s0;
	s30 =	sadd.s32 $0x40, s28  }
0x1f6: {  	[hbm4b:s30+s3] =	stream.linear.scatter [tilespmem:s29], [sflag:$0x3], $0x80, $0x38;
	[tilespmem:$0x10080] =	vst v63  }
.Ltmp8:
0x1f7: {  	s29 =	sadd.s32 $0xA180, s0;
	s30 =	sadd.s32 $0x50, s28;
	(pc) =	sbr.rel @p1 .LBB2_14-.Ltmp8, $4  }
0x1f8: {  	[hbm4b:s30+s3] =	stream.linear.scatter [tilespmem:s29], [sflag:$0x3], $0x80, $0x38;
	[tilespmem:$0x10080] =	vst v63  }
0x1f9: {  	s31 =	sadd.s32 $0x70, s28;
	s29 =	sadd.s32 $0xC180, s0;
	s30 =	sadd.s32 $0x60, s28  }
0x1fa: {  	[hbm4b:s30+s3] =	stream.linear.scatter [tilespmem:s29], [sflag:$0x3], $0x80, $0x38;
	[tilespmem:$0x10080] =	vst v63  }
0x1fb: {  	s28 =	sadd.s32 $0x80, s28;
	s30 =	sadd.s32 $0xE180, s0;
	s29 =	smov.u32 s2  }
0x1fc: {  	[hbm4b:s31+s3] =	stream.linear.scatter [tilespmem:s30], [sflag:$0x3], $0x80, $0x38;
	[tilespmem:$0x10080] =	vst v63  }
0x1fd: {  	s0 =	sadd.s32 $0x180, s26  }
0x1fe: {  	[hbm4b:s28+s3] =	stream.linear.scatter [tilespmem:s0], [sflag:$0x3], $0x80, $0x38;
	[tilespmem:$0x10080] =	vst v63  }
0x1ff: {  	s2 =	sadd.s32 $0x10, s28;
	s0 =	sadd.s32 $0x2180, s26  }
0x200: {  	[hbm4b:s2+s3] =	stream.linear.scatter [tilespmem:s0], [sflag:$0x3], $0x80, $0x38;
	[tilespmem:$0x10080] =	vst v63  }
0x201: {  	s0 =	sadd.s32 $0x4180, s26;
	s2 =	sadd.s32 $0x20, s28  }
0x202: {  	[hbm4b:s2+s3] =	stream.linear.scatter [tilespmem:s0], [sflag:$0x3], $0x80, $0x38;
	[tilespmem:$0x10080] =	vst v63  }
0x203: {  	s0 =	sadd.s32 $0x6180, s26;
	s2 =	sadd.s32 $0x30, s28  }
0x204: {  	[hbm4b:s2+s3] =	stream.linear.scatter [tilespmem:s0], [sflag:$0x3], $0x80, $0x38;
	[tilespmem:$0x10080] =	vst v63  }
0x205: {  	s0 =	sadd.s32 $0x8180, s26;
	s2 =	sadd.s32 $0x40, s28  }
0x206: {  	[hbm4b:s2+s3] =	stream.linear.scatter [tilespmem:s0], [sflag:$0x3], $0x80, $0x38;
	[tilespmem:$0x10080] =	vst v63  }
0x207: {  	s0 =	sadd.s32 $0xA180, s26;
	s2 =	sadd.s32 $0x50, s28  }
0x208: {  	[hbm4b:s2+s3] =	stream.linear.scatter [tilespmem:s0], [sflag:$0x3], $0x80, $0x38;
	[tilespmem:$0x10080] =	vst v63  }
0x209: {  	s0 =	sadd.s32 $0xC180, s26;
	s2 =	sadd.s32 $0x60, s28  }
0x20a: {  	[hbm4b:s2+s3] =	stream.linear.scatter [tilespmem:s0], [sflag:$0x3], $0x80, $0x38;
	[tilespmem:$0x10080] =	vst v63  }
0x20b: {  	s2 =	sadd.s32 $0xE180, s26;
	s26 =	sadd.s32 $0x70, s28  }
0x20c: {  	[hbm4b:s26+s3] =	stream.linear.scatter [tilespmem:s2], [sflag:$0x3], $0x80, $0x38;
	[tilespmem:$0x10080] =	vst v63  }
0x20d: {  	_ =	swait.ge [sflag:s24], $0x4000  }
0x20e: {  	[sflag:s24] =	ssyncset.done $0x0  }
0x20f: {  	[sflag:s24] =	ssyncadd.s32 $0xFFFFC000  }
0x210: {  	v1 =	vld.msk [tilespmem:$0x38], $0xf;
	_ =	sdelay $0x4  }
0x211: {  	v1 =	vshll.u32 v1, $0xD  }
0x212: {  	v1 =	vperm.xlane v1, v0;
	_ =	sdelay $0x4  }
0x213: {  	s26 =	simm.s32 $0x0  }
0x214: {  	[tilespmem:s20], [sflag:$0x1] =	stream.indirect_vreg.gather [hbm4b:s1+s26], $0x2000, v1, vm0, $0x38;
	[tilespmem:$0x10080] =	vst v63  }
0x215: {  	v1 =	vld.msk [tilespmem:$0x3C], $0xf;
	_ =	sdelay $0x4  }
0x216: {  	v1 =	vshll.u32 v1, $0xD  }
0x217: {  	v1 =	vperm.xlane v1, v0;
	_ =	sdelay $0x5  }
0x218: {  	[tilespmem:s21], [sflag:$0x2] =	stream.indirect_vreg.gather [hbm4b:s1+s26], $0x2000, v1, vm0, $0x38;
	[tilespmem:$0x10080] =	vst v63  }
0x219: {  	_ =	swait.ge [sflag:s22], $0x8000  }
0x21a: {  	[sflag:s22] =	ssyncset.done $0x0  }
0x21b: {  	[sflag:s22] =	ssyncadd.s32 $0xFFFF8000  }
0x21c: {  	_ =	swait.ge [sflag:s23], $0x8000  }
0x21d: {  	[sflag:s23] =	ssyncset.done $0x0  }
0x21e: {  	s0 =	sadd.s32 $0x0, s15;
	[sflag:s23] =	ssyncadd.s32 $0xFFFF8000  }
0x21f: {  	[hbm4b:s14+s3] =	stream.linear.scatter [tilespmem:s0], [sflag:$0x3], $0x80, $0x38;
	[tilespmem:$0x10080] =	vst v63  }
0x220: {  	s2 =	sadd.s32 $0x2000, s0;
	s26 =	sadd.s32 $0x10, s14  }
0x221: {  	[hbm4b:s26+s3] =	stream.linear.scatter [tilespmem:s2], [sflag:$0x3], $0x80, $0x38;
	[tilespmem:$0x10080] =	vst v63  }
0x222: {  	s2 =	sadd.s32 $0x4000, s0;
	s26 =	sadd.s32 $0x20, s14  }
0x223: {  	[hbm4b:s26+s3] =	stream.linear.scatter [tilespmem:s2], [sflag:$0x3], $0x80, $0x38;
	[tilespmem:$0x10080] =	vst v63  }
0x224: {  	s2 =	sadd.s32 $0x6000, s0;
	s26 =	sadd.s32 $0x30, s14  }
0x225: {  	[hbm4b:s26+s3] =	stream.linear.scatter [tilespmem:s2], [sflag:$0x3], $0x80, $0x38;
	[tilespmem:$0x10080] =	vst v63  }
0x226: {  	s2 =	sadd.s32 $0x8000, s0;
	s26 =	sadd.s32 $0x40, s14  }
0x227: {  	[hbm4b:s26+s3] =	stream.linear.scatter [tilespmem:s2], [sflag:$0x3], $0x80, $0x38;
	[tilespmem:$0x10080] =	vst v63  }
0x228: {  	s29 =	simm.s32 $0x1000;
	s2 =	sadd.s32 $0xA000, s0;
	s26 =	sadd.s32 $0x50, s14  }
0x229: {  	[hbm4b:s26+s3] =	stream.linear.scatter [tilespmem:s2], [sflag:$0x3], $0x80, $0x38;
	[tilespmem:$0x10080] =	vst v63  }
0x22a: {  	s31 =	sadd.s32 $0x70, s14;
	s2 =	sadd.s32 $0xC000, s0;
	s26 =	sadd.s32 $0x60, s14  }
0x22b: {  	[hbm4b:s26+s3] =	stream.linear.scatter [tilespmem:s2], [sflag:$0x3], $0x80, $0x38;
	[tilespmem:$0x10080] =	vst v63  }
0x22c: {  	s28 =	simm.s32 $0x200;
	s30 =	sadd.s32 $0xE000, s0;
	s26 =	sadd.s32 $0x80, s14  }
.LBB2_16:
0x22d: {  	[hbm4b:s31+s3] =	stream.linear.scatter [tilespmem:s30], [sflag:$0x3], $0x80, $0x38;
	[tilespmem:$0x10080] =	vst v63  }
0x22e: {  	s0 =	smov.u32 s29  }
0x22f: {  	s2 =	sadd.s32 $0x800, s29;
	s30 =	sadd.s32 s28, s15;
	s28 =	sshra.s32 s0, $0x2  }
0x230: {  	[hbm4b:s26+s3] =	stream.linear.scatter [tilespmem:s30], [sflag:$0x3], $0x80, $0x38;
	[tilespmem:$0x10080] =	vst v63  }
0x231: {  	p1 =	sne.s32 s29, $0x7800;
	s29 =	sadd.s32 $0x10, s26;
	s0 =	sadd.s32 $0x2000, s30  }
0x232: {  	[hbm4b:s29+s3] =	stream.linear.scatter [tilespmem:s0], [sflag:$0x3], $0x80, $0x38;
	[tilespmem:$0x10080] =	vst v63  }
0x233: {  	s0 =	sadd.s32 $0x4000, s30;
	s29 =	sadd.s32 $0x20, s26  }
0x234: {  	[hbm4b:s29+s3] =	stream.linear.scatter [tilespmem:s0], [sflag:$0x3], $0x80, $0x38;
	[tilespmem:$0x10080] =	vst v63  }
0x235: {  	s0 =	sadd.s32 $0x6000, s30;
	s29 =	sadd.s32 $0x30, s26  }
0x236: {  	[hbm4b:s29+s3] =	stream.linear.scatter [tilespmem:s0], [sflag:$0x3], $0x80, $0x38;
	[tilespmem:$0x10080] =	vst v63  }
0x237: {  	s0 =	sadd.s32 $0x8000, s30;
	s29 =	sadd.s32 $0x40, s26  }
0x238: {  	[hbm4b:s29+s3] =	stream.linear.scatter [tilespmem:s0], [sflag:$0x3], $0x80, $0x38;
	[tilespmem:$0x10080] =	vst v63  }
.Ltmp9:
0x239: {  	s0 =	sadd.s32 $0xA000, s30;
	s29 =	sadd.s32 $0x50, s26;
	(pc) =	sbr.rel @p1 .LBB2_16-.Ltmp9, $4  }
0x23a: {  	[hbm4b:s29+s3] =	stream.linear.scatter [tilespmem:s0], [sflag:$0x3], $0x80, $0x38;
	[tilespmem:$0x10080] =	vst v63  }
0x23b: {  	s31 =	sadd.s32 $0x70, s26;
	s0 =	sadd.s32 $0xC000, s30;
	s29 =	sadd.s32 $0x60, s26  }
0x23c: {  	[hbm4b:s29+s3] =	stream.linear.scatter [tilespmem:s0], [sflag:$0x3], $0x80, $0x38;
	[tilespmem:$0x10080] =	vst v63  }
0x23d: {  	s30 =	sadd.s32 $0xE000, s30;
	s26 =	sadd.s32 $0x80, s26;
	s29 =	smov.u32 s2  }
0x23e: {  	[hbm4b:s31+s3] =	stream.linear.scatter [tilespmem:s30], [sflag:$0x3], $0x80, $0x38;
	[tilespmem:$0x10080] =	vst v63  }
0x23f: {  	s0 =	sadd.s32 s28, s15  }
0x240: {  	[hbm4b:s26+s3] =	stream.linear.scatter [tilespmem:s0], [sflag:$0x3], $0x80, $0x38;
	[tilespmem:$0x10080] =	vst v63  }
0x241: {  	s28 =	sadd.s32 $0x10, s26;
	s2 =	sadd.s32 $0x2000, s0  }
0x242: {  	[hbm4b:s28+s3] =	stream.linear.scatter [tilespmem:s2], [sflag:$0x3], $0x80, $0x38;
	[tilespmem:$0x10080] =	vst v63  }
0x243: {  	s2 =	sadd.s32 $0x4000, s0;
	s28 =	sadd.s32 $0x20, s26  }
0x244: {  	[hbm4b:s28+s3] =	stream.linear.scatter [tilespmem:s2], [sflag:$0x3], $0x80, $0x38;
	[tilespmem:$0x10080] =	vst v63  }
0x245: {  	s2 =	sadd.s32 $0x6000, s0;
	s28 =	sadd.s32 $0x30, s26  }
0x246: {  	[hbm4b:s28+s3] =	stream.linear.scatter [tilespmem:s2], [sflag:$0x3], $0x80, $0x38;
	[tilespmem:$0x10080] =	vst v63  }
0x247: {  	s2 =	sadd.s32 $0x8000, s0;
	s28 =	sadd.s32 $0x40, s26  }
0x248: {  	[hbm4b:s28+s3] =	stream.linear.scatter [tilespmem:s2], [sflag:$0x3], $0x80, $0x38;
	[tilespmem:$0x10080] =	vst v63  }
0x249: {  	s2 =	sadd.s32 $0xA000, s0;
	s28 =	sadd.s32 $0x50, s26  }
0x24a: {  	[hbm4b:s28+s3] =	stream.linear.scatter [tilespmem:s2], [sflag:$0x3], $0x80, $0x38;
	[tilespmem:$0x10080] =	vst v63  }
0x24b: {  	s2 =	sadd.s32 $0xC000, s0;
	s28 =	sadd.s32 $0x60, s26  }
0x24c: {  	[hbm4b:s28+s3] =	stream.linear.scatter [tilespmem:s2], [sflag:$0x3], $0x80, $0x38;
	[tilespmem:$0x10080] =	vst v63  }
0x24d: {  	s0 =	sadd.s32 $0xE000, s0;
	s26 =	sadd.s32 $0x70, s26  }
0x24e: {  	[hbm4b:s26+s3] =	stream.linear.scatter [tilespmem:s0], [sflag:$0x3], $0x80, $0x38;
	[tilespmem:$0x10080] =	vst v63  }
0x24f: {  	_ =	swait.ge [sflag:s24], $0x4000  }
0x250: {  	[sflag:s24] =	ssyncset.done $0x0  }
0x251: {  	[sflag:s24] =	ssyncadd.s32 $0xFFFFC000  }
0x252: {  	v1 =	vld.msk [tilespmem:$0x40], $0xf;
	_ =	sdelay $0x4  }
0x253: {  	v1 =	vshll.u32 v1, $0xD  }
0x254: {  	v1 =	vperm.xlane v1, v0;
	_ =	sdelay $0x4  }
0x255: {  	s2 =	simm.s32 $0x0  }
0x256: {  	[tilespmem:s20], [sflag:$0x1] =	stream.indirect_vreg.gather [hbm4b:s1+s2], $0x2000, v1, vm0, $0x38;
	[tilespmem:$0x10080] =	vst v63  }
0x257: {  	v1 =	vld.msk [tilespmem:$0x44], $0xf;
	_ =	sdelay $0x4  }
0x258: {  	v1 =	vshll.u32 v1, $0xD  }
0x259: {  	v1 =	vperm.xlane v1, v0;
	_ =	sdelay $0x5  }
0x25a: {  	[tilespmem:s21], [sflag:$0x2] =	stream.indirect_vreg.gather [hbm4b:s1+s2], $0x2000, v1, vm0, $0x38;
	[tilespmem:$0x10080] =	vst v63  }
0x25b: {  	_ =	swait.ge [sflag:s22], $0x8000  }
0x25c: {  	[sflag:s22] =	ssyncset.done $0x0  }
0x25d: {  	[sflag:s22] =	ssyncadd.s32 $0xFFFF8000  }
0x25e: {  	_ =	swait.ge [sflag:s23], $0x8000  }
0x25f: {  	[sflag:s23] =	ssyncset.done $0x0  }
0x260: {  	s26 =	simm.s32 $0x200;
	[sflag:s23] =	ssyncadd.s32 $0xFFFF8000  }
0x261: {  	[hbm4b:s16+s3] =	stream.linear.scatter [tilespmem:s26], [sflag:$0x3], $0x80, $0x38;
	[tilespmem:$0x10080] =	vst v63  }
0x262: {  	s2 =	simm.s32 $0x2200;
	s26 =	sadd.s32 $0x10, s16  }
0x263: {  	[hbm4b:s26+s3] =	stream.linear.scatter [tilespmem:s2], [sflag:$0x3], $0x80, $0x38;
	[tilespmem:$0x10080] =	vst v63  }
0x264: {  	s2 =	simm.s32 $0x4200;
	s26 =	sadd.s32 $0x20, s16  }
0x265: {  	[hbm4b:s26+s3] =	stream.linear.scatter [tilespmem:s2], [sflag:$0x3], $0x80, $0x38;
	[tilespmem:$0x10080] =	vst v63  }
0x266: {  	s2 =	simm.s32 $0x6200;
	s26 =	sadd.s32 $0x30, s16  }
0x267: {  	[hbm4b:s26+s3] =	stream.linear.scatter [tilespmem:s2], [sflag:$0x3], $0x80, $0x38;
	[tilespmem:$0x10080] =	vst v63  }
0x268: {  	s2 =	simm.s32 $0x8200;
	s26 =	sadd.s32 $0x40, s16  }
0x269: {  	[hbm4b:s26+s3] =	stream.linear.scatter [tilespmem:s2], [sflag:$0x3], $0x80, $0x38;
	[tilespmem:$0x10080] =	vst v63  }
0x26a: {  	s29 =	simm.s32 $0x1000;
	s2 =	simm.s32 $0xA200;
	s26 =	sadd.s32 $0x50, s16  }
0x26b: {  	[hbm4b:s26+s3] =	stream.linear.scatter [tilespmem:s2], [sflag:$0x3], $0x80, $0x38;
	[tilespmem:$0x10080] =	vst v63  }
0x26c: {  	s30 =	simm.s32 $0xE200;
	s2 =	simm.s32 $0xC200;
	s26 =	sadd.s32 $0x60, s16  }
0x26d: {  	[hbm4b:s26+s3] =	stream.linear.scatter [tilespmem:s2], [sflag:$0x3], $0x80, $0x38;
	[tilespmem:$0x10080] =	vst v63  }
0x26e: {  	s31 =	sadd.s32 $0x70, s16;
	s28 =	sadd.s32 $0x80, s16;
	s26 =	simm.s32 $0x200  }
.LBB2_18:
0x26f: {  	[hbm4b:s31+s3] =	stream.linear.scatter [tilespmem:s30], [sflag:$0x3], $0x80, $0x38;
	[tilespmem:$0x10080] =	vst v63  }
0x270: {  	s0 =	smov.u32 s26;
	s2 =	smov.u32 s29  }
0x271: {  	s26 =	sshra.s32 s2, $0x2;
	s2 =	sadd.s32 $0x800, s29;
	s30 =	sadd.s32 $0x200, s0  }
0x272: {  	[hbm4b:s28+s3] =	stream.linear.scatter [tilespmem:s30], [sflag:$0x3], $0x80, $0x38;
	[tilespmem:$0x10080] =	vst v63  }
0x273: {  	p1 =	sne.s32 s29, $0x7800;
	s29 =	sadd.s32 $0x2200, s0;
	s30 =	sadd.s32 $0x10, s28  }
0x274: {  	[hbm4b:s30+s3] =	stream.linear.scatter [tilespmem:s29], [sflag:$0x3], $0x80, $0x38;
	[tilespmem:$0x10080] =	vst v63  }
0x275: {  	s29 =	sadd.s32 $0x4200, s0;
	s30 =	sadd.s32 $0x20, s28  }
0x276: {  	[hbm4b:s30+s3] =	stream.linear.scatter [tilespmem:s29], [sflag:$0x3], $0x80, $0x38;
	[tilespmem:$0x10080] =	vst v63  }
0x277: {  	s29 =	sadd.s32 $0x6200, s0;
	s30 =	sadd.s32 $0x30, s28  }
0x278: {  	[hbm4b:s30+s3] =	stream.linear.scatter [tilespmem:s29], [sflag:$0x3], $0x80, $0x38;
	[tilespmem:$0x10080] =	vst v63  }
0x279: {  	s29 =	sadd.s32 $0x8200, s0;
	s30 =	sadd.s32 $0x40, s28  }
0x27a: {  	[hbm4b:s30+s3] =	stream.linear.scatter [tilespmem:s29], [sflag:$0x3], $0x80, $0x38;
	[tilespmem:$0x10080] =	vst v63  }
.Ltmp10:
0x27b: {  	s29 =	sadd.s32 $0xA200, s0;
	s30 =	sadd.s32 $0x50, s28;
	(pc) =	sbr.rel @p1 .LBB2_18-.Ltmp10, $4  }
0x27c: {  	[hbm4b:s30+s3] =	stream.linear.scatter [tilespmem:s29], [sflag:$0x3], $0x80, $0x38;
	[tilespmem:$0x10080] =	vst v63  }
0x27d: {  	s31 =	sadd.s32 $0x70, s28;
	s29 =	sadd.s32 $0xC200, s0;
	s30 =	sadd.s32 $0x60, s28  }
0x27e: {  	[hbm4b:s30+s3] =	stream.linear.scatter [tilespmem:s29], [sflag:$0x3], $0x80, $0x38;
	[tilespmem:$0x10080] =	vst v63  }
0x27f: {  	s28 =	sadd.s32 $0x80, s28;
	s30 =	sadd.s32 $0xE200, s0;
	s29 =	smov.u32 s2  }
0x280: {  	[hbm4b:s31+s3] =	stream.linear.scatter [tilespmem:s30], [sflag:$0x3], $0x80, $0x38;
	[tilespmem:$0x10080] =	vst v63  }
0x281: {  	s0 =	sadd.s32 $0x200, s26  }
0x282: {  	[hbm4b:s28+s3] =	stream.linear.scatter [tilespmem:s0], [sflag:$0x3], $0x80, $0x38;
	[tilespmem:$0x10080] =	vst v63  }
0x283: {  	s31 =	sadd.s32 $0x2200, s26;
	s2 =	sadd.s32 $0x10, s28  }
0x284: {  	[hbm4b:s2+s3] =	stream.linear.scatter [tilespmem:s31], [sflag:$0x3], $0x80, $0x38;
	[tilespmem:$0x10080] =	vst v63  }
0x285: {  	s29 =	sadd.s32 $0x20, s28;
	s2 =	sadd.s32 $0x4200, s26  }
0x286: {  	[hbm4b:s29+s3] =	stream.linear.scatter [tilespmem:s2], [sflag:$0x3], $0x80, $0x38;
	[tilespmem:$0x10080] =	vst v63  }
0x287: {  	s30 =	sadd.s32 $0x6200, s26;
	s31 =	sadd.s32 $0x30, s28  }
0x288: {  	[hbm4b:s31+s3] =	stream.linear.scatter [tilespmem:s30], [sflag:$0x3], $0x80, $0x38;
	[tilespmem:$0x10080] =	vst v63  }
0x289: {  	s2 =	sadd.s32 $0x8200, s26;
	s29 =	sadd.s32 $0x40, s28  }
0x28a: {  	[hbm4b:s29+s3] =	stream.linear.scatter [tilespmem:s2], [sflag:$0x3], $0x80, $0x38;
	[tilespmem:$0x10080] =	vst v63  }
0x28b: {  	s30 =	sadd.s32 $0xA200, s26;
	s31 =	sadd.s32 $0x50, s28  }
0x28c: {  	[hbm4b:s31+s3] =	stream.linear.scatter [tilespmem:s30], [sflag:$0x3], $0x80, $0x38;
	[tilespmem:$0x10080] =	vst v63  }
0x28d: {  	s2 =	sadd.s32 $0xC200, s26;
	s29 =	sadd.s32 $0x60, s28  }
0x28e: {  	[hbm4b:s29+s3] =	stream.linear.scatter [tilespmem:s2], [sflag:$0x3], $0x80, $0x38;
	[tilespmem:$0x10080] =	vst v63  }
.Ltmp11:
0x28f: {  	s30 =	sadd.s32 $0xE200, s26;
	s31 =	sadd.s32 $0x70, s28;
	(pc) =	sbr.rel @p0 .LBB2_23-.Ltmp11, $4  }
0x290: {  	[hbm4b:s31+s3] =	stream.linear.scatter [tilespmem:s30], [sflag:$0x3], $0x80, $0x38;
	[tilespmem:$0x10080] =	vst v63  }
0x291: {  	_ =	swait.ge [sflag:s24], $0x4000  }
0x292: {  	[sflag:s24] =	ssyncset.done $0x0  }
0x293: {  	[sflag:s24] =	ssyncadd.s32 $0xFFFFC000  }
0x294: {  	v1 =	vld.msk [tilespmem:$0x48], $0xf;
	_ =	sdelay $0x4  }
0x295: {  	v1 =	vshll.u32 v1, $0xD  }
0x296: {  	v1 =	vperm.xlane v1, v0;
	_ =	sdelay $0x4  }
0x297: {  	s0 =	simm.s32 $0x0  }
0x298: {  	[tilespmem:s20], [sflag:$0x1] =	stream.indirect_vreg.gather [hbm4b:s1+s0], $0x2000, v1, vm0, $0x38;
	[tilespmem:$0x10080] =	vst v63  }
0x299: {  	v1 =	vld.msk [tilespmem:$0x4C], $0xf;
	_ =	sdelay $0x4  }
0x29a: {  	v1 =	vshll.u32 v1, $0xD  }
0x29b: {  	v1 =	vperm.xlane v1, v0;
	_ =	sdelay $0x5  }
0x29c: {  	[tilespmem:s21], [sflag:$0x2] =	stream.indirect_vreg.gather [hbm4b:s1+s0], $0x2000, v1, vm0, $0x38;
	[tilespmem:$0x10080] =	vst v63  }
0x29d: {  	_ =	swait.ge [sflag:s22], $0x8000  }
0x29e: {  	[sflag:s22] =	ssyncset.done $0x0  }
0x29f: {  	[sflag:s22] =	ssyncadd.s32 $0xFFFF8000  }
0x2a0: {  	_ =	swait.ge [sflag:s23], $0x8000  }
0x2a1: {  	[sflag:s23] =	ssyncset.done $0x0  }
0x2a2: {  	s2 =	simm.s32 $0x200;
	[sflag:s23] =	ssyncadd.s32 $0xFFFF8000  }
0x2a3: {  	[hbm4b:s17+s3] =	stream.linear.scatter [tilespmem:s2], [sflag:$0x4], $0x80, $0x38;
	[tilespmem:$0x10080] =	vst v63  }
0x2a4: {  	s26 =	simm.s32 $0x2200;
	s2 =	sadd.s32 $0x10, s17  }
0x2a5: {  	[hbm4b:s2+s3] =	stream.linear.scatter [tilespmem:s26], [sflag:$0x4], $0x80, $0x38;
	[tilespmem:$0x10080] =	vst v63  }
0x2a6: {  	s2 =	simm.s32 $0x4200;
	s26 =	sadd.s32 $0x20, s17  }
0x2a7: {  	[hbm4b:s26+s3] =	stream.linear.scatter [tilespmem:s2], [sflag:$0x4], $0x80, $0x38;
	[tilespmem:$0x10080] =	vst v63  }
0x2a8: {  	s2 =	simm.s32 $0x6200;
	s26 =	sadd.s32 $0x30, s17  }
0x2a9: {  	[hbm4b:s26+s3] =	stream.linear.scatter [tilespmem:s2], [sflag:$0x4], $0x80, $0x38;
	[tilespmem:$0x10080] =	vst v63  }
0x2aa: {  	s2 =	simm.s32 $0x8200;
	s26 =	sadd.s32 $0x40, s17  }
0x2ab: {  	[hbm4b:s26+s3] =	stream.linear.scatter [tilespmem:s2], [sflag:$0x4], $0x80, $0x38;
	[tilespmem:$0x10080] =	vst v63  }
0x2ac: {  	s29 =	simm.s32 $0x1000;
	s2 =	simm.s32 $0xA200;
	s26 =	sadd.s32 $0x50, s17  }
0x2ad: {  	[hbm4b:s26+s3] =	stream.linear.scatter [tilespmem:s2], [sflag:$0x4], $0x80, $0x38;
	[tilespmem:$0x10080] =	vst v63  }
0x2ae: {  	s30 =	simm.s32 $0xE200;
	s2 =	simm.s32 $0xC200;
	s26 =	sadd.s32 $0x60, s17  }
0x2af: {  	[hbm4b:s26+s3] =	stream.linear.scatter [tilespmem:s2], [sflag:$0x4], $0x80, $0x38;
	[tilespmem:$0x10080] =	vst v63  }
0x2b0: {  	s31 =	sadd.s32 $0x70, s17;
	s28 =	sadd.s32 $0x80, s17;
	s26 =	simm.s32 $0x200  }
.LBB2_21:
0x2b1: {  	[hbm4b:s31+s3] =	stream.linear.scatter [tilespmem:s30], [sflag:$0x4], $0x80, $0x38;
	[tilespmem:$0x10080] =	vst v63  }
0x2b2: {  	s0 =	smov.u32 s26;
	s2 =	smov.u32 s29  }
0x2b3: {  	s26 =	sshra.s32 s2, $0x2;
	s2 =	sadd.s32 $0x800, s29;
	s30 =	sadd.s32 $0x200, s0  }
0x2b4: {  	[hbm4b:s28+s3] =	stream.linear.scatter [tilespmem:s30], [sflag:$0x4], $0x80, $0x38;
	[tilespmem:$0x10080] =	vst v63  }
0x2b5: {  	p1 =	sne.s32 s29, $0x7800;
	s29 =	sadd.s32 $0x2200, s0;
	s30 =	sadd.s32 $0x10, s28  }
0x2b6: {  	[hbm4b:s30+s3] =	stream.linear.scatter [tilespmem:s29], [sflag:$0x4], $0x80, $0x38;
	[tilespmem:$0x10080] =	vst v63  }
0x2b7: {  	s29 =	sadd.s32 $0x4200, s0;
	s30 =	sadd.s32 $0x20, s28  }
0x2b8: {  	[hbm4b:s30+s3] =	stream.linear.scatter [tilespmem:s29], [sflag:$0x4], $0x80, $0x38;
	[tilespmem:$0x10080] =	vst v63  }
0x2b9: {  	s29 =	sadd.s32 $0x6200, s0;
	s30 =	sadd.s32 $0x30, s28  }
0x2ba: {  	[hbm4b:s30+s3] =	stream.linear.scatter [tilespmem:s29], [sflag:$0x4], $0x80, $0x38;
	[tilespmem:$0x10080] =	vst v63  }
0x2bb: {  	s29 =	sadd.s32 $0x8200, s0;
	s30 =	sadd.s32 $0x40, s28  }
0x2bc: {  	[hbm4b:s30+s3] =	stream.linear.scatter [tilespmem:s29], [sflag:$0x4], $0x80, $0x38;
	[tilespmem:$0x10080] =	vst v63  }
.Ltmp12:
0x2bd: {  	s29 =	sadd.s32 $0xA200, s0;
	s30 =	sadd.s32 $0x50, s28;
	(pc) =	sbr.rel @p1 .LBB2_21-.Ltmp12, $4  }
0x2be: {  	[hbm4b:s30+s3] =	stream.linear.scatter [tilespmem:s29], [sflag:$0x4], $0x80, $0x38;
	[tilespmem:$0x10080] =	vst v63  }
0x2bf: {  	s31 =	sadd.s32 $0x70, s28;
	s29 =	sadd.s32 $0xC200, s0;
	s30 =	sadd.s32 $0x60, s28  }
0x2c0: {  	[hbm4b:s30+s3] =	stream.linear.scatter [tilespmem:s29], [sflag:$0x4], $0x80, $0x38;
	[tilespmem:$0x10080] =	vst v63  }
0x2c1: {  	s28 =	sadd.s32 $0x80, s28;
	s30 =	sadd.s32 $0xE200, s0;
	s29 =	smov.u32 s2  }
.Ltmp13:
0x2c2: {  	_ = 	snop;
	(pc) =	sbr.rel .LBB2_22-.Ltmp13, $1  }
0x2c3: {  	_ =	sdelay $0x3  }
.LBB2_24:
0x2c4: {  	_ =	sfence.sel $0x180000  }
0x2c5: {  	[bflag:$0x0] =	sbarrier.arrive $0xFFFF  }
0x2c6: {  	_ =	strace $0x90000047  }
0x2c7: {  	s0 =	stileid.u32;
	[bflag:$0x2] =	sbarrier.arrive $0xFFFF  }
0x2c8: {  	p0 =	sne.s32 s0, $0x0;
	s0 =	rddreg [dreg:$0x3]  }
0x2c9: {  	s0 =	sadd.s32 @!p0 $0x100000, s0  }
0x2ca: {  	[sflag:s0] =	ssyncadd.tile.s32 @!p0 $0x1;
	_ =	shalt  }
.Lfunc_end2:
_tile_overlayer_lowered:
.L_overlay_start_2:
0x2cb: {  	(tag) =	ssettag $0x2  }
0x2cc: {  	s0 =	rddreg [dreg:$0x0];
	s2 =	stileid.u32  }
0x2cd: {  	s1 =	rddreg [dreg:$0x1];
	p0 =	sne.s32 s2, $0x0  }
0x2ce: {  	s3 =	rddreg [dreg:$0x2];
	[bflag:$0x3] =	sbarrier.arrive $0xFFFF;
	s2 =	simm.s32 @!p0 $0x1C04  }
0x2cf: {  	[timem:s3], [sflag:s2] =	dma.local @!p0 [hbm:s0], s1  }
0x2d0: {  	s0 =	simm.s32 @!p0 $0x4  }
0x2d1: {  	_ =	swait.ge @!p0 [sflag:s0], s1  }
0x2d2: {  	s1 =	ssub.s32 @!p0 $0x0, s1;
	[sflag:s0] =	ssyncset.done @!p0 $0x0  }
0x2d3: {  	[sflag:s0] =	ssyncadd.s32 @!p0 s1  }
0x2d4: {  	[bflag:$0x3] =	sbarrier.arrive $0xFFFF  }
0x2d5: {  	_ =	shalt  }

</sc_bundles>
